<compile_context>
chip_gen: v7x
topology: tpu7x:2x2x1
jax: 0.10.2.dev20260603
libtpu: 0.0.44.dev20260713+nightly
codegen_flags: <defaults>
</compile_context>

<pallas_src>
import dataclasses
import functools

import numpy as np
import jax
import jax.numpy as jnp
from jax import lax
from jax.experimental import pallas as pl
from jax.experimental.pallas import tpu as pltpu
from jax.experimental.pallas import tpu_sc as plsc

D = 768
NH = 12
HD = 64
DFF = 1024
E = 64
C = 80
EC = E * C
S = 2048
EPS = 1e-6
SENT = EC
QB = 256
NW = 32
HIGH = lax.Precision.HIGHEST
F32 = jnp.float32
I32 = jnp.int32


def _rope_tables():
    frac = np.arange(0, HD, 2, dtype=np.float32) / HD
    inv = 1.0 / (10000.0 ** frac)
    si = np.einsum("i,j->ij", np.arange(S, dtype=np.float32), inv)
    si = np.concatenate([si, si], axis=-1)
    return np.sin(si), np.cos(si)


_SIN_NP, _COS_NP = _rope_tables()
_TRIL_NP = np.tril(np.ones((S, S), np.float32))


def _rms(x, w):
    v = jnp.mean(x * x, axis=-1, keepdims=True)
    return x * lax.rsqrt(v + EPS) * w


def _nt(a, b, prec=None):
    return lax.dot_general(a, b, (((1,), (1,)), ((), ())),
                           precision=prec, preferred_element_type=F32)


def _nn(a, b, prec=None):
    return jnp.dot(a, b, precision=prec, preferred_element_type=F32)


def _nn_bf16(a, b):
    return jnp.dot(a.astype(jnp.bfloat16), b.astype(jnp.bfloat16),
                   preferred_element_type=F32)


def _sigmoid(x):
    return 1.0 / (1.0 + jnp.exp(-x))



def _k1_body(x_ref, ln1_ref, wq_ref, wk_ref, wv_ref, sin_ref, cos_ref,
             q_ref, k_ref, v_ref):
    xn = _rms(x_ref[...], ln1_ref[...])
    sin = sin_ref[...]
    cos = cos_ref[...]

    def rot(h64):
        rh = jnp.concatenate([-h64[:, HD // 2:], h64[:, :HD // 2]], axis=1)
        return h64 * cos + rh * sin

    q = _nt(xn, wq_ref[...])
    for h in range(NH):
        q_ref[0, h] = rot(q[:, h * HD:(h + 1) * HD])
    k = _nt(xn, wk_ref[...])
    for h in range(NH):
        k_ref[0, h] = rot(k[:, h * HD:(h + 1) * HD])
    v = _nt(xn, wv_ref[...])
    for h in range(NH):
        v_ref[0, h] = v[:, h * HD:(h + 1) * HD]


def _k1_call(x, ln1, wq, wk, wv, sin, cos):
    nb = S // QB
    shp = jax.ShapeDtypeStruct((nb, NH, QB, HD), F32)
    row = lambda i: (i, 0)
    full = lambda i: (0, 0)
    blk = pl.BlockSpec((1, NH, QB, HD), lambda i: (i, 0, 0, 0))
    return pl.pallas_call(
        _k1_body,
        grid=(nb,),
        in_specs=[
            pl.BlockSpec((QB, D), row),
            pl.BlockSpec((1, D), full),
            pl.BlockSpec((D, D), full),
            pl.BlockSpec((D, D), full),
            pl.BlockSpec((D, D), full),
            pl.BlockSpec((QB, HD), row),
            pl.BlockSpec((QB, HD), row),
        ],
        out_specs=(blk, blk, blk),
        out_shape=(shp, shp, shp),
    )(x, ln1, wq, wk, wv, sin, cos)



def _k2_call(q, k, v):
    nb = S // QB
    outs = []
    for qb in range(nb):
        kl = (qb + 1) * QB

        def body(q_ref, k_ref, v_ref, o_ref, qb=qb, kl=kl):
            kk = k_ref[...].reshape(kl, HD)
            vv = v_ref[...].reshape(kl, HD)
            s = _nt(q_ref[0, 0], kk)
            row = qb * QB + lax.broadcasted_iota(I32, (QB, kl), 0)
            col = lax.broadcasted_iota(I32, (QB, kl), 1)
            s = s + jnp.where(col <= row, 0.0, -1e9)
            p = jnp.exp(s)
            p = p / jnp.sum(p, axis=-1, keepdims=True)
            o_ref[0] = _nn(p, vv)

        out = pl.pallas_call(
            body,
            grid=(NH,),
            in_specs=[
                pl.BlockSpec((1, 1, QB, HD), lambda h, qb=qb: (qb, h, 0, 0)),
                pl.BlockSpec((qb + 1, 1, QB, HD), lambda h: (0, h, 0, 0)),
                pl.BlockSpec((qb + 1, 1, QB, HD), lambda h: (0, h, 0, 0)),
            ],
            out_specs=pl.BlockSpec((1, QB, HD), lambda h: (h, 0, 0)),
            out_shape=jax.ShapeDtypeStruct((NH, QB, HD), F32),
        )(q, k, v)
        outs.append(out)
    return jnp.concatenate(outs, axis=1)



def _k3a_body(a_ref, x_ref, wo_ref, ln2_ref, rw_ref,
              x1_ref, h2_ref, lg_ref):
    wo = wo_ref[...]
    acc = _nt(a_ref[0], wo[:, 0:HD])
    for h in range(1, NH):
        acc = acc + _nt(a_ref[h], wo[:, h * HD:(h + 1) * HD])
    x1 = x_ref[...] + acc
    h2 = _rms(x1, ln2_ref[...])
    x1_ref[...] = x1
    h2_ref[...] = h2
    lg_ref[...] = _nn(h2, rw_ref[...], prec=HIGH)


def _k3a_call(attn, x, wo, ln2, rw):
    nb = S // QB
    row = lambda i: (i, 0)
    full = lambda i: (0, 0)
    return pl.pallas_call(
        _k3a_body,
        grid=(nb,),
        in_specs=[
            pl.BlockSpec((NH, QB, HD), lambda i: (0, i, 0)),
            pl.BlockSpec((QB, D), row),
            pl.BlockSpec((D, D), full),
            pl.BlockSpec((1, D), full),
            pl.BlockSpec((D, E), full),
        ],
        out_specs=(pl.BlockSpec((QB, D), row), pl.BlockSpec((QB, D), row),
                   pl.BlockSpec((QB, E), row)),
        out_shape=(jax.ShapeDtypeStruct((S, D), F32),
                   jax.ShapeDtypeStruct((S, D), F32),
                   jax.ShapeDtypeStruct((S, E), F32)),
    )(attn, x, wo, ln2, rw)


def _k3b_body(lg_ref, L_ref,
              s1s_ref, s2s_ref, s1g_ref, s2g_ref, w1_ref, w2_ref):
    logits = lg_ref[...]
    z = logits - jnp.max(logits, axis=-1, keepdims=True)
    ez = jnp.exp(z)
    p = ez / jnp.sum(ez, axis=-1, keepdims=True)

    idx = lax.broadcasted_iota(I32, (S, E), 1)
    m1 = jnp.max(p, axis=-1, keepdims=True)
    top1 = jnp.min(jnp.where(p == m1, idx, E), axis=-1, keepdims=True)
    mask1 = (idx == top1).astype(F32)
    p2 = p * (1.0 - mask1)
    m2 = jnp.max(p2, axis=-1, keepdims=True)
    top2 = jnp.min(jnp.where(p2 == m2, idx, E), axis=-1, keepdims=True)
    mask2 = (idx == top2).astype(F32)

    L = L_ref[...]
    cs1 = jnp.dot(L, mask1.astype(jnp.bfloat16), preferred_element_type=F32)
    cs2 = jnp.dot(L, mask2.astype(jnp.bfloat16), preferred_element_type=F32)
    rank1 = cs1 - 1.0
    tot1 = lax.slice(cs1, (S - 1, 0), (S, E))
    rank2 = cs2 - 1.0 + tot1
    kept1 = jnp.where(rank1 < float(C), mask1, 0.0)
    kept2 = jnp.where(rank2 < float(C), mask2, 0.0)

    w1 = jnp.sum(p * kept1, axis=-1, keepdims=True)
    w2 = jnp.sum(p2 * kept2, axis=-1, keepdims=True)
    den = w1 + w2 + 1e-9
    w1_ref[...] = w1 / den
    w2_ref[...] = w2 / den

    pos1 = jnp.sum(rank1 * kept1, axis=-1, keepdims=True).astype(I32)
    pos2 = jnp.sum(rank2 * kept2, axis=-1, keepdims=True).astype(I32)
    any1 = jnp.sum(kept1, axis=-1, keepdims=True) > 0.0
    any2 = jnp.sum(kept2, axis=-1, keepdims=True) > 0.0
    slot1 = top1 * C + pos1
    slot2 = top2 * C + pos2
    s1s_ref[...] = jnp.where(any1, slot1, SENT)
    s2s_ref[...] = jnp.where(any2, slot2, SENT)
    s1g_ref[...] = jnp.where(any1, slot1, 0)
    s2g_ref[...] = jnp.where(any2, slot2, 0)


def _k3b_call(logits, L):
    col_i = jax.ShapeDtypeStruct((S, 1), I32)
    col_f = jax.ShapeDtypeStruct((S, 1), F32)
    return pl.pallas_call(
        _k3b_body,
        out_shape=(col_i, col_i, col_i, col_i, col_f, col_f),
    )(logits, L)



def _sc_params():
    cp = pltpu.CompilerParams()
    if "needs_layout_passes" in pltpu.CompilerParams.__dataclass_fields__:
        cp = dataclasses.replace(cp, needs_layout_passes=False)
    return cp


def _build_stt(s1s, s2s):
    mesh = plsc.VectorSubcoreMesh(core_axis_name="c", subcore_axis_name="s")

    @functools.partial(
        pl.kernel,
        out_type=jax.ShapeDtypeStruct((EC,), I32),
        mesh=mesh,
        compiler_params=_sc_params(),
        scratch_types=[
            pltpu.VMEM((S,), I32),
            pltpu.VMEM((S,), I32),
            pltpu.VMEM((EC,), I32),
        ],
    )
    def k(s1_hbm, s2_hbm, stt_hbm, s1_v, s2_v, stt_v):
        wid = lax.axis_index("s") * 2 + lax.axis_index("c")

        @pl.when(wid == 0)
        def _():
            pltpu.sync_copy(s1_hbm, s1_v)
            pltpu.sync_copy(s2_hbm, s2_v)

            @pl.loop(0, EC, step=16)
            def _(i):
                stt_v[pl.ds(i, 16)] = jnp.zeros((16,), I32)

            @pl.loop(0, S, step=16)
            def _(i):
                tok = lax.iota(I32, 16) + i
                i1 = s1_v[pl.ds(i, 16)]
                plsc.store_scatter(stt_v, [i1], tok, mask=i1 < EC)
                i2 = s2_v[pl.ds(i, 16)]
                plsc.store_scatter(stt_v, [i2], tok, mask=i2 < EC)

            pltpu.sync_copy(stt_v, stt_hbm)

    return k(s1s, s2s)



NG = 1
EG = E // NG
ECG = EG * C


def _dispatch_gather(h2, stt, lo):
    bpw = ECG // NW
    mesh = plsc.VectorSubcoreMesh(core_axis_name="c", subcore_axis_name="s")

    @functools.partial(
        pl.kernel,
        out_type=jax.ShapeDtypeStruct((ECG, D), F32),
        mesh=mesh,
        scratch_types=[
            pltpu.VMEM((bpw,), I32),
            pltpu.VMEM((bpw, D), F32),
            pltpu.SemaphoreType.DMA,
        ],
    )
    def k(h2_hbm, stt_hbm, out_hbm, idx_v, rows_v, sem):
        wid = lax.axis_index("s") * 2 + lax.axis_index("c")
        base = wid * bpw
        pltpu.sync_copy(stt_hbm.at[pl.ds(lo + base, bpw)], idx_v)
        pltpu.async_copy(h2_hbm.at[idx_v], rows_v, sem).wait()
        pltpu.sync_copy(rows_v, out_hbm.at[pl.ds(base, bpw)])

    return k(h2, stt)



def _k7_body(x_ref, wi_ref, wo_ref, o_ref):
    h = _nn_bf16(x_ref[0], wi_ref[0])
    a = h[:, :DFF]
    b = h[:, DFF:]
    act = a * (b * _sigmoid(b))
    o_ref[0] = _nn_bf16(act, wo_ref[0])


def _k7_call(xdisp_g, wi, wo, g0):
    return pl.pallas_call(
        _k7_body,
        grid=(EG,),
        in_specs=[
            pl.BlockSpec((1, C, D), lambda e: (e, 0, 0)),
            pl.BlockSpec((1, D, 2 * DFF), lambda e, g0=g0: (g0 + e, 0, 0)),
            pl.BlockSpec((1, DFF, D), lambda e, g0=g0: (g0 + e, 0, 0)),
        ],
        out_specs=pl.BlockSpec((1, C, D), lambda e: (e, 0, 0)),
        out_shape=jax.ShapeDtypeStruct((EG, C, D), F32),
    )(xdisp_g, wi, wo)



def _combine_gather(hexp, s1g, s2g):
    bpw = S // NW
    mesh = plsc.VectorSubcoreMesh(core_axis_name="c", subcore_axis_name="s")

    @functools.partial(
        pl.kernel,
        out_type=(jax.ShapeDtypeStruct((S, D), F32),
                  jax.ShapeDtypeStruct((S, D), F32)),
        mesh=mesh,
        scratch_types=[
            pltpu.VMEM((bpw,), I32),
            pltpu.VMEM((bpw, D), F32),
            pltpu.SemaphoreType.DMA,
        ],
    )
    def k(hexp_hbm, s1_hbm, s2_hbm, g1_hbm, g2_hbm, idx_v, rows_v, sem):
        wid = lax.axis_index("s") * 2 + lax.axis_index("c")
        base = wid * bpw
        pltpu.sync_copy(s1_hbm.at[pl.ds(base, bpw)], idx_v)
        pltpu.async_copy(hexp_hbm.at[idx_v], rows_v, sem).wait()
        pltpu.sync_copy(rows_v, g1_hbm.at[pl.ds(base, bpw)])
        pltpu.sync_copy(s2_hbm.at[pl.ds(base, bpw)], idx_v)
        pltpu.async_copy(hexp_hbm.at[idx_v], rows_v, sem).wait()
        pltpu.sync_copy(rows_v, g2_hbm.at[pl.ds(base, bpw)])

    return k(hexp, s1g, s2g)



def _k9_body(x1_ref, g1_ref, g2_ref, w1_ref, w2_ref, ln3_ref, wi_ref, wo_ref,
             o_ref):
    x2 = x1_ref[...] + w1_ref[...] * g1_ref[...] + w2_ref[...] * g2_ref[...]
    h = _rms(x2, ln3_ref[...])
    f = _nn_bf16(h, wi_ref[...])
    a = f[:, :DFF]
    b = f[:, DFF:]
    act = a * (b * _sigmoid(b))
    o_ref[...] = x2 + _nn_bf16(act, wo_ref[...])


def _k9_call(x1, g1, g2, w1, w2, ln3, wi, wo):
    nb = S // QB
    row = lambda i: (i, 0)
    return pl.pallas_call(
        _k9_body,
        grid=(nb,),
        in_specs=[
            pl.BlockSpec((QB, D), row),
            pl.BlockSpec((QB, D), row),
            pl.BlockSpec((QB, D), row),
            pl.BlockSpec((QB, 1), row),
            pl.BlockSpec((QB, 1), row),
            pl.BlockSpec((1, D), lambda i: (0, 0)),
            pl.BlockSpec((D, 2 * DFF), lambda i: (0, 0)),
            pl.BlockSpec((DFF, D), lambda i: (0, 0)),
        ],
        out_specs=pl.BlockSpec((QB, D), row),
        out_shape=jax.ShapeDtypeStruct((S, D), F32),
    )(x1, g1, g2, w1, w2, ln3, wi, wo)



def kernel(hidden_states, ln1_w, wq, wk, wv, wo_attn, ln2_w, router_w,
           expert_wi, expert_wo, ln3_w, mlp_wi, mlp_wo):
    x = hidden_states.reshape(S, D)
    sin = jnp.asarray(_SIN_NP, F32)
    cos = jnp.asarray(_COS_NP, F32)
    L = jnp.asarray(_TRIL_NP).astype(jnp.bfloat16)

    q, k, v = _k1_call(x, ln1_w.reshape(1, D), wq, wk, wv, sin, cos)
    attn = _k2_call(q, k, v)
    x1, h2, logits = _k3a_call(attn, x, wo_attn, ln2_w.reshape(1, D),
                               router_w)
    s1s, s2s, s1g, s2g, w1n, w2n = _k3b_call(logits, L)

    stt = _build_stt(s1s.reshape(S), s2s.reshape(S))
    hexp_parts = []
    for g in range(NG):
        xd = _dispatch_gather(h2, stt, g * ECG)
        hexp_parts.append(
            _k7_call(xd.reshape(EG, C, D), expert_wi, expert_wo, g * EG))
    hexp = jnp.concatenate(hexp_parts, axis=0)
    g1, g2 = _combine_gather(hexp.reshape(EC, D), s1g.reshape(S),
                             s2g.reshape(S))

    out = _k9_call(x1, g1, g2, w1n, w2n, ln3_w.reshape(1, D), mlp_wi, mlp_wo)
    return out.reshape(1, S, D)

# --- scband reference (transcript-rebuilt; emitter-appended) ---
"""Pipeline reference for scband-hfopen-moe-decoder-layer-64089501991567 (READ-ONLY COPY).

The authoritative reference and input builder live on the scoring server;
editing this copy changes nothing except your own understanding.
"""

import jax, jax.numpy as jnp
import numpy as np

HIDDEN = 768
HEADS = 12
HEAD_DIM = 64
KV_HEADS = 12
D_FF = 1024
E = 64
TOPK = 2
CAP_FACTOR = 1.25
MAXPOS = 2048
EPS = 1e-6

def _fixed_pos_embedding(features, length, min_ts=1.0, max_ts=10000.0):
    fraction = np.arange(0, features, 2, dtype=np.float32) / features
    timescale = min_ts * (max_ts / min_ts) ** fraction
    rot = 1.0 / timescale
    si = np.einsum('i,j->ij', np.arange(length, dtype=np.float32), rot)
    si = np.concatenate([si, si], axis=-1)
    return jnp.asarray(np.sin(si), jnp.float32), jnp.asarray(np.cos(si), jnp.float32)

_SIN, _COS = _fixed_pos_embedding(HEAD_DIM, MAXPOS)

def _rotate_half(x):
    h = x.shape[-1] // 2
    return jnp.concatenate([-x[..., h:], x[..., :h]], axis=-1)

def _apply_rotary(q, k):
    qlen = q.shape[1]; klen = k.shape[1]
    qcos = _COS[:qlen][None, :, None, :]; qsin = _SIN[:qlen][None, :, None, :]
    kcos = _COS[:klen][None, :, None, :]; ksin = _SIN[:klen][None, :, None, :]
    return q * qcos + _rotate_half(q) * qsin, k * kcos + _rotate_half(k) * ksin

def _rms_norm(x, w):
    v = jnp.mean(x.astype(jnp.float32) ** 2, axis=-1, keepdims=True)
    return (x.astype(jnp.float32) * jax.lax.rsqrt(v + EPS)).astype(x.dtype) * w

def _swiglu(x):
    x1, x2 = jnp.split(x, 2, axis=-1)
    return x1 * (x2 * jax.nn.sigmoid(x2))

def _attention(x, wq, wk, wv, wo):
    b, s, _ = x.shape
    q = (x @ wq.T).reshape(b, s, HEADS, HEAD_DIM)
    k = (x @ wk.T).reshape(b, s, KV_HEADS, HEAD_DIM)
    v = (x @ wv.T).reshape(b, s, KV_HEADS, HEAD_DIM)
    q, k = _apply_rotary(q, k)
    q = q.transpose(0, 2, 1, 3); k = k.transpose(0, 2, 1, 3); v = v.transpose(0, 2, 1, 3)
    aw = jnp.einsum('bhqd,bhkd->bhqk', q, k)
    mask = jnp.where(jnp.tril(jnp.ones((s, s), dtype=bool)), 0.0, -1e9).astype(aw.dtype)[None, None]
    aw = jax.nn.softmax((aw + mask).astype(jnp.float32), axis=-1).astype(x.dtype)
    out = jnp.einsum('bhqk,bhkd->bhqd', aw, v).transpose(0, 2, 1, 3).reshape(b, s, HEADS * HEAD_DIM)
    return out @ wo.T

def _sparse_mlp(x, router_w, wi, wo):
    b, s, d = x.shape
    tokens = x.reshape(-1, d)
    t = tokens.shape[0]
    capacity = max(int(TOPK * CAP_FACTOR * t / E), 4)
    logits = tokens @ router_w
    probs = jax.nn.softmax(logits.astype(jnp.float32), axis=-1)
    top1 = jnp.argmax(probs, axis=-1)
    mask1 = jax.nn.one_hot(top1, E, dtype=jnp.float32)
    probs2 = probs * (1.0 - mask1)
    top2 = jnp.argmax(probs2, axis=-1)
    mask2 = jax.nn.one_hot(top2, E, dtype=jnp.float32)
    rank1 = jnp.cumsum(mask1, axis=0) - 1.0
    rank2 = jnp.cumsum(mask2, axis=0) - 1.0 + jnp.sum(mask1, axis=0, keepdims=True)
    mask1 = mask1 * (rank1 < capacity)
    mask2 = mask2 * (rank2 < capacity)
    w1 = jnp.sum(probs * mask1, axis=-1)
    w2 = jnp.sum(probs2 * mask2, axis=-1)
    denom = w1 + w2 + 1e-9
    w1 = w1 / denom; w2 = w2 / denom
    pos1 = jnp.sum(rank1 * mask1, axis=-1).astype(jnp.int32)
    pos2 = jnp.sum(rank2 * mask2, axis=-1).astype(jnp.int32)
    cb1 = w1[:, None, None] * mask1[:, :, None] * jax.nn.one_hot(pos1, capacity, dtype=jnp.float32)[:, None, :]
    cb2 = w2[:, None, None] * mask2[:, :, None] * jax.nn.one_hot(pos2, capacity, dtype=jnp.float32)[:, None, :]
    combine = cb1 + cb2
    dispatch = (combine > 0.0).astype(tokens.dtype)
    disp = jnp.einsum('tec,td->ecd', dispatch, tokens)
    h = jnp.einsum('ecd,edf->ecf', disp, wi)
    h = _swiglu(h)
    h = jnp.einsum('ecf,efd->ecd', h, wo)
    out = jnp.einsum('tec,ecd->td', combine.astype(tokens.dtype), h)
    return out.reshape(b, s, d)

def _dense_mlp(x, wi, wo):
    return _swiglu(x @ wi) @ wo

def _decoder_layer(hidden_states, ln1_w, wq, wk, wv, wo_attn, ln2_w, router_w, expert_wi, expert_wo, ln3_w, mlp_wi, mlp_wo):
    residual = hidden_states
    h = _rms_norm(hidden_states, ln1_w)
    h = _attention(h, wq, wk, wv, wo_attn)
    x = residual + h
    residual = x
    h = _rms_norm(x, ln2_w)
    h = _sparse_mlp(h, router_w, expert_wi, expert_wo)
    x = residual + h
    residual = x
    h = _rms_norm(x, ln3_w)
    h = _dense_mlp(h, mlp_wi, mlp_wo)
    return residual + h

def setup_inputs(seed: int = 0):
    key = jax.random.key(seed)
    ks = jax.random.split(key, 10)
    B, S = 1, 2048
    return {
        'hidden_states': jax.random.normal(ks[0], (B, S, HIDDEN), jnp.float32),
        'ln1_w': jnp.ones((HIDDEN,), jnp.float32),
        'wq': jax.random.normal(ks[1], (HEADS * HEAD_DIM, HIDDEN), jnp.float32) * 0.02,
        'wk': jax.random.normal(ks[2], (KV_HEADS * HEAD_DIM, HIDDEN), jnp.float32) * 0.02,
        'wv': jax.random.normal(ks[3], (KV_HEADS * HEAD_DIM, HIDDEN), jnp.float32) * 0.02,
        'wo_attn': jax.random.normal(ks[4], (HIDDEN, HEADS * HEAD_DIM), jnp.float32) * 0.02,
        'ln2_w': jnp.ones((HIDDEN,), jnp.float32),
        'router_w': jax.random.normal(ks[5], (HIDDEN, E), jnp.float32) * 0.02,
        'expert_wi': jax.random.normal(ks[6], (E, HIDDEN, 2 * D_FF), jnp.float32) * 0.02,
        'expert_wo': jax.random.normal(ks[7], (E, D_FF, HIDDEN), jnp.float32) * 0.02,
        'ln3_w': jnp.ones((HIDDEN,), jnp.float32),
        'mlp_wi': jax.random.normal(ks[8], (HIDDEN, 2 * D_FF), jnp.float32) * 0.02,
        'mlp_wo': jax.random.normal(ks[9], (D_FF, HIDDEN), jnp.float32) * 0.02,
    }

def reference(hidden_states, ln1_w, wq, wk, wv, wo_attn, ln2_w, router_w, expert_wi, expert_wo, ln3_w, mlp_wi, mlp_wo):
    return _decoder_layer(hidden_states, ln1_w, wq, wk, wv, wo_attn, ln2_w, router_w, expert_wi, expert_wo, ln3_w, mlp_wi, mlp_wo)

if __name__ == "__main__":
    import jax
    _d = setup_inputs()
    print(jax.jit(kernel)(*tuple(_d.values())))

</pallas_src>

<mosaic_0001>
#map = affine_map<(d0, d1) -> (0)>
module attributes {stable_mosaic.version = 14 : i64} {
  func.func @k(%arg0: i32, %arg1: i32, %arg2: memref<2048xi32, #tpu.memory_space<hbm>>, %arg3: memref<2048xi32, #tpu.memory_space<hbm>>, %arg4: memref<5120xi32, #tpu.memory_space<hbm>>, %arg5: memref<2048xi32, #tpu.memory_space<vmem>>, %arg6: memref<2048xi32, #tpu.memory_space<vmem>>, %arg7: memref<5120xi32, #tpu.memory_space<vmem>>) attributes {dimension_semantics = [#tpu.dimension_semantics<core_parallel>, #tpu.dimension_semantics<subcore_parallel>], iteration_bounds = array<i64: 2, 16>, scalar_prefetch = 0 : i64, scratch_operands = 3 : i64, tpu.core_type = #tpu.core_type<sc_vector_subcore>, window_params = [{transform_indices = #map}, {transform_indices = #map}, {transform_indices = #map}]} {
    %mul3A = arith.constant 2 : i32
    %mul3A_0 = arith.muli %arg1, %mul3A : i32
    %add3A = arith.addi %mul3A_0, %arg0 : i32
    %eq3A = arith.constant 0 : i32
    %eq3A_1 = arith.cmpi eq, %add3A, %eq3A : i32
    %convert_element_type3A = arith.extui %eq3A_1 : i1 to i32
    %cond3A = arith.constant 0 : i32
    %cond3A_2 = arith.cmpi ne, %convert_element_type3A, %cond3A : i32
    scf.if %cond3A_2 {
      "tpu.region"() ({
        %run_scoped3A = tpu.sem_alloc : memref<!tpu.dma_semaphore, #tpu.memory_space<semaphore_mem>>
        tpu.enqueue_dma source(%arg2 : memref<2048xi32, #tpu.memory_space<hbm>>) target(%arg5 : memref<2048xi32, #tpu.memory_space<vmem>>) target_semaphore(%run_scoped3A : memref<!tpu.dma_semaphore, #tpu.memory_space<semaphore_mem>>)
        tpu.wait_dma2 semaphore(%run_scoped3A : memref<!tpu.dma_semaphore, #tpu.memory_space<semaphore_mem>>) src(%arg2 : memref<2048xi32, #tpu.memory_space<hbm>>) dst(%arg5 : memref<2048xi32, #tpu.memory_space<vmem>>)
        tpu.yield
      }) : () -> ()
      "tpu.region"() ({
        %run_scoped3A = tpu.sem_alloc : memref<!tpu.dma_semaphore, #tpu.memory_space<semaphore_mem>>
        tpu.enqueue_dma source(%arg3 : memref<2048xi32, #tpu.memory_space<hbm>>) target(%arg6 : memref<2048xi32, #tpu.memory_space<vmem>>) target_semaphore(%run_scoped3A : memref<!tpu.dma_semaphore, #tpu.memory_space<semaphore_mem>>)
        tpu.wait_dma2 semaphore(%run_scoped3A : memref<!tpu.dma_semaphore, #tpu.memory_space<semaphore_mem>>) src(%arg3 : memref<2048xi32, #tpu.memory_space<hbm>>) dst(%arg6 : memref<2048xi32, #tpu.memory_space<vmem>>)
        tpu.yield
      }) : () -> ()
      %scan3A = arith.constant 0 : i32
      %scan3A_3 = arith.constant 320 : i32
      %scan3A_4 = arith.addi %scan3A, %scan3A_3 : i32
      %scan3A_5 = arith.constant 1 : i32
      scf.for %scan3A_12 = %scan3A to %scan3A_4 step %scan3A_5  : i32 {
        %mul3A_13 = arith.constant 16 : i32
        %mul3A_14 = arith.muli %scan3A_12, %mul3A_13 : i32
        %add3A_15 = arith.constant 0 : i32
        %add3A_16 = arith.addi %add3A_15, %mul3A_14 : i32
        %broadcast_in_dim3A = arith.constant 0 : i32
        %broadcast_in_dim3A_17 = vector.broadcast %broadcast_in_dim3A : i32 to vector<16xi32>
        %swap3A = arith.index_cast %add3A_16 : i32 to index
        %swap3A_18 = tpu.vector_load %arg7[%swap3A] {strides = array<i32>} : memref<5120xi32, #tpu.memory_space<vmem>>, vector<16xi32>,
        tpu.vector_store %arg7[%swap3A], %broadcast_in_dim3A_17 {strides = array<i32>} : memref<5120xi32, #tpu.memory_space<vmem>>, vector<16xi32>,
      }
      %scan3A_6 = arith.constant 320 : i32
      %scan3A_7 = arith.constant 0 : i32
      %scan3A_8 = arith.constant 128 : i32
      %scan3A_9 = arith.addi %scan3A_7, %scan3A_8 : i32
      %scan3A_10 = arith.constant 1 : i32
      scf.for %scan3A_12 = %scan3A_7 to %scan3A_9 step %scan3A_10  : i32 {
        %mul3A_13 = arith.constant 16 : i32
        %mul3A_14 = arith.muli %scan3A_12, %mul3A_13 : i32
        %add3A_15 = arith.constant 0 : i32
        %add3A_16 = arith.addi %add3A_15, %mul3A_14 : i32
        %iota3A = tpu.iota {dimensions = array<i32: 0>} : vector<16xi32>
        %add3A_17 = vector.broadcast %add3A_16 : i32 to vector<16xi32>
        %add3A_18 = arith.addi %iota3A, %add3A_17 : vector<16xi32>
        %get3A = arith.index_cast %add3A_16 : i32 to index
        %get3A_19 = tpu.vector_load %arg5[%get3A] {strides = array<i32>} : memref<2048xi32, #tpu.memory_space<vmem>>, vector<16xi32>,
        %lt3A = arith.constant 5120 : i32
        %lt3A_20 = vector.broadcast %lt3A : i32 to vector<16xi32>
        %lt3A_21 = arith.cmpi slt, %get3A_19, %lt3A_20 : vector<16xi32>
        tpu.vector_store_idx %arg7[%get3A_19], %add3A_18 masked %lt3A_21 : memref<5120xi32, #tpu.memory_space<vmem>>[vector<16xi32>], vector<16xi32>, vector<16xi1>
        %get3A_22 = arith.index_cast %add3A_16 : i32 to index
        %get3A_23 = tpu.vector_load %arg6[%get3A_22] {strides = array<i32>} : memref<2048xi32, #tpu.memory_space<vmem>>, vector<16xi32>,
        %lt3A_24 = arith.constant 5120 : i32
        %lt3A_25 = vector.broadcast %lt3A_24 : i32 to vector<16xi32>
        %lt3A_26 = arith.cmpi slt, %get3A_23, %lt3A_25 : vector<16xi32>
        tpu.vector_store_idx %arg7[%get3A_23], %add3A_18 masked %lt3A_26 : memref<5120xi32, #tpu.memory_space<vmem>>[vector<16xi32>], vector<16xi32>, vector<16xi1>
      }
      %scan3A_11 = arith.constant 128 : i32
      "tpu.region"() ({
        %run_scoped3A = tpu.sem_alloc : memref<!tpu.dma_semaphore, #tpu.memory_space<semaphore_mem>>
        tpu.enqueue_dma source(%arg7 : memref<5120xi32, #tpu.memory_space<vmem>>) target(%arg4 : memref<5120xi32, #tpu.memory_space<hbm>>) target_semaphore(%run_scoped3A : memref<!tpu.dma_semaphore, #tpu.memory_space<semaphore_mem>>)
        tpu.wait_dma2 semaphore(%run_scoped3A : memref<!tpu.dma_semaphore, #tpu.memory_space<semaphore_mem>>) src(%arg7 : memref<5120xi32, #tpu.memory_space<vmem>>) dst(%arg4 : memref<5120xi32, #tpu.memory_space<hbm>>)
        tpu.yield
      }) : () -> ()
    } else {
    }
    return
  }
}

#map = affine_map<(d0, d1) -> (0, 0)>
#map1 = affine_map<(d0, d1) -> (0)>
module attributes {stable_mosaic.version = 14 : i64} {
  func.func @k(%arg0: i32, %arg1: i32, %arg2: memref<2048x768xf32, #tpu.memory_space<hbm>>, %arg3: memref<5120xi32, #tpu.memory_space<hbm>>, %arg4: memref<5120x768xf32, #tpu.memory_space<hbm>>, %arg5: memref<160xi32, #tpu.memory_space<vmem>>, %arg6: memref<160x768xf32, #tpu.memory_space<vmem>>, %arg7: memref<!tpu.dma_semaphore, #tpu.memory_space<semaphore_mem>>) attributes {dimension_semantics = [#tpu.dimension_semantics<core_parallel>, #tpu.dimension_semantics<subcore_parallel>], iteration_bounds = array<i64: 2, 16>, scalar_prefetch = 0 : i64, scratch_operands = 3 : i64, tpu.core_type = #tpu.core_type<sc_vector_subcore>, window_params = [{transform_indices = #map}, {transform_indices = #map1}, {transform_indices = #map}]} {
    %mul3A = arith.constant 2 : i32
    %mul3A_0 = arith.muli %arg1, %mul3A : i32
    %add3A = arith.addi %mul3A_0, %arg0 : i32
    %mul3A_1 = arith.constant 160 : i32
    %mul3A_2 = arith.muli %add3A, %mul3A_1 : i32
    %add3A_3 = arith.constant 0 : i32
    %add3A_4 = arith.addi %add3A_3, %mul3A_2 : i32
    "tpu.region"() ({
      %run_scoped3A = tpu.sem_alloc : memref<!tpu.dma_semaphore, #tpu.memory_space<semaphore_mem>>
      %dma_start3A_9 = tpu.memref_slice %arg3[%add3A_4] : memref<5120xi32, #tpu.memory_space<hbm>> -> memref<160xi32, #tpu.memory_space<hbm>>
      %dma_start3A_10 = tpu.memref_slice %arg3[%add3A_4] : memref<5120xi32, #tpu.memory_space<hbm>> -> memref<160xi32, #tpu.memory_space<hbm>>
      tpu.enqueue_dma source(%dma_start3A_10 : memref<160xi32, #tpu.memory_space<hbm>>) target(%arg5 : memref<160xi32, #tpu.memory_space<vmem>>) target_semaphore(%run_scoped3A : memref<!tpu.dma_semaphore, #tpu.memory_space<semaphore_mem>>)
      %dma_wait3A_11 = tpu.memref_slice %arg3[%add3A_4] : memref<5120xi32, #tpu.memory_space<hbm>> -> memref<160xi32, #tpu.memory_space<hbm>>
      %dma_wait3A_12 = tpu.memref_slice %arg3[%add3A_4] : memref<5120xi32, #tpu.memory_space<hbm>> -> memref<160xi32, #tpu.memory_space<hbm>>
      tpu.wait_dma2 semaphore(%run_scoped3A : memref<!tpu.dma_semaphore, #tpu.memory_space<semaphore_mem>>) src(%dma_wait3A_12 : memref<160xi32, #tpu.memory_space<hbm>>) dst(%arg5 : memref<160xi32, #tpu.memory_space<vmem>>)
      tpu.yield
    }) : () -> ()
    %dma_start3A = arith.constant 0 : i32
    %dma_start3A_5 = arith.constant 0 : i32
    %dma_start3A_6 = tpu.memref_slice %arg2[%dma_start3A, %dma_start3A_5] : memref<2048x768xf32, #tpu.memory_space<hbm>> -> memref<2048x768xf32, #tpu.memory_space<hbm>>
    tpu.enqueue_indirect_dma source(%dma_start3A_6 : memref<2048x768xf32, #tpu.memory_space<hbm>>) target(%arg6 : memref<160x768xf32, #tpu.memory_space<vmem>>) offsets(%arg5 : memref<160xi32, #tpu.memory_space<vmem>>) semaphore(%arg7 : memref<!tpu.dma_semaphore, #tpu.memory_space<semaphore_mem>>)
    %dma_wait3A = arith.constant 0 : i32
    %dma_wait3A_7 = arith.constant 0 : i32
    %dma_wait3A_8 = tpu.memref_slice %arg2[%dma_wait3A, %dma_wait3A_7] : memref<2048x768xf32, #tpu.memory_space<hbm>> -> memref<2048x768xf32, #tpu.memory_space<hbm>>
    tpu.wait_indirect_dma semaphore(%arg7 : memref<!tpu.dma_semaphore, #tpu.memory_space<semaphore_mem>>) src(%dma_wait3A_8 : memref<2048x768xf32, #tpu.memory_space<hbm>>) dst(%arg6 : memref<160x768xf32, #tpu.memory_space<vmem>>)
    "tpu.region"() ({
      %run_scoped3A = tpu.sem_alloc : memref<!tpu.dma_semaphore, #tpu.memory_space<semaphore_mem>>
      %dma_start3A_9 = arith.constant 0 : i32
      %dma_start3A_10 = tpu.memref_slice %arg4[%mul3A_2, %dma_start3A_9] : memref<5120x768xf32, #tpu.memory_space<hbm>> -> memref<160x768xf32, #tpu.memory_space<hbm>>
      %dma_start3A_11 = arith.constant 0 : i32
      %dma_start3A_12 = tpu.memref_slice %arg4[%mul3A_2, %dma_start3A_11] : memref<5120x768xf32, #tpu.memory_space<hbm>> -> memref<160x768xf32, #tpu.memory_space<hbm>>
      tpu.enqueue_dma source(%arg6 : memref<160x768xf32, #tpu.memory_space<vmem>>) target(%dma_start3A_12 : memref<160x768xf32, #tpu.memory_space<hbm>>) target_semaphore(%run_scoped3A : memref<!tpu.dma_semaphore, #tpu.memory_space<semaphore_mem>>)
      %dma_wait3A_13 = arith.constant 0 : i32
      %dma_wait3A_14 = tpu.memref_slice %arg4[%mul3A_2, %dma_wait3A_13] : memref<5120x768xf32, #tpu.memory_space<hbm>> -> memref<160x768xf32, #tpu.memory_space<hbm>>
      %dma_wait3A_15 = arith.constant 0 : i32
      %dma_wait3A_16 = tpu.memref_slice %arg4[%mul3A_2, %dma_wait3A_15] : memref<5120x768xf32, #tpu.memory_space<hbm>> -> memref<160x768xf32, #tpu.memory_space<hbm>>
      tpu.wait_dma2 semaphore(%run_scoped3A : memref<!tpu.dma_semaphore, #tpu.memory_space<semaphore_mem>>) src(%arg6 : memref<160x768xf32, #tpu.memory_space<vmem>>) dst(%dma_wait3A_16 : memref<160x768xf32, #tpu.memory_space<hbm>>)
      tpu.yield
    }) : () -> ()
    return
  }
}

#map = affine_map<(d0, d1) -> (0, 0)>
#map1 = affine_map<(d0, d1) -> (0)>
module attributes {stable_mosaic.version = 14 : i64} {
  func.func @k(%arg0: i32, %arg1: i32, %arg2: memref<5120x768xf32, #tpu.memory_space<hbm>>, %arg3: memref<2048xi32, #tpu.memory_space<hbm>>, %arg4: memref<2048xi32, #tpu.memory_space<hbm>>, %arg5: memref<2048x768xf32, #tpu.memory_space<hbm>>, %arg6: memref<2048x768xf32, #tpu.memory_space<hbm>>, %arg7: memref<64xi32, #tpu.memory_space<vmem>>, %arg8: memref<64x768xf32, #tpu.memory_space<vmem>>, %arg9: memref<!tpu.dma_semaphore, #tpu.memory_space<semaphore_mem>>) attributes {dimension_semantics = [#tpu.dimension_semantics<core_parallel>, #tpu.dimension_semantics<subcore_parallel>], iteration_bounds = array<i64: 2, 16>, scalar_prefetch = 0 : i64, scratch_operands = 3 : i64, tpu.core_type = #tpu.core_type<sc_vector_subcore>, window_params = [{transform_indices = #map}, {transform_indices = #map1}, {transform_indices = #map1}, {transform_indices = #map}, {transform_indices = #map}]} {
    %mul3A = arith.constant 2 : i32
    %mul3A_0 = arith.muli %arg1, %mul3A : i32
    %add3A = arith.addi %mul3A_0, %arg0 : i32
    %mul3A_1 = arith.constant 64 : i32
    %mul3A_2 = arith.muli %add3A, %mul3A_1 : i32
    "tpu.region"() ({
      %run_scoped3A = tpu.sem_alloc : memref<!tpu.dma_semaphore, #tpu.memory_space<semaphore_mem>>
      %dma_start3A_13 = tpu.memref_slice %arg3[%mul3A_2] : memref<2048xi32, #tpu.memory_space<hbm>> -> memref<64xi32, #tpu.memory_space<hbm>>
      %dma_start3A_14 = tpu.memref_slice %arg3[%mul3A_2] : memref<2048xi32, #tpu.memory_space<hbm>> -> memref<64xi32, #tpu.memory_space<hbm>>
      tpu.enqueue_dma source(%dma_start3A_14 : memref<64xi32, #tpu.memory_space<hbm>>) target(%arg7 : memref<64xi32, #tpu.memory_space<vmem>>) target_semaphore(%run_scoped3A : memref<!tpu.dma_semaphore, #tpu.memory_space<semaphore_mem>>)
      %dma_wait3A_15 = tpu.memref_slice %arg3[%mul3A_2] : memref<2048xi32, #tpu.memory_space<hbm>> -> memref<64xi32, #tpu.memory_space<hbm>>
      %dma_wait3A_16 = tpu.memref_slice %arg3[%mul3A_2] : memref<2048xi32, #tpu.memory_space<hbm>> -> memref<64xi32, #tpu.memory_space<hbm>>
      tpu.wait_dma2 semaphore(%run_scoped3A : memref<!tpu.dma_semaphore, #tpu.memory_space<semaphore_mem>>) src(%dma_wait3A_16 : memref<64xi32, #tpu.memory_space<hbm>>) dst(%arg7 : memref<64xi32, #tpu.memory_space<vmem>>)
      tpu.yield
    }) : () -> ()
    %dma_start3A = arith.constant 0 : i32
    %dma_start3A_3 = arith.constant 0 : i32
    %dma_start3A_4 = tpu.memref_slice %arg2[%dma_start3A, %dma_start3A_3] : memref<5120x768xf32, #tpu.memory_space<hbm>> -> memref<5120x768xf32, #tpu.memory_space<hbm>>
    tpu.enqueue_indirect_dma source(%dma_start3A_4 : memref<5120x768xf32, #tpu.memory_space<hbm>>) target(%arg8 : memref<64x768xf32, #tpu.memory_space<vmem>>) offsets(%arg7 : memref<64xi32, #tpu.memory_space<vmem>>) semaphore(%arg9 : memref<!tpu.dma_semaphore, #tpu.memory_space<semaphore_mem>>)
    %dma_wait3A = arith.constant 0 : i32
    %dma_wait3A_5 = arith.constant 0 : i32
    %dma_wait3A_6 = tpu.memref_slice %arg2[%dma_wait3A, %dma_wait3A_5] : memref<5120x768xf32, #tpu.memory_space<hbm>> -> memref<5120x768xf32, #tpu.memory_space<hbm>>
    tpu.wait_indirect_dma semaphore(%arg9 : memref<!tpu.dma_semaphore, #tpu.memory_space<semaphore_mem>>) src(%dma_wait3A_6 : memref<5120x768xf32, #tpu.memory_space<hbm>>) dst(%arg8 : memref<64x768xf32, #tpu.memory_space<vmem>>)
    "tpu.region"() ({
      %run_scoped3A = tpu.sem_alloc : memref<!tpu.dma_semaphore, #tpu.memory_space<semaphore_mem>>
      %dma_start3A_13 = arith.constant 0 : i32
      %dma_start3A_14 = tpu.memref_slice %arg5[%mul3A_2, %dma_start3A_13] : memref<2048x768xf32, #tpu.memory_space<hbm>> -> memref<64x768xf32, #tpu.memory_space<hbm>>
      %dma_start3A_15 = arith.constant 0 : i32
      %dma_start3A_16 = tpu.memref_slice %arg5[%mul3A_2, %dma_start3A_15] : memref<2048x768xf32, #tpu.memory_space<hbm>> -> memref<64x768xf32, #tpu.memory_space<hbm>>
      tpu.enqueue_dma source(%arg8 : memref<64x768xf32, #tpu.memory_space<vmem>>) target(%dma_start3A_16 : memref<64x768xf32, #tpu.memory_space<hbm>>) target_semaphore(%run_scoped3A : memref<!tpu.dma_semaphore, #tpu.memory_space<semaphore_mem>>)
      %dma_wait3A_17 = arith.constant 0 : i32
      %dma_wait3A_18 = tpu.memref_slice %arg5[%mul3A_2, %dma_wait3A_17] : memref<2048x768xf32, #tpu.memory_space<hbm>> -> memref<64x768xf32, #tpu.memory_space<hbm>>
      %dma_wait3A_19 = arith.constant 0 : i32
      %dma_wait3A_20 = tpu.memref_slice %arg5[%mul3A_2, %dma_wait3A_19] : memref<2048x768xf32, #tpu.memory_space<hbm>> -> memref<64x768xf32, #tpu.memory_space<hbm>>
      tpu.wait_dma2 semaphore(%run_scoped3A : memref<!tpu.dma_semaphore, #tpu.memory_space<semaphore_mem>>) src(%arg8 : memref<64x768xf32, #tpu.memory_space<vmem>>) dst(%dma_wait3A_20 : memref<64x768xf32, #tpu.memory_space<hbm>>)
      tpu.yield
    }) : () -> ()
    "tpu.region"() ({
      %run_scoped3A = tpu.sem_alloc : memref<!tpu.dma_semaphore, #tpu.memory_space<semaphore_mem>>
      %dma_start3A_13 = tpu.memref_slice %arg4[%mul3A_2] : memref<2048xi32, #tpu.memory_space<hbm>> -> memref<64xi32, #tpu.memory_space<hbm>>
      %dma_start3A_14 = tpu.memref_slice %arg4[%mul3A_2] : memref<2048xi32, #tpu.memory_space<hbm>> -> memref<64xi32, #tpu.memory_space<hbm>>
      tpu.enqueue_dma source(%dma_start3A_14 : memref<64xi32, #tpu.memory_space<hbm>>) target(%arg7 : memref<64xi32, #tpu.memory_space<vmem>>) target_semaphore(%run_scoped3A : memref<!tpu.dma_semaphore, #tpu.memory_space<semaphore_mem>>)
      %dma_wait3A_15 = tpu.memref_slice %arg4[%mul3A_2] : memref<2048xi32, #tpu.memory_space<hbm>> -> memref<64xi32, #tpu.memory_space<hbm>>
      %dma_wait3A_16 = tpu.memref_slice %arg4[%mul3A_2] : memref<2048xi32, #tpu.memory_space<hbm>> -> memref<64xi32, #tpu.memory_space<hbm>>
      tpu.wait_dma2 semaphore(%run_scoped3A : memref<!tpu.dma_semaphore, #tpu.memory_space<semaphore_mem>>) src(%dma_wait3A_16 : memref<64xi32, #tpu.memory_space<hbm>>) dst(%arg7 : memref<64xi32, #tpu.memory_space<vmem>>)
      tpu.yield
    }) : () -> ()
    %dma_start3A_7 = arith.constant 0 : i32
    %dma_start3A_8 = arith.constant 0 : i32
    %dma_start3A_9 = tpu.memref_slice %arg2[%dma_start3A_7, %dma_start3A_8] : memref<5120x768xf32, #tpu.memory_space<hbm>> -> memref<5120x768xf32, #tpu.memory_space<hbm>>
    tpu.enqueue_indirect_dma source(%dma_start3A_9 : memref<5120x768xf32, #tpu.memory_space<hbm>>) target(%arg8 : memref<64x768xf32, #tpu.memory_space<vmem>>) offsets(%arg7 : memref<64xi32, #tpu.memory_space<vmem>>) semaphore(%arg9 : memref<!tpu.dma_semaphore, #tpu.memory_space<semaphore_mem>>)
    %dma_wait3A_10 = arith.constant 0 : i32
    %dma_wait3A_11 = arith.constant 0 : i32
    %dma_wait3A_12 = tpu.memref_slice %arg2[%dma_wait3A_10, %dma_wait3A_11] : memref<5120x768xf32, #tpu.memory_space<hbm>> -> memref<5120x768xf32, #tpu.memory_space<hbm>>
    tpu.wait_indirect_dma semaphore(%arg9 : memref<!tpu.dma_semaphore, #tpu.memory_space<semaphore_mem>>) src(%dma_wait3A_12 : memref<5120x768xf32, #tpu.memory_space<hbm>>) dst(%arg8 : memref<64x768xf32, #tpu.memory_space<vmem>>)
    "tpu.region"() ({
      %run_scoped3A = tpu.sem_alloc : memref<!tpu.dma_semaphore, #tpu.memory_space<semaphore_mem>>
      %dma_start3A_13 = arith.constant 0 : i32
      %dma_start3A_14 = tpu.memref_slice %arg6[%mul3A_2, %dma_start3A_13] : memref<2048x768xf32, #tpu.memory_space<hbm>> -> memref<64x768xf32, #tpu.memory_space<hbm>>
      %dma_start3A_15 = arith.constant 0 : i32
      %dma_start3A_16 = tpu.memref_slice %arg6[%mul3A_2, %dma_start3A_15] : memref<2048x768xf32, #tpu.memory_space<hbm>> -> memref<64x768xf32, #tpu.memory_space<hbm>>
      tpu.enqueue_dma source(%arg8 : memref<64x768xf32, #tpu.memory_space<vmem>>) target(%dma_start3A_16 : memref<64x768xf32, #tpu.memory_space<hbm>>) target_semaphore(%run_scoped3A : memref<!tpu.dma_semaphore, #tpu.memory_space<semaphore_mem>>)
      %dma_wait3A_17 = arith.constant 0 : i32
      %dma_wait3A_18 = tpu.memref_slice %arg6[%mul3A_2, %dma_wait3A_17] : memref<2048x768xf32, #tpu.memory_space<hbm>> -> memref<64x768xf32, #tpu.memory_space<hbm>>
      %dma_wait3A_19 = arith.constant 0 : i32
      %dma_wait3A_20 = tpu.memref_slice %arg6[%mul3A_2, %dma_wait3A_19] : memref<2048x768xf32, #tpu.memory_space<hbm>> -> memref<64x768xf32, #tpu.memory_space<hbm>>
      tpu.wait_dma2 semaphore(%run_scoped3A : memref<!tpu.dma_semaphore, #tpu.memory_space<semaphore_mem>>) src(%arg8 : memref<64x768xf32, #tpu.memory_space<vmem>>) dst(%dma_wait3A_20 : memref<64x768xf32, #tpu.memory_space<hbm>>)
      tpu.yield
    }) : () -> ()
    return
  }
}

module attributes {stable_mosaic.version = 14 : i64} {
  func.func @body(%arg0: i32, %arg1: memref<1x1x256x64xf32, #tpu.memory_space<vmem>>, %arg2: memref<7x1x256x64xf32, #tpu.memory_space<vmem>>, %arg3: memref<7x1x256x64xf32, #tpu.memory_space<vmem>>, %arg4: memref<1x256x64xf32, #tpu.memory_space<vmem>>) attributes {dimension_semantics = [#tpu.dimension_semantics<arbitrary>], iteration_bounds = array<i64: 12>, scalar_prefetch = 0 : i64, scratch_operands = 0 : i64, tpu.core_type = #tpu.core_type<tc>, window_params = [{transform_indices = @transform_0, window_bounds = array<i64: 1, 1, 256, 64>}, {transform_indices = @transform_1, window_bounds = array<i64: 7, 1, 256, 64>}, {transform_indices = @transform_2, window_bounds = array<i64: 7, 1, 256, 64>}, {transform_indices = @transform_3, window_bounds = array<i64: 1, 256, 64>}]} {
    %get3A = arith.constant 0 : index
    %get3A_0 = arith.constant 0 : index
    %get3A_1 = arith.constant 0 : index
    %get3A_2 = arith.constant 0 : index
    %get3A_3 = vector.load %arg2[%get3A, %get3A_0, %get3A_1, %get3A_2] : memref<7x1x256x64xf32, #tpu.memory_space<vmem>>, vector<7x1x256x64xf32>
    %reshape3A = vector.shape_cast %get3A_3 : vector<7x1x256x64xf32> to vector<1792x64xf32>
    %get3A_4 = arith.constant 0 : index
    %get3A_5 = arith.constant 0 : index
    %get3A_6 = arith.constant 0 : index
    %get3A_7 = arith.constant 0 : index
    %get3A_8 = vector.load %arg3[%get3A_4, %get3A_5, %get3A_6, %get3A_7] : memref<7x1x256x64xf32, #tpu.memory_space<vmem>>, vector<7x1x256x64xf32>
    %reshape3A_9 = vector.shape_cast %get3A_8 : vector<7x1x256x64xf32> to vector<1792x64xf32>
    %get3A_10 = arith.constant 0 : index
    %get3A_11 = arith.constant 0 : index
    %get3A_12 = arith.constant 0 : index
    %get3A_13 = arith.constant 0 : index
    %get3A_14 = vector.load %arg1[%get3A_10, %get3A_11, %get3A_12, %get3A_13] : memref<1x1x256x64xf32, #tpu.memory_space<vmem>>, vector<1x1x256x64xf32>
    %get3A_15 = vector.shape_cast %get3A_14 : vector<1x1x256x64xf32> to vector<256x64xf32>
    %dot_general3A = arith.constant dense<0.000000e+00> : vector<256x1792xf32>
    %dot_general3A_16 = tpu.matmul %get3A_15, %reshape3A, %dot_general3A {dimension_numbers = #tpu.dot_dimension_numbers<[1], [1], [0], [0], [0, 0, 1, 0], [], []>, transpose_lhs_hint = false} : vector<256x64xf32>, vector<1792x64xf32>, vector<256x1792xf32> -> vector<256x1792xf32>
    %iota3A = tpu.iota {dimensions = array<i32: 0>} : vector<256x1792xi32>
    %add3A = arith.constant 1536 : i32
    %add3A_17 = vector.broadcast %add3A : i32 to vector<256x1792xi32>
    %add3A_18 = arith.addi %add3A_17, %iota3A : vector<256x1792xi32>
    %iota3A_19 = tpu.iota {dimensions = array<i32: 1>} : vector<256x1792xi32>
    %le3A = arith.cmpi sle, %iota3A_19, %add3A_18 : vector<256x1792xi32>
    %jit3A = arith.constant 0.000000e+00 : f32
    %jit3A_20 = arith.constant -1.000000e+09 : f32
    %broadcast_in_dim3A = vector.broadcast %jit3A : f32 to vector<256x1792xf32>
    %broadcast_in_dim3A_21 = vector.broadcast %jit3A_20 : f32 to vector<256x1792xf32>
    %select_n3A = arith.select %le3A, %broadcast_in_dim3A, %broadcast_in_dim3A_21 : vector<256x1792xi1>, vector<256x1792xf32>
    %add3A_22 = arith.addf %dot_general3A_16, %select_n3A : vector<256x1792xf32>
    %exp3A = math.exp %add3A_22 : vector<256x1792xf32>
    %reduce_sum3A = arith.constant dense<0.000000e+00> : vector<256xf32>
    %reduce_sum3A_23 = vector.multi_reduction <add>, %exp3A, %reduce_sum3A [1] : vector<256x1792xf32> to vector<256xf32>
    %broadcast_in_dim3A_24 = vector.shape_cast %reduce_sum3A_23 : vector<256xf32> to vector<256x1xf32>
    %div3A = vector.broadcast %broadcast_in_dim3A_24 : vector<256x1xf32> to vector<256x1792xf32>
    %div3A_25 = arith.divf %exp3A, %div3A : vector<256x1792xf32>
    %dot_general3A_26 = arith.constant dense<0.000000e+00> : vector<256x64xf32>
    %dot_general3A_27 = tpu.matmul %div3A_25, %reshape3A_9, %dot_general3A_26 {dimension_numbers = #tpu.dot_dimension_numbers<[1], [0], [0], [1], [0, 0, 1, 1], [], []>, transpose_lhs_hint = false} : vector<256x1792xf32>, vector<1792x64xf32>, vector<256x64xf32> -> vector<256x64xf32>
    %swap3A = arith.constant 0 : index
    %swap3A_28 = arith.constant 0 : index
    %swap3A_29 = arith.constant 0 : index
    %swap3A_30 = vector.load %arg4[%swap3A, %swap3A_28, %swap3A_29] : memref<1x256x64xf32, #tpu.memory_space<vmem>>, vector<1x256x64xf32>
    %swap3A_31 = vector.shape_cast %swap3A_30 : vector<1x256x64xf32> to vector<256x64xf32>
    %swap3A_32 = vector.shape_cast %dot_general3A_27 : vector<256x64xf32> to vector<1x256x64xf32>
    tpu.vector_store %arg4[%swap3A, %swap3A_28, %swap3A_29], %swap3A_32 {strides = array<i32>} : memref<1x256x64xf32, #tpu.memory_space<vmem>>, vector<1x256x64xf32>,
    return
  }
  func.func @transform_0(%arg0: i32) -> (i32, i32, i32, i32) {
    %c6_i32 = arith.constant 6 : i32
    %c0_i32 = arith.constant 0 : i32
    %c0_i32_0 = arith.constant 0 : i32
    %c0_i32_1 = arith.constant 0 : i32
    return %c6_i32, %arg0, %c0_i32, %c0_i32_0 : i32, i32, i32, i32
  }
  func.func @transform_1(%arg0: i32) -> (i32, i32, i32, i32) {
    %c0_i32 = arith.constant 0 : i32
    %c0_i32_0 = arith.constant 0 : i32
    %c0_i32_1 = arith.constant 0 : i32
    %c0_i32_2 = arith.constant 0 : i32
    return %c0_i32, %arg0, %c0_i32_0, %c0_i32_1 : i32, i32, i32, i32
  }
  func.func @transform_2(%arg0: i32) -> (i32, i32, i32, i32) {
    %c0_i32 = arith.constant 0 : i32
    %c0_i32_0 = arith.constant 0 : i32
    %c0_i32_1 = arith.constant 0 : i32
    %c0_i32_2 = arith.constant 0 : i32
    return %c0_i32, %arg0, %c0_i32_0, %c0_i32_1 : i32, i32, i32, i32
  }
  func.func @transform_3(%arg0: i32) -> (i32, i32, i32) {
    %c0_i32 = arith.constant 0 : i32
    %c0_i32_0 = arith.constant 0 : i32
    %c0_i32_1 = arith.constant 0 : i32
    return %arg0, %c0_i32, %c0_i32_0 : i32, i32, i32
  }
}

module attributes {stable_mosaic.version = 14 : i64} {
  func.func @body(%arg0: i32, %arg1: memref<1x1x256x64xf32, #tpu.memory_space<vmem>>, %arg2: memref<6x1x256x64xf32, #tpu.memory_space<vmem>>, %arg3: memref<6x1x256x64xf32, #tpu.memory_space<vmem>>, %arg4: memref<1x256x64xf32, #tpu.memory_space<vmem>>) attributes {dimension_semantics = [#tpu.dimension_semantics<arbitrary>], iteration_bounds = array<i64: 12>, scalar_prefetch = 0 : i64, scratch_operands = 0 : i64, tpu.core_type = #tpu.core_type<tc>, window_params = [{transform_indices = @transform_0, window_bounds = array<i64: 1, 1, 256, 64>}, {transform_indices = @transform_1, window_bounds = array<i64: 6, 1, 256, 64>}, {transform_indices = @transform_2, window_bounds = array<i64: 6, 1, 256, 64>}, {transform_indices = @transform_3, window_bounds = array<i64: 1, 256, 64>}]} {
    %get3A = arith.constant 0 : index
    %get3A_0 = arith.constant 0 : index
    %get3A_1 = arith.constant 0 : index
    %get3A_2 = arith.constant 0 : index
    %get3A_3 = vector.load %arg2[%get3A, %get3A_0, %get3A_1, %get3A_2] : memref<6x1x256x64xf32, #tpu.memory_space<vmem>>, vector<6x1x256x64xf32>
    %reshape3A = vector.shape_cast %get3A_3 : vector<6x1x256x64xf32> to vector<1536x64xf32>
    %get3A_4 = arith.constant 0 : index
    %get3A_5 = arith.constant 0 : index
    %get3A_6 = arith.constant 0 : index
    %get3A_7 = arith.constant 0 : index
    %get3A_8 = vector.load %arg3[%get3A_4, %get3A_5, %get3A_6, %get3A_7] : memref<6x1x256x64xf32, #tpu.memory_space<vmem>>, vector<6x1x256x64xf32>
    %reshape3A_9 = vector.shape_cast %get3A_8 : vector<6x1x256x64xf32> to vector<1536x64xf32>
    %get3A_10 = arith.constant 0 : index
    %get3A_11 = arith.constant 0 : index
    %get3A_12 = arith.constant 0 : index
    %get3A_13 = arith.constant 0 : index
    %get3A_14 = vector.load %arg1[%get3A_10, %get3A_11, %get3A_12, %get3A_13] : memref<1x1x256x64xf32, #tpu.memory_space<vmem>>, vector<1x1x256x64xf32>
    %get3A_15 = vector.shape_cast %get3A_14 : vector<1x1x256x64xf32> to vector<256x64xf32>
    %dot_general3A = arith.constant dense<0.000000e+00> : vector<256x1536xf32>
    %dot_general3A_16 = tpu.matmul %get3A_15, %reshape3A, %dot_general3A {dimension_numbers = #tpu.dot_dimension_numbers<[1], [1], [0], [0], [0, 0, 1, 0], [], []>, transpose_lhs_hint = false} : vector<256x64xf32>, vector<1536x64xf32>, vector<256x1536xf32> -> vector<256x1536xf32>
    %iota3A = tpu.iota {dimensions = array<i32: 0>} : vector<256x1536xi32>
    %add3A = arith.constant 1280 : i32
    %add3A_17 = vector.broadcast %add3A : i32 to vector<256x1536xi32>
    %add3A_18 = arith.addi %add3A_17, %iota3A : vector<256x1536xi32>
    %iota3A_19 = tpu.iota {dimensions = array<i32: 1>} : vector<256x1536xi32>
    %le3A = arith.cmpi sle, %iota3A_19, %add3A_18 : vector<256x1536xi32>
    %jit3A = arith.constant 0.000000e+00 : f32
    %jit3A_20 = arith.constant -1.000000e+09 : f32
    %broadcast_in_dim3A = vector.broadcast %jit3A : f32 to vector<256x1536xf32>
    %broadcast_in_dim3A_21 = vector.broadcast %jit3A_20 : f32 to vector<256x1536xf32>
    %select_n3A = arith.select %le3A, %broadcast_in_dim3A, %broadcast_in_dim3A_21 : vector<256x1536xi1>, vector<256x1536xf32>
    %add3A_22 = arith.addf %dot_general3A_16, %select_n3A : vector<256x1536xf32>
    %exp3A = math.exp %add3A_22 : vector<256x1536xf32>
    %reduce_sum3A = arith.constant dense<0.000000e+00> : vector<256xf32>
    %reduce_sum3A_23 = vector.multi_reduction <add>, %exp3A, %reduce_sum3A [1] : vector<256x1536xf32> to vector<256xf32>
    %broadcast_in_dim3A_24 = vector.shape_cast %reduce_sum3A_23 : vector<256xf32> to vector<256x1xf32>
    %div3A = vector.broadcast %broadcast_in_dim3A_24 : vector<256x1xf32> to vector<256x1536xf32>
    %div3A_25 = arith.divf %exp3A, %div3A : vector<256x1536xf32>
    %dot_general3A_26 = arith.constant dense<0.000000e+00> : vector<256x64xf32>
    %dot_general3A_27 = tpu.matmul %div3A_25, %reshape3A_9, %dot_general3A_26 {dimension_numbers = #tpu.dot_dimension_numbers<[1], [0], [0], [1], [0, 0, 1, 1], [], []>, transpose_lhs_hint = false} : vector<256x1536xf32>, vector<1536x64xf32>, vector<256x64xf32> -> vector<256x64xf32>
    %swap3A = arith.constant 0 : index
    %swap3A_28 = arith.constant 0 : index
    %swap3A_29 = arith.constant 0 : index
    %swap3A_30 = vector.load %arg4[%swap3A, %swap3A_28, %swap3A_29] : memref<1x256x64xf32, #tpu.memory_space<vmem>>, vector<1x256x64xf32>
    %swap3A_31 = vector.shape_cast %swap3A_30 : vector<1x256x64xf32> to vector<256x64xf32>
    %swap3A_32 = vector.shape_cast %dot_general3A_27 : vector<256x64xf32> to vector<1x256x64xf32>
    tpu.vector_store %arg4[%swap3A, %swap3A_28, %swap3A_29], %swap3A_32 {strides = array<i32>} : memref<1x256x64xf32, #tpu.memory_space<vmem>>, vector<1x256x64xf32>,
    return
  }
  func.func @transform_0(%arg0: i32) -> (i32, i32, i32, i32) {
    %c5_i32 = arith.constant 5 : i32
    %c0_i32 = arith.constant 0 : i32
    %c0_i32_0 = arith.constant 0 : i32
    %c0_i32_1 = arith.constant 0 : i32
    return %c5_i32, %arg0, %c0_i32, %c0_i32_0 : i32, i32, i32, i32
  }
  func.func @transform_1(%arg0: i32) -> (i32, i32, i32, i32) {
    %c0_i32 = arith.constant 0 : i32
    %c0_i32_0 = arith.constant 0 : i32
    %c0_i32_1 = arith.constant 0 : i32
    %c0_i32_2 = arith.constant 0 : i32
    return %c0_i32, %arg0, %c0_i32_0, %c0_i32_1 : i32, i32, i32, i32
  }
  func.func @transform_2(%arg0: i32) -> (i32, i32, i32, i32) {
    %c0_i32 = arith.constant 0 : i32
    %c0_i32_0 = arith.constant 0 : i32
    %c0_i32_1 = arith.constant 0 : i32
    %c0_i32_2 = arith.constant 0 : i32
    return %c0_i32, %arg0, %c0_i32_0, %c0_i32_1 : i32, i32, i32, i32
  }
  func.func @transform_3(%arg0: i32) -> (i32, i32, i32) {
    %c0_i32 = arith.constant 0 : i32
    %c0_i32_0 = arith.constant 0 : i32
    %c0_i32_1 = arith.constant 0 : i32
    return %arg0, %c0_i32, %c0_i32_0 : i32, i32, i32
  }
}

module attributes {stable_mosaic.version = 14 : i64} {
  func.func @_k1_body(%arg0: i32, %arg1: memref<256x768xf32, #tpu.memory_space<vmem>>, %arg2: memref<1x768xf32, #tpu.memory_space<vmem>>, %arg3: memref<768x768xf32, #tpu.memory_space<vmem>>, %arg4: memref<768x768xf32, #tpu.memory_space<vmem>>, %arg5: memref<768x768xf32, #tpu.memory_space<vmem>>, %arg6: memref<256x64xf32, #tpu.memory_space<vmem>>, %arg7: memref<256x64xf32, #tpu.memory_space<vmem>>, %arg8: memref<1x12x256x64xf32, #tpu.memory_space<vmem>>, %arg9: memref<1x12x256x64xf32, #tpu.memory_space<vmem>>, %arg10: memref<1x12x256x64xf32, #tpu.memory_space<vmem>>) attributes {dimension_semantics = [#tpu.dimension_semantics<arbitrary>], iteration_bounds = array<i64: 8>, scalar_prefetch = 0 : i64, scratch_operands = 0 : i64, tpu.core_type = #tpu.core_type<tc>, window_params = [{transform_indices = @transform_0, window_bounds = array<i64: 256, 768>}, {pipeline_mode = #tpu.pipeline_mode<synchronous>, transform_indices = @transform_1, window_bounds = array<i64: 1, 768>}, {pipeline_mode = #tpu.pipeline_mode<synchronous>, transform_indices = @transform_2, window_bounds = array<i64: 768, 768>}, {pipeline_mode = #tpu.pipeline_mode<synchronous>, transform_indices = @transform_3, window_bounds = array<i64: 768, 768>}, {pipeline_mode = #tpu.pipeline_mode<synchronous>, transform_indices = @transform_4, window_bounds = array<i64: 768, 768>}, {transform_indices = @transform_5, window_bounds = array<i64: 256, 64>}, {transform_indices = @transform_6, window_bounds = array<i64: 256, 64>}, {transform_indices = @transform_7, window_bounds = array<i64: 1, 12, 256, 64>}, {transform_indices = @transform_8, window_bounds = array<i64: 1, 12, 256, 64>}, {transform_indices = @transform_9, window_bounds = array<i64: 1, 12, 256, 64>}]} {
    %get3A = arith.constant 0 : index
    %get3A_0 = arith.constant 0 : index
    %get3A_1 = vector.load %arg1[%get3A, %get3A_0] : memref<256x768xf32, #tpu.memory_space<vmem>>, vector<256x768xf32>
    %get3A_2 = arith.constant 0 : index
    %get3A_3 = arith.constant 0 : index
    %get3A_4 = vector.load %arg2[%get3A_2, %get3A_3] : memref<1x768xf32, #tpu.memory_space<vmem>>, vector<1x768xf32>
    %mul3A = arith.mulf %get3A_1, %get3A_1 : vector<256x768xf32>
    %reduce_sum3A = arith.constant dense<0.000000e+00> : vector<256xf32>
    %reduce_sum3A_5 = vector.multi_reduction <add>, %mul3A, %reduce_sum3A [1] : vector<256x768xf32> to vector<256xf32>
    %broadcast_in_dim3A = vector.shape_cast %reduce_sum3A_5 : vector<256xf32> to vector<256x1xf32>
    %div3A = arith.constant 7.680000e+02 : f32
    %div3A_6 = vector.broadcast %div3A : f32 to vector<256x1xf32>
    %div3A_7 = arith.divf %broadcast_in_dim3A, %div3A_6 : vector<256x1xf32>
    %add3A = arith.constant 9.99999997E-7 : f32
    %add3A_8 = vector.broadcast %add3A : f32 to vector<256x1xf32>
    %add3A_9 = arith.addf %div3A_7, %add3A_8 : vector<256x1xf32>
    %rsqrt3A = math.rsqrt %add3A_9 : vector<256x1xf32>
    %mul3A_10 = vector.broadcast %rsqrt3A : vector<256x1xf32> to vector<256x768xf32>
    %mul3A_11 = arith.mulf %get3A_1, %mul3A_10 : vector<256x768xf32>
    %mul3A_12 = vector.broadcast %get3A_4 : vector<1x768xf32> to vector<256x768xf32>
    %mul3A_13 = arith.mulf %mul3A_11, %mul3A_12 : vector<256x768xf32>
    %get3A_14 = arith.constant 0 : index
    %get3A_15 = arith.constant 0 : index
    %get3A_16 = vector.load %arg6[%get3A_14, %get3A_15] : memref<256x64xf32, #tpu.memory_space<vmem>>, vector<256x64xf32>
    %get3A_17 = arith.constant 0 : index
    %get3A_18 = arith.constant 0 : index
    %get3A_19 = vector.load %arg7[%get3A_17, %get3A_18] : memref<256x64xf32, #tpu.memory_space<vmem>>, vector<256x64xf32>
    %get3A_20 = arith.constant 0 : index
    %get3A_21 = arith.constant 0 : index
    %get3A_22 = vector.load %arg3[%get3A_20, %get3A_21] : memref<768x768xf32, #tpu.memory_space<vmem>>, vector<768x768xf32>
    %dot_general3A = arith.constant dense<0.000000e+00> : vector<256x768xf32>
    %dot_general3A_23 = tpu.matmul %mul3A_13, %get3A_22, %dot_general3A {dimension_numbers = #tpu.dot_dimension_numbers<[1], [1], [0], [0], [0, 0, 1, 0], [], []>, transpose_lhs_hint = false} : vector<256x768xf32>, vector<768x768xf32>, vector<256x768xf32> -> vector<256x768xf32>
    %slice3A = vector.extract_strided_slice %dot_general3A_23 {offsets = [0, 0], sizes = [256, 64], strides = [1, 1]} : vector<256x768xf32> to vector<256x64xf32>
    %slice3A_24 = vector.extract_strided_slice %slice3A {offsets = [0, 32], sizes = [256, 32], strides = [1, 1]} : vector<256x64xf32> to vector<256x32xf32>
    %neg3A = arith.constant 0.000000e+00 : f32
    %neg3A_25 = vector.broadcast %neg3A : f32 to vector<256x32xf32>
    %neg3A_26 = arith.subf %neg3A_25, %slice3A_24 : vector<256x32xf32>
    %slice3A_27 = vector.extract_strided_slice %slice3A {offsets = [0, 0], sizes = [256, 32], strides = [1, 1]} : vector<256x64xf32> to vector<256x32xf32>
    %concatenate3A = tpu.concatenate %neg3A_26, %slice3A_27 in 1 : vector<256x32xf32>, vector<256x32xf32> -> vector<256x64xf32>
    %mul3A_28 = arith.mulf %slice3A, %get3A_19 : vector<256x64xf32>
    %mul3A_29 = arith.mulf %concatenate3A, %get3A_16 : vector<256x64xf32>
    %add3A_30 = arith.addf %mul3A_28, %mul3A_29 : vector<256x64xf32>
    %swap3A = arith.constant 0 : index
    %swap3A_31 = arith.constant 0 : index
    %swap3A_32 = arith.constant 0 : index
    %swap3A_33 = arith.constant 0 : index
    %swap3A_34 = vector.load %arg8[%swap3A, %swap3A_31, %swap3A_32, %swap3A_33] : memref<1x12x256x64xf32, #tpu.memory_space<vmem>>, vector<1x1x256x64xf32>
    %swap3A_35 = vector.shape_cast %swap3A_34 : vector<1x1x256x64xf32> to vector<256x64xf32>
    %swap3A_36 = vector.shape_cast %add3A_30 : vector<256x64xf32> to vector<1x1x256x64xf32>
    tpu.vector_store %arg8[%swap3A, %swap3A_31, %swap3A_32, %swap3A_33], %swap3A_36 {strides = array<i32>} : memref<1x12x256x64xf32, #tpu.memory_space<vmem>>, vector<1x1x256x64xf32>,
    %slice3A_37 = vector.extract_strided_slice %dot_general3A_23 {offsets = [0, 64], sizes = [256, 64], strides = [1, 1]} : vector<256x768xf32> to vector<256x64xf32>
    %slice3A_38 = vector.extract_strided_slice %slice3A_37 {offsets = [0, 32], sizes = [256, 32], strides = [1, 1]} : vector<256x64xf32> to vector<256x32xf32>
    %neg3A_39 = arith.constant 0.000000e+00 : f32
    %neg3A_40 = vector.broadcast %neg3A_39 : f32 to vector<256x32xf32>
    %neg3A_41 = arith.subf %neg3A_40, %slice3A_38 : vector<256x32xf32>
    %slice3A_42 = vector.extract_strided_slice %slice3A_37 {offsets = [0, 0], sizes = [256, 32], strides = [1, 1]} : vector<256x64xf32> to vector<256x32xf32>
    %concatenate3A_43 = tpu.concatenate %neg3A_41, %slice3A_42 in 1 : vector<256x32xf32>, vector<256x32xf32> -> vector<256x64xf32>
    %mul3A_44 = arith.mulf %slice3A_37, %get3A_19 : vector<256x64xf32>
    %mul3A_45 = arith.mulf %concatenate3A_43, %get3A_16 : vector<256x64xf32>
    %add3A_46 = arith.addf %mul3A_44, %mul3A_45 : vector<256x64xf32>
    %swap3A_47 = arith.constant 0 : index
    %swap3A_48 = arith.constant 1 : index
    %swap3A_49 = arith.constant 0 : index
    %swap3A_50 = arith.constant 0 : index
    %swap3A_51 = vector.load %arg8[%swap3A_47, %swap3A_48, %swap3A_49, %swap3A_50] : memref<1x12x256x64xf32, #tpu.memory_space<vmem>>, vector<1x1x256x64xf32>
    %swap3A_52 = vector.shape_cast %swap3A_51 : vector<1x1x256x64xf32> to vector<256x64xf32>
    %swap3A_53 = vector.shape_cast %add3A_46 : vector<256x64xf32> to vector<1x1x256x64xf32>
    tpu.vector_store %arg8[%swap3A_47, %swap3A_48, %swap3A_49, %swap3A_50], %swap3A_53 {strides = array<i32>} : memref<1x12x256x64xf32, #tpu.memory_space<vmem>>, vector<1x1x256x64xf32>,
    %slice3A_54 = vector.extract_strided_slice %dot_general3A_23 {offsets = [0, 128], sizes = [256, 64], strides = [1, 1]} : vector<256x768xf32> to vector<256x64xf32>
    %slice3A_55 = vector.extract_strided_slice %slice3A_54 {offsets = [0, 32], sizes = [256, 32], strides = [1, 1]} : vector<256x64xf32> to vector<256x32xf32>
    %neg3A_56 = arith.constant 0.000000e+00 : f32
    %neg3A_57 = vector.broadcast %neg3A_56 : f32 to vector<256x32xf32>
    %neg3A_58 = arith.subf %neg3A_57, %slice3A_55 : vector<256x32xf32>
    %slice3A_59 = vector.extract_strided_slice %slice3A_54 {offsets = [0, 0], sizes = [256, 32], strides = [1, 1]} : vector<256x64xf32> to vector<256x32xf32>
    %concatenate3A_60 = tpu.concatenate %neg3A_58, %slice3A_59 in 1 : vector<256x32xf32>, vector<256x32xf32> -> vector<256x64xf32>
    %mul3A_61 = arith.mulf %slice3A_54, %get3A_19 : vector<256x64xf32>
    %mul3A_62 = arith.mulf %concatenate3A_60, %get3A_16 : vector<256x64xf32>
    %add3A_63 = arith.addf %mul3A_61, %mul3A_62 : vector<256x64xf32>
    %swap3A_64 = arith.constant 0 : index
    %swap3A_65 = arith.constant 2 : index
    %swap3A_66 = arith.constant 0 : index
    %swap3A_67 = arith.constant 0 : index
    %swap3A_68 = vector.load %arg8[%swap3A_64, %swap3A_65, %swap3A_66, %swap3A_67] : memref<1x12x256x64xf32, #tpu.memory_space<vmem>>, vector<1x1x256x64xf32>
    %swap3A_69 = vector.shape_cast %swap3A_68 : vector<1x1x256x64xf32> to vector<256x64xf32>
    %swap3A_70 = vector.shape_cast %add3A_63 : vector<256x64xf32> to vector<1x1x256x64xf32>
    tpu.vector_store %arg8[%swap3A_64, %swap3A_65, %swap3A_66, %swap3A_67], %swap3A_70 {strides = array<i32>} : memref<1x12x256x64xf32, #tpu.memory_space<vmem>>, vector<1x1x256x64xf32>,
    %slice3A_71 = vector.extract_strided_slice %dot_general3A_23 {offsets = [0, 192], sizes = [256, 64], strides = [1, 1]} : vector<256x768xf32> to vector<256x64xf32>
    %slice3A_72 = vector.extract_strided_slice %slice3A_71 {offsets = [0, 32], sizes = [256, 32], strides = [1, 1]} : vector<256x64xf32> to vector<256x32xf32>
    %neg3A_73 = arith.constant 0.000000e+00 : f32
    %neg3A_74 = vector.broadcast %neg3A_73 : f32 to vector<256x32xf32>
    %neg3A_75 = arith.subf %neg3A_74, %slice3A_72 : vector<256x32xf32>
    %slice3A_76 = vector.extract_strided_slice %slice3A_71 {offsets = [0, 0], sizes = [256, 32], strides = [1, 1]} : vector<256x64xf32> to vector<256x32xf32>
    %concatenate3A_77 = tpu.concatenate %neg3A_75, %slice3A_76 in 1 : vector<256x32xf32>, vector<256x32xf32> -> vector<256x64xf32>
    %mul3A_78 = arith.mulf %slice3A_71, %get3A_19 : vector<256x64xf32>
    %mul3A_79 = arith.mulf %concatenate3A_77, %get3A_16 : vector<256x64xf32>
    %add3A_80 = arith.addf %mul3A_78, %mul3A_79 : vector<256x64xf32>
    %swap3A_81 = arith.constant 0 : index
    %swap3A_82 = arith.constant 3 : index
    %swap3A_83 = arith.constant 0 : index
    %swap3A_84 = arith.constant 0 : index
    %swap3A_85 = vector.load %arg8[%swap3A_81, %swap3A_82, %swap3A_83, %swap3A_84] : memref<1x12x256x64xf32, #tpu.memory_space<vmem>>, vector<1x1x256x64xf32>
    %swap3A_86 = vector.shape_cast %swap3A_85 : vector<1x1x256x64xf32> to vector<256x64xf32>
    %swap3A_87 = vector.shape_cast %add3A_80 : vector<256x64xf32> to vector<1x1x256x64xf32>
    tpu.vector_store %arg8[%swap3A_81, %swap3A_82, %swap3A_83, %swap3A_84], %swap3A_87 {strides = array<i32>} : memref<1x12x256x64xf32, #tpu.memory_space<vmem>>, vector<1x1x256x64xf32>,
    %slice3A_88 = vector.extract_strided_slice %dot_general3A_23 {offsets = [0, 256], sizes = [256, 64], strides = [1, 1]} : vector<256x768xf32> to vector<256x64xf32>
    %slice3A_89 = vector.extract_strided_slice %slice3A_88 {offsets = [0, 32], sizes = [256, 32], strides = [1, 1]} : vector<256x64xf32> to vector<256x32xf32>
    %neg3A_90 = arith.constant 0.000000e+00 : f32
    %neg3A_91 = vector.broadcast %neg3A_90 : f32 to vector<256x32xf32>
    %neg3A_92 = arith.subf %neg3A_91, %slice3A_89 : vector<256x32xf32>
    %slice3A_93 = vector.extract_strided_slice %slice3A_88 {offsets = [0, 0], sizes = [256, 32], strides = [1, 1]} : vector<256x64xf32> to vector<256x32xf32>
    %concatenate3A_94 = tpu.concatenate %neg3A_92, %slice3A_93 in 1 : vector<256x32xf32>, vector<256x32xf32> -> vector<256x64xf32>
    %mul3A_95 = arith.mulf %slice3A_88, %get3A_19 : vector<256x64xf32>
    %mul3A_96 = arith.mulf %concatenate3A_94, %get3A_16 : vector<256x64xf32>
    %add3A_97 = arith.addf %mul3A_95, %mul3A_96 : vector<256x64xf32>
    %swap3A_98 = arith.constant 0 : index
    %swap3A_99 = arith.constant 4 : index
    %swap3A_100 = arith.constant 0 : index
    %swap3A_101 = arith.constant 0 : index
    %swap3A_102 = vector.load %arg8[%swap3A_98, %swap3A_99, %swap3A_100, %swap3A_101] : memref<1x12x256x64xf32, #tpu.memory_space<vmem>>, vector<1x1x256x64xf32>
    %swap3A_103 = vector.shape_cast %swap3A_102 : vector<1x1x256x64xf32> to vector<256x64xf32>
    %swap3A_104 = vector.shape_cast %add3A_97 : vector<256x64xf32> to vector<1x1x256x64xf32>
    tpu.vector_store %arg8[%swap3A_98, %swap3A_99, %swap3A_100, %swap3A_101], %swap3A_104 {strides = array<i32>} : memref<1x12x256x64xf32, #tpu.memory_space<vmem>>, vector<1x1x256x64xf32>,
    %slice3A_105 = vector.extract_strided_slice %dot_general3A_23 {offsets = [0, 320], sizes = [256, 64], strides = [1, 1]} : vector<256x768xf32> to vector<256x64xf32>
    %slice3A_106 = vector.extract_strided_slice %slice3A_105 {offsets = [0, 32], sizes = [256, 32], strides = [1, 1]} : vector<256x64xf32> to vector<256x32xf32>
    %neg3A_107 = arith.constant 0.000000e+00 : f32
    %neg3A_108 = vector.broadcast %neg3A_107 : f32 to vector<256x32xf32>
    %neg3A_109 = arith.subf %neg3A_108, %slice3A_106 : vector<256x32xf32>
    %slice3A_110 = vector.extract_strided_slice %slice3A_105 {offsets = [0, 0], sizes = [256, 32], strides = [1, 1]} : vector<256x64xf32> to vector<256x32xf32>
    %concatenate3A_111 = tpu.concatenate %neg3A_109, %slice3A_110 in 1 : vector<256x32xf32>, vector<256x32xf32> -> vector<256x64xf32>
    %mul3A_112 = arith.mulf %slice3A_105, %get3A_19 : vector<256x64xf32>
    %mul3A_113 = arith.mulf %concatenate3A_111, %get3A_16 : vector<256x64xf32>
    %add3A_114 = arith.addf %mul3A_112, %mul3A_113 : vector<256x64xf32>
    %swap3A_115 = arith.constant 0 : index
    %swap3A_116 = arith.constant 5 : index
    %swap3A_117 = arith.constant 0 : index
    %swap3A_118 = arith.constant 0 : index
    %swap3A_119 = vector.load %arg8[%swap3A_115, %swap3A_116, %swap3A_117, %swap3A_118] : memref<1x12x256x64xf32, #tpu.memory_space<vmem>>, vector<1x1x256x64xf32>
    %swap3A_120 = vector.shape_cast %swap3A_119 : vector<1x1x256x64xf32> to vector<256x64xf32>
    %swap3A_121 = vector.shape_cast %add3A_114 : vector<256x64xf32> to vector<1x1x256x64xf32>
    tpu.vector_store %arg8[%swap3A_115, %swap3A_116, %swap3A_117, %swap3A_118], %swap3A_121 {strides = array<i32>} : memref<1x12x256x64xf32, #tpu.memory_space<vmem>>, vector<1x1x256x64xf32>,
    %slice3A_122 = vector.extract_strided_slice %dot_general3A_23 {offsets = [0, 384], sizes = [256, 64], strides = [1, 1]} : vector<256x768xf32> to vector<256x64xf32>
    %slice3A_123 = vector.extract_strided_slice %slice3A_122 {offsets = [0, 32], sizes = [256, 32], strides = [1, 1]} : vector<256x64xf32> to vector<256x32xf32>
    %neg3A_124 = arith.constant 0.000000e+00 : f32
    %neg3A_125 = vector.broadcast %neg3A_124 : f32 to vector<256x32xf32>
    %neg3A_126 = arith.subf %neg3A_125, %slice3A_123 : vector<256x32xf32>
    %slice3A_127 = vector.extract_strided_slice %slice3A_122 {offsets = [0, 0], sizes = [256, 32], strides = [1, 1]} : vector<256x64xf32> to vector<256x32xf32>
    %concatenate3A_128 = tpu.concatenate %neg3A_126, %slice3A_127 in 1 : vector<256x32xf32>, vector<256x32xf32> -> vector<256x64xf32>
    %mul3A_129 = arith.mulf %slice3A_122, %get3A_19 : vector<256x64xf32>
    %mul3A_130 = arith.mulf %concatenate3A_128, %get3A_16 : vector<256x64xf32>
    %add3A_131 = arith.addf %mul3A_129, %mul3A_130 : vector<256x64xf32>
    %swap3A_132 = arith.constant 0 : index
    %swap3A_133 = arith.constant 6 : index
    %swap3A_134 = arith.constant 0 : index
    %swap3A_135 = arith.constant 0 : index
    %swap3A_136 = vector.load %arg8[%swap3A_132, %swap3A_133, %swap3A_134, %swap3A_135] : memref<1x12x256x64xf32, #tpu.memory_space<vmem>>, vector<1x1x256x64xf32>
    %swap3A_137 = vector.shape_cast %swap3A_136 : vector<1x1x256x64xf32> to vector<256x64xf32>
    %swap3A_138 = vector.shape_cast %add3A_131 : vector<256x64xf32> to vector<1x1x256x64xf32>
    tpu.vector_store %arg8[%swap3A_132, %swap3A_133, %swap3A_134, %swap3A_135], %swap3A_138 {strides = array<i32>} : memref<1x12x256x64xf32, #tpu.memory_space<vmem>>, vector<1x1x256x64xf32>,
    %slice3A_139 = vector.extract_strided_slice %dot_general3A_23 {offsets = [0, 448], sizes = [256, 64], strides = [1, 1]} : vector<256x768xf32> to vector<256x64xf32>
    %slice3A_140 = vector.extract_strided_slice %slice3A_139 {offsets = [0, 32], sizes = [256, 32], strides = [1, 1]} : vector<256x64xf32> to vector<256x32xf32>
    %neg3A_141 = arith.constant 0.000000e+00 : f32
    %neg3A_142 = vector.broadcast %neg3A_141 : f32 to vector<256x32xf32>
    %neg3A_143 = arith.subf %neg3A_142, %slice3A_140 : vector<256x32xf32>
    %slice3A_144 = vector.extract_strided_slice %slice3A_139 {offsets = [0, 0], sizes = [256, 32], strides = [1, 1]} : vector<256x64xf32> to vector<256x32xf32>
    %concatenate3A_145 = tpu.concatenate %neg3A_143, %slice3A_144 in 1 : vector<256x32xf32>, vector<256x32xf32> -> vector<256x64xf32>
    %mul3A_146 = arith.mulf %slice3A_139, %get3A_19 : vector<256x64xf32>
    %mul3A_147 = arith.mulf %concatenate3A_145, %get3A_16 : vector<256x64xf32>
    %add3A_148 = arith.addf %mul3A_146, %mul3A_147 : vector<256x64xf32>
    %swap3A_149 = arith.constant 0 : index
    %swap3A_150 = arith.constant 7 : index
    %swap3A_151 = arith.constant 0 : index
    %swap3A_152 = arith.constant 0 : index
    %swap3A_153 = vector.load %arg8[%swap3A_149, %swap3A_150, %swap3A_151, %swap3A_152] : memref<1x12x256x64xf32, #tpu.memory_space<vmem>>, vector<1x1x256x64xf32>
    %swap3A_154 = vector.shape_cast %swap3A_153 : vector<1x1x256x64xf32> to vector<256x64xf32>
    %swap3A_155 = vector.shape_cast %add3A_148 : vector<256x64xf32> to vector<1x1x256x64xf32>
    tpu.vector_store %arg8[%swap3A_149, %swap3A_150, %swap3A_151, %swap3A_152], %swap3A_155 {strides = array<i32>} : memref<1x12x256x64xf32, #tpu.memory_space<vmem>>, vector<1x1x256x64xf32>,
    %slice3A_156 = vector.extract_strided_slice %dot_general3A_23 {offsets = [0, 512], sizes = [256, 64], strides = [1, 1]} : vector<256x768xf32> to vector<256x64xf32>
    %slice3A_157 = vector.extract_strided_slice %slice3A_156 {offsets = [0, 32], sizes = [256, 32], strides = [1, 1]} : vector<256x64xf32> to vector<256x32xf32>
    %neg3A_158 = arith.constant 0.000000e+00 : f32
    %neg3A_159 = vector.broadcast %neg3A_158 : f32 to vector<256x32xf32>
    %neg3A_160 = arith.subf %neg3A_159, %slice3A_157 : vector<256x32xf32>
    %slice3A_161 = vector.extract_strided_slice %slice3A_156 {offsets = [0, 0], sizes = [256, 32], strides = [1, 1]} : vector<256x64xf32> to vector<256x32xf32>
    %concatenate3A_162 = tpu.concatenate %neg3A_160, %slice3A_161 in 1 : vector<256x32xf32>, vector<256x32xf32> -> vector<256x64xf32>
    %mul3A_163 = arith.mulf %slice3A_156, %get3A_19 : vector<256x64xf32>
    %mul3A_164 = arith.mulf %concatenate3A_162, %get3A_16 : vector<256x64xf32>
    %add3A_165 = arith.addf %mul3A_163, %mul3A_164 : vector<256x64xf32>
    %swap3A_166 = arith.constant 0 : index
    %swap3A_167 = arith.constant 8 : index
    %swap3A_168 = arith.constant 0 : index
    %swap3A_169 = arith.constant 0 : index
    %swap3A_170 = vector.load %arg8[%swap3A_166, %swap3A_167, %swap3A_168, %swap3A_169] : memref<1x12x256x64xf32, #tpu.memory_space<vmem>>, vector<1x1x256x64xf32>
    %swap3A_171 = vector.shape_cast %swap3A_170 : vector<1x1x256x64xf32> to vector<256x64xf32>
    %swap3A_172 = vector.shape_cast %add3A_165 : vector<256x64xf32> to vector<1x1x256x64xf32>
    tpu.vector_store %arg8[%swap3A_166, %swap3A_167, %swap3A_168, %swap3A_169], %swap3A_172 {strides = array<i32>} : memref<1x12x256x64xf32, #tpu.memory_space<vmem>>, vector<1x1x256x64xf32>,
    %slice3A_173 = vector.extract_strided_slice %dot_general3A_23 {offsets = [0, 576], sizes = [256, 64], strides = [1, 1]} : vector<256x768xf32> to vector<256x64xf32>
    %slice3A_174 = vector.extract_strided_slice %slice3A_173 {offsets = [0, 32], sizes = [256, 32], strides = [1, 1]} : vector<256x64xf32> to vector<256x32xf32>
    %neg3A_175 = arith.constant 0.000000e+00 : f32
    %neg3A_176 = vector.broadcast %neg3A_175 : f32 to vector<256x32xf32>
    %neg3A_177 = arith.subf %neg3A_176, %slice3A_174 : vector<256x32xf32>
    %slice3A_178 = vector.extract_strided_slice %slice3A_173 {offsets = [0, 0], sizes = [256, 32], strides = [1, 1]} : vector<256x64xf32> to vector<256x32xf32>
    %concatenate3A_179 = tpu.concatenate %neg3A_177, %slice3A_178 in 1 : vector<256x32xf32>, vector<256x32xf32> -> vector<256x64xf32>
    %mul3A_180 = arith.mulf %slice3A_173, %get3A_19 : vector<256x64xf32>
    %mul3A_181 = arith.mulf %concatenate3A_179, %get3A_16 : vector<256x64xf32>
    %add3A_182 = arith.addf %mul3A_180, %mul3A_181 : vector<256x64xf32>
    %swap3A_183 = arith.constant 0 : index
    %swap3A_184 = arith.constant 9 : index
    %swap3A_185 = arith.constant 0 : index
    %swap3A_186 = arith.constant 0 : index
    %swap3A_187 = vector.load %arg8[%swap3A_183, %swap3A_184, %swap3A_185, %swap3A_186] : memref<1x12x256x64xf32, #tpu.memory_space<vmem>>, vector<1x1x256x64xf32>
    %swap3A_188 = vector.shape_cast %swap3A_187 : vector<1x1x256x64xf32> to vector<256x64xf32>
    %swap3A_189 = vector.shape_cast %add3A_182 : vector<256x64xf32> to vector<1x1x256x64xf32>
    tpu.vector_store %arg8[%swap3A_183, %swap3A_184, %swap3A_185, %swap3A_186], %swap3A_189 {strides = array<i32>} : memref<1x12x256x64xf32, #tpu.memory_space<vmem>>, vector<1x1x256x64xf32>,
    %slice3A_190 = vector.extract_strided_slice %dot_general3A_23 {offsets = [0, 640], sizes = [256, 64], strides = [1, 1]} : vector<256x768xf32> to vector<256x64xf32>
    %slice3A_191 = vector.extract_strided_slice %slice3A_190 {offsets = [0, 32], sizes = [256, 32], strides = [1, 1]} : vector<256x64xf32> to vector<256x32xf32>
    %neg3A_192 = arith.constant 0.000000e+00 : f32
    %neg3A_193 = vector.broadcast %neg3A_192 : f32 to vector<256x32xf32>
    %neg3A_194 = arith.subf %neg3A_193, %slice3A_191 : vector<256x32xf32>
    %slice3A_195 = vector.extract_strided_slice %slice3A_190 {offsets = [0, 0], sizes = [256, 32], strides = [1, 1]} : vector<256x64xf32> to vector<256x32xf32>
    %concatenate3A_196 = tpu.concatenate %neg3A_194, %slice3A_195 in 1 : vector<256x32xf32>, vector<256x32xf32> -> vector<256x64xf32>
    %mul3A_197 = arith.mulf %slice3A_190, %get3A_19 : vector<256x64xf32>
    %mul3A_198 = arith.mulf %concatenate3A_196, %get3A_16 : vector<256x64xf32>
    %add3A_199 = arith.addf %mul3A_197, %mul3A_198 : vector<256x64xf32>
    %swap3A_200 = arith.constant 0 : index
    %swap3A_201 = arith.constant 10 : index
    %swap3A_202 = arith.constant 0 : index
    %swap3A_203 = arith.constant 0 : index
    %swap3A_204 = vector.load %arg8[%swap3A_200, %swap3A_201, %swap3A_202, %swap3A_203] : memref<1x12x256x64xf32, #tpu.memory_space<vmem>>, vector<1x1x256x64xf32>
    %swap3A_205 = vector.shape_cast %swap3A_204 : vector<1x1x256x64xf32> to vector<256x64xf32>
    %swap3A_206 = vector.shape_cast %add3A_199 : vector<256x64xf32> to vector<1x1x256x64xf32>
    tpu.vector_store %arg8[%swap3A_200, %swap3A_201, %swap3A_202, %swap3A_203], %swap3A_206 {strides = array<i32>} : memref<1x12x256x64xf32, #tpu.memory_space<vmem>>, vector<1x1x256x64xf32>,
    %slice3A_207 = vector.extract_strided_slice %dot_general3A_23 {offsets = [0, 704], sizes = [256, 64], strides = [1, 1]} : vector<256x768xf32> to vector<256x64xf32>
    %slice3A_208 = vector.extract_strided_slice %slice3A_207 {offsets = [0, 32], sizes = [256, 32], strides = [1, 1]} : vector<256x64xf32> to vector<256x32xf32>
    %neg3A_209 = arith.constant 0.000000e+00 : f32
    %neg3A_210 = vector.broadcast %neg3A_209 : f32 to vector<256x32xf32>
    %neg3A_211 = arith.subf %neg3A_210, %slice3A_208 : vector<256x32xf32>
    %slice3A_212 = vector.extract_strided_slice %slice3A_207 {offsets = [0, 0], sizes = [256, 32], strides = [1, 1]} : vector<256x64xf32> to vector<256x32xf32>
    %concatenate3A_213 = tpu.concatenate %neg3A_211, %slice3A_212 in 1 : vector<256x32xf32>, vector<256x32xf32> -> vector<256x64xf32>
    %mul3A_214 = arith.mulf %slice3A_207, %get3A_19 : vector<256x64xf32>
    %mul3A_215 = arith.mulf %concatenate3A_213, %get3A_16 : vector<256x64xf32>
    %add3A_216 = arith.addf %mul3A_214, %mul3A_215 : vector<256x64xf32>
    %swap3A_217 = arith.constant 0 : index
    %swap3A_218 = arith.constant 11 : index
    %swap3A_219 = arith.constant 0 : index
    %swap3A_220 = arith.constant 0 : index
    %swap3A_221 = vector.load %arg8[%swap3A_217, %swap3A_218, %swap3A_219, %swap3A_220] : memref<1x12x256x64xf32, #tpu.memory_space<vmem>>, vector<1x1x256x64xf32>
    %swap3A_222 = vector.shape_cast %swap3A_221 : vector<1x1x256x64xf32> to vector<256x64xf32>
    %swap3A_223 = vector.shape_cast %add3A_216 : vector<256x64xf32> to vector<1x1x256x64xf32>
    tpu.vector_store %arg8[%swap3A_217, %swap3A_218, %swap3A_219, %swap3A_220], %swap3A_223 {strides = array<i32>} : memref<1x12x256x64xf32, #tpu.memory_space<vmem>>, vector<1x1x256x64xf32>,
    %get3A_224 = arith.constant 0 : index
    %get3A_225 = arith.constant 0 : index
    %get3A_226 = vector.load %arg4[%get3A_224, %get3A_225] : memref<768x768xf32, #tpu.memory_space<vmem>>, vector<768x768xf32>
    %dot_general3A_227 = arith.constant dense<0.000000e+00> : vector<256x768xf32>
    %dot_general3A_228 = tpu.matmul %mul3A_13, %get3A_226, %dot_general3A_227 {dimension_numbers = #tpu.dot_dimension_numbers<[1], [1], [0], [0], [0, 0, 1, 0], [], []>, transpose_lhs_hint = false} : vector<256x768xf32>, vector<768x768xf32>, vector<256x768xf32> -> vector<256x768xf32>
    %slice3A_229 = vector.extract_strided_slice %dot_general3A_228 {offsets = [0, 0], sizes = [256, 64], strides = [1, 1]} : vector<256x768xf32> to vector<256x64xf32>
    %slice3A_230 = vector.extract_strided_slice %slice3A_229 {offsets = [0, 32], sizes = [256, 32], strides = [1, 1]} : vector<256x64xf32> to vector<256x32xf32>
    %neg3A_231 = arith.constant 0.000000e+00 : f32
    %neg3A_232 = vector.broadcast %neg3A_231 : f32 to vector<256x32xf32>
    %neg3A_233 = arith.subf %neg3A_232, %slice3A_230 : vector<256x32xf32>
    %slice3A_234 = vector.extract_strided_slice %slice3A_229 {offsets = [0, 0], sizes = [256, 32], strides = [1, 1]} : vector<256x64xf32> to vector<256x32xf32>
    %concatenate3A_235 = tpu.concatenate %neg3A_233, %slice3A_234 in 1 : vector<256x32xf32>, vector<256x32xf32> -> vector<256x64xf32>
    %mul3A_236 = arith.mulf %slice3A_229, %get3A_19 : vector<256x64xf32>
    %mul3A_237 = arith.mulf %concatenate3A_235, %get3A_16 : vector<256x64xf32>
    %add3A_238 = arith.addf %mul3A_236, %mul3A_237 : vector<256x64xf32>
    %swap3A_239 = arith.constant 0 : index
    %swap3A_240 = arith.constant 0 : index
    %swap3A_241 = arith.constant 0 : index
    %swap3A_242 = arith.constant 0 : index
    %swap3A_243 = vector.load %arg9[%swap3A_239, %swap3A_240, %swap3A_241, %swap3A_242] : memref<1x12x256x64xf32, #tpu.memory_space<vmem>>, vector<1x1x256x64xf32>
    %swap3A_244 = vector.shape_cast %swap3A_243 : vector<1x1x256x64xf32> to vector<256x64xf32>
    %swap3A_245 = vector.shape_cast %add3A_238 : vector<256x64xf32> to vector<1x1x256x64xf32>
    tpu.vector_store %arg9[%swap3A_239, %swap3A_240, %swap3A_241, %swap3A_242], %swap3A_245 {strides = array<i32>} : memref<1x12x256x64xf32, #tpu.memory_space<vmem>>, vector<1x1x256x64xf32>,
    %slice3A_246 = vector.extract_strided_slice %dot_general3A_228 {offsets = [0, 64], sizes = [256, 64], strides = [1, 1]} : vector<256x768xf32> to vector<256x64xf32>
    %slice3A_247 = vector.extract_strided_slice %slice3A_246 {offsets = [0, 32], sizes = [256, 32], strides = [1, 1]} : vector<256x64xf32> to vector<256x32xf32>
    %neg3A_248 = arith.constant 0.000000e+00 : f32
    %neg3A_249 = vector.broadcast %neg3A_248 : f32 to vector<256x32xf32>
    %neg3A_250 = arith.subf %neg3A_249, %slice3A_247 : vector<256x32xf32>
    %slice3A_251 = vector.extract_strided_slice %slice3A_246 {offsets = [0, 0], sizes = [256, 32], strides = [1, 1]} : vector<256x64xf32> to vector<256x32xf32>
    %concatenate3A_252 = tpu.concatenate %neg3A_250, %slice3A_251 in 1 : vector<256x32xf32>, vector<256x32xf32> -> vector<256x64xf32>
    %mul3A_253 = arith.mulf %slice3A_246, %get3A_19 : vector<256x64xf32>
    %mul3A_254 = arith.mulf %concatenate3A_252, %get3A_16 : vector<256x64xf32>
    %add3A_255 = arith.addf %mul3A_253, %mul3A_254 : vector<256x64xf32>
    %swap3A_256 = arith.constant 0 : index
    %swap3A_257 = arith.constant 1 : index
    %swap3A_258 = arith.constant 0 : index
    %swap3A_259 = arith.constant 0 : index
    %swap3A_260 = vector.load %arg9[%swap3A_256, %swap3A_257, %swap3A_258, %swap3A_259] : memref<1x12x256x64xf32, #tpu.memory_space<vmem>>, vector<1x1x256x64xf32>
    %swap3A_261 = vector.shape_cast %swap3A_260 : vector<1x1x256x64xf32> to vector<256x64xf32>
    %swap3A_262 = vector.shape_cast %add3A_255 : vector<256x64xf32> to vector<1x1x256x64xf32>
    tpu.vector_store %arg9[%swap3A_256, %swap3A_257, %swap3A_258, %swap3A_259], %swap3A_262 {strides = array<i32>} : memref<1x12x256x64xf32, #tpu.memory_space<vmem>>, vector<1x1x256x64xf32>,
    %slice3A_263 = vector.extract_strided_slice %dot_general3A_228 {offsets = [0, 128], sizes = [256, 64], strides = [1, 1]} : vector<256x768xf32> to vector<256x64xf32>
    %slice3A_264 = vector.extract_strided_slice %slice3A_263 {offsets = [0, 32], sizes = [256, 32], strides = [1, 1]} : vector<256x64xf32> to vector<256x32xf32>
    %neg3A_265 = arith.constant 0.000000e+00 : f32
    %neg3A_266 = vector.broadcast %neg3A_265 : f32 to vector<256x32xf32>
    %neg3A_267 = arith.subf %neg3A_266, %slice3A_264 : vector<256x32xf32>
    %slice3A_268 = vector.extract_strided_slice %slice3A_263 {offsets = [0, 0], sizes = [256, 32], strides = [1, 1]} : vector<256x64xf32> to vector<256x32xf32>
    %concatenate3A_269 = tpu.concatenate %neg3A_267, %slice3A_268 in 1 : vector<256x32xf32>, vector<256x32xf32> -> vector<256x64xf32>
    %mul3A_270 = arith.mulf %slice3A_263, %get3A_19 : vector<256x64xf32>
    %mul3A_271 = arith.mulf %concatenate3A_269, %get3A_16 : vector<256x64xf32>
    %add3A_272 = arith.addf %mul3A_270, %mul3A_271 : vector<256x64xf32>
    %swap3A_273 = arith.constant 0 : index
    %swap3A_274 = arith.constant 2 : index
    %swap3A_275 = arith.constant 0 : index
    %swap3A_276 = arith.constant 0 : index
    %swap3A_277 = vector.load %arg9[%swap3A_273, %swap3A_274, %swap3A_275, %swap3A_276] : memref<1x12x256x64xf32, #tpu.memory_space<vmem>>, vector<1x1x256x64xf32>
    %swap3A_278 = vector.shape_cast %swap3A_277 : vector<1x1x256x64xf32> to vector<256x64xf32>
    %swap3A_279 = vector.shape_cast %add3A_272 : vector<256x64xf32> to vector<1x1x256x64xf32>
    tpu.vector_store %arg9[%swap3A_273, %swap3A_274, %swap3A_275, %swap3A_276], %swap3A_279 {strides = array<i32>} : memref<1x12x256x64xf32, #tpu.memory_space<vmem>>, vector<1x1x256x64xf32>,
    %slice3A_280 = vector.extract_strided_slice %dot_general3A_228 {offsets = [0, 192], sizes = [256, 64], strides = [1, 1]} : vector<256x768xf32> to vector<256x64xf32>
    %slice3A_281 = vector.extract_strided_slice %slice3A_280 {offsets = [0, 32], sizes = [256, 32], strides = [1, 1]} : vector<256x64xf32> to vector<256x32xf32>
    %neg3A_282 = arith.constant 0.000000e+00 : f32
    %neg3A_283 = vector.broadcast %neg3A_282 : f32 to vector<256x32xf32>
    %neg3A_284 = arith.subf %neg3A_283, %slice3A_281 : vector<256x32xf32>
    %slice3A_285 = vector.extract_strided_slice %slice3A_280 {offsets = [0, 0], sizes = [256, 32], strides = [1, 1]} : vector<256x64xf32> to vector<256x32xf32>
    %concatenate3A_286 = tpu.concatenate %neg3A_284, %slice3A_285 in 1 : vector<256x32xf32>, vector<256x32xf32> -> vector<256x64xf32>
    %mul3A_287 = arith.mulf %slice3A_280, %get3A_19 : vector<256x64xf32>
    %mul3A_288 = arith.mulf %concatenate3A_286, %get3A_16 : vector<256x64xf32>
    %add3A_289 = arith.addf %mul3A_287, %mul3A_288 : vector<256x64xf32>
    %swap3A_290 = arith.constant 0 : index
    %swap3A_291 = arith.constant 3 : index
    %swap3A_292 = arith.constant 0 : index
    %swap3A_293 = arith.constant 0 : index
    %swap3A_294 = vector.load %arg9[%swap3A_290, %swap3A_291, %swap3A_292, %swap3A_293] : memref<1x12x256x64xf32, #tpu.memory_space<vmem>>, vector<1x1x256x64xf32>
    %swap3A_295 = vector.shape_cast %swap3A_294 : vector<1x1x256x64xf32> to vector<256x64xf32>
    %swap3A_296 = vector.shape_cast %add3A_289 : vector<256x64xf32> to vector<1x1x256x64xf32>
    tpu.vector_store %arg9[%swap3A_290, %swap3A_291, %swap3A_292, %swap3A_293], %swap3A_296 {strides = array<i32>} : memref<1x12x256x64xf32, #tpu.memory_space<vmem>>, vector<1x1x256x64xf32>,
    %slice3A_297 = vector.extract_strided_slice %dot_general3A_228 {offsets = [0, 256], sizes = [256, 64], strides = [1, 1]} : vector<256x768xf32> to vector<256x64xf32>
    %slice3A_298 = vector.extract_strided_slice %slice3A_297 {offsets = [0, 32], sizes = [256, 32], strides = [1, 1]} : vector<256x64xf32> to vector<256x32xf32>
    %neg3A_299 = arith.constant 0.000000e+00 : f32
    %neg3A_300 = vector.broadcast %neg3A_299 : f32 to vector<256x32xf32>
    %neg3A_301 = arith.subf %neg3A_300, %slice3A_298 : vector<256x32xf32>
    %slice3A_302 = vector.extract_strided_slice %slice3A_297 {offsets = [0, 0], sizes = [256, 32], strides = [1, 1]} : vector<256x64xf32> to vector<256x32xf32>
    %concatenate3A_303 = tpu.concatenate %neg3A_301, %slice3A_302 in 1 : vector<256x32xf32>, vector<256x32xf32> -> vector<256x64xf32>
    %mul3A_304 = arith.mulf %slice3A_297, %get3A_19 : vector<256x64xf32>
    %mul3A_305 = arith.mulf %concatenate3A_303, %get3A_16 : vector<256x64xf32>
    %add3A_306 = arith.addf %mul3A_304, %mul3A_305 : vector<256x64xf32>
    %swap3A_307 = arith.constant 0 : index
    %swap3A_308 = arith.constant 4 : index
    %swap3A_309 = arith.constant 0 : index
    %swap3A_310 = arith.constant 0 : index
    %swap3A_311 = vector.load %arg9[%swap3A_307, %swap3A_308, %swap3A_309, %swap3A_310] : memref<1x12x256x64xf32, #tpu.memory_space<vmem>>, vector<1x1x256x64xf32>
    %swap3A_312 = vector.shape_cast %swap3A_311 : vector<1x1x256x64xf32> to vector<256x64xf32>
    %swap3A_313 = vector.shape_cast %add3A_306 : vector<256x64xf32> to vector<1x1x256x64xf32>
    tpu.vector_store %arg9[%swap3A_307, %swap3A_308, %swap3A_309, %swap3A_310], %swap3A_313 {strides = array<i32>} : memref<1x12x256x64xf32, #tpu.memory_space<vmem>>, vector<1x1x256x64xf32>,
    %slice3A_314 = vector.extract_strided_slice %dot_general3A_228 {offsets = [0, 320], sizes = [256, 64], strides = [1, 1]} : vector<256x768xf32> to vector<256x64xf32>
    %slice3A_315 = vector.extract_strided_slice %slice3A_314 {offsets = [0, 32], sizes = [256, 32], strides = [1, 1]} : vector<256x64xf32> to vector<256x32xf32>
    %neg3A_316 = arith.constant 0.000000e+00 : f32
    %neg3A_317 = vector.broadcast %neg3A_316 : f32 to vector<256x32xf32>
    %neg3A_318 = arith.subf %neg3A_317, %slice3A_315 : vector<256x32xf32>
    %slice3A_319 = vector.extract_strided_slice %slice3A_314 {offsets = [0, 0], sizes = [256, 32], strides = [1, 1]} : vector<256x64xf32> to vector<256x32xf32>
    %concatenate3A_320 = tpu.concatenate %neg3A_318, %slice3A_319 in 1 : vector<256x32xf32>, vector<256x32xf32> -> vector<256x64xf32>
    %mul3A_321 = arith.mulf %slice3A_314, %get3A_19 : vector<256x64xf32>
    %mul3A_322 = arith.mulf %concatenate3A_320, %get3A_16 : vector<256x64xf32>
    %add3A_323 = arith.addf %mul3A_321, %mul3A_322 : vector<256x64xf32>
    %swap3A_324 = arith.constant 0 : index
    %swap3A_325 = arith.constant 5 : index
    %swap3A_326 = arith.constant 0 : index
    %swap3A_327 = arith.constant 0 : index
    %swap3A_328 = vector.load %arg9[%swap3A_324, %swap3A_325, %swap3A_326, %swap3A_327] : memref<1x12x256x64xf32, #tpu.memory_space<vmem>>, vector<1x1x256x64xf32>
    %swap3A_329 = vector.shape_cast %swap3A_328 : vector<1x1x256x64xf32> to vector<256x64xf32>
    %swap3A_330 = vector.shape_cast %add3A_323 : vector<256x64xf32> to vector<1x1x256x64xf32>
    tpu.vector_store %arg9[%swap3A_324, %swap3A_325, %swap3A_326, %swap3A_327], %swap3A_330 {strides = array<i32>} : memref<1x12x256x64xf32, #tpu.memory_space<vmem>>, vector<1x1x256x64xf32>,
    %slice3A_331 = vector.extract_strided_slice %dot_general3A_228 {offsets = [0, 384], sizes = [256, 64], strides = [1, 1]} : vector<256x768xf32> to vector<256x64xf32>
    %slice3A_332 = vector.extract_strided_slice %slice3A_331 {offsets = [0, 32], sizes = [256, 32], strides = [1, 1]} : vector<256x64xf32> to vector<256x32xf32>
    %neg3A_333 = arith.constant 0.000000e+00 : f32
    %neg3A_334 = vector.broadcast %neg3A_333 : f32 to vector<256x32xf32>
    %neg3A_335 = arith.subf %neg3A_334, %slice3A_332 : vector<256x32xf32>
    %slice3A_336 = vector.extract_strided_slice %slice3A_331 {offsets = [0, 0], sizes = [256, 32], strides = [1, 1]} : vector<256x64xf32> to vector<256x32xf32>
    %concatenate3A_337 = tpu.concatenate %neg3A_335, %slice3A_336 in 1 : vector<256x32xf32>, vector<256x32xf32> -> vector<256x64xf32>
    %mul3A_338 = arith.mulf %slice3A_331, %get3A_19 : vector<256x64xf32>
    %mul3A_339 = arith.mulf %concatenate3A_337, %get3A_16 : vector<256x64xf32>
    %add3A_340 = arith.addf %mul3A_338, %mul3A_339 : vector<256x64xf32>
    %swap3A_341 = arith.constant 0 : index
    %swap3A_342 = arith.constant 6 : index
    %swap3A_343 = arith.constant 0 : index
    %swap3A_344 = arith.constant 0 : index
    %swap3A_345 = vector.load %arg9[%swap3A_341, %swap3A_342, %swap3A_343, %swap3A_344] : memref<1x12x256x64xf32, #tpu.memory_space<vmem>>, vector<1x1x256x64xf32>
    %swap3A_346 = vector.shape_cast %swap3A_345 : vector<1x1x256x64xf32> to vector<256x64xf32>
    %swap3A_347 = vector.shape_cast %add3A_340 : vector<256x64xf32> to vector<1x1x256x64xf32>
    tpu.vector_store %arg9[%swap3A_341, %swap3A_342, %swap3A_343, %swap3A_344], %swap3A_347 {strides = array<i32>} : memref<1x12x256x64xf32, #tpu.memory_space<vmem>>, vector<1x1x256x64xf32>,
    %slice3A_348 = vector.extract_strided_slice %dot_general3A_228 {offsets = [0, 448], sizes = [256, 64], strides = [1, 1]} : vector<256x768xf32> to vector<256x64xf32>
    %slice3A_349 = vector.extract_strided_slice %slice3A_348 {offsets = [0, 32], sizes = [256, 32], strides = [1, 1]} : vector<256x64xf32> to vector<256x32xf32>
    %neg3A_350 = arith.constant 0.000000e+00 : f32
    %neg3A_351 = vector.broadcast %neg3A_350 : f32 to vector<256x32xf32>
    %neg3A_352 = arith.subf %neg3A_351, %slice3A_349 : vector<256x32xf32>
    %slice3A_353 = vector.extract_strided_slice %slice3A_348 {offsets = [0, 0], sizes = [256, 32], strides = [1, 1]} : vector<256x64xf32> to vector<256x32xf32>
    %concatenate3A_354 = tpu.concatenate %neg3A_352, %slice3A_353 in 1 : vector<256x32xf32>, vector<256x32xf32> -> vector<256x64xf32>
    %mul3A_355 = arith.mulf %slice3A_348, %get3A_19 : vector<256x64xf32>
    %mul3A_356 = arith.mulf %concatenate3A_354, %get3A_16 : vector<256x64xf32>
    %add3A_357 = arith.addf %mul3A_355, %mul3A_356 : vector<256x64xf32>
    %swap3A_358 = arith.constant 0 : index
    %swap3A_359 = arith.constant 7 : index
    %swap3A_360 = arith.constant 0 : index
    %swap3A_361 = arith.constant 0 : index
    %swap3A_362 = vector.load %arg9[%swap3A_358, %swap3A_359, %swap3A_360, %swap3A_361] : memref<1x12x256x64xf32, #tpu.memory_space<vmem>>, vector<1x1x256x64xf32>
    %swap3A_363 = vector.shape_cast %swap3A_362 : vector<1x1x256x64xf32> to vector<256x64xf32>
    %swap3A_364 = vector.shape_cast %add3A_357 : vector<256x64xf32> to vector<1x1x256x64xf32>
    tpu.vector_store %arg9[%swap3A_358, %swap3A_359, %swap3A_360, %swap3A_361], %swap3A_364 {strides = array<i32>} : memref<1x12x256x64xf32, #tpu.memory_space<vmem>>, vector<1x1x256x64xf32>,
    %slice3A_365 = vector.extract_strided_slice %dot_general3A_228 {offsets = [0, 512], sizes = [256, 64], strides = [1, 1]} : vector<256x768xf32> to vector<256x64xf32>
    %slice3A_366 = vector.extract_strided_slice %slice3A_365 {offsets = [0, 32], sizes = [256, 32], strides = [1, 1]} : vector<256x64xf32> to vector<256x32xf32>
    %neg3A_367 = arith.constant 0.000000e+00 : f32
    %neg3A_368 = vector.broadcast %neg3A_367 : f32 to vector<256x32xf32>
    %neg3A_369 = arith.subf %neg3A_368, %slice3A_366 : vector<256x32xf32>
    %slice3A_370 = vector.extract_strided_slice %slice3A_365 {offsets = [0, 0], sizes = [256, 32], strides = [1, 1]} : vector<256x64xf32> to vector<256x32xf32>
    %concatenate3A_371 = tpu.concatenate %neg3A_369, %slice3A_370 in 1 : vector<256x32xf32>, vector<256x32xf32> -> vector<256x64xf32>
    %mul3A_372 = arith.mulf %slice3A_365, %get3A_19 : vector<256x64xf32>
    %mul3A_373 = arith.mulf %concatenate3A_371, %get3A_16 : vector<256x64xf32>
    %add3A_374 = arith.addf %mul3A_372, %mul3A_373 : vector<256x64xf32>
    %swap3A_375 = arith.constant 0 : index
    %swap3A_376 = arith.constant 8 : index
    %swap3A_377 = arith.constant 0 : index
    %swap3A_378 = arith.constant 0 : index
    %swap3A_379 = vector.load %arg9[%swap3A_375, %swap3A_376, %swap3A_377, %swap3A_378] : memref<1x12x256x64xf32, #tpu.memory_space<vmem>>, vector<1x1x256x64xf32>
    %swap3A_380 = vector.shape_cast %swap3A_379 : vector<1x1x256x64xf32> to vector<256x64xf32>
    %swap3A_381 = vector.shape_cast %add3A_374 : vector<256x64xf32> to vector<1x1x256x64xf32>
    tpu.vector_store %arg9[%swap3A_375, %swap3A_376, %swap3A_377, %swap3A_378], %swap3A_381 {strides = array<i32>} : memref<1x12x256x64xf32, #tpu.memory_space<vmem>>, vector<1x1x256x64xf32>,
    %slice3A_382 = vector.extract_strided_slice %dot_general3A_228 {offsets = [0, 576], sizes = [256, 64], strides = [1, 1]} : vector<256x768xf32> to vector<256x64xf32>
    %slice3A_383 = vector.extract_strided_slice %slice3A_382 {offsets = [0, 32], sizes = [256, 32], strides = [1, 1]} : vector<256x64xf32> to vector<256x32xf32>
    %neg3A_384 = arith.constant 0.000000e+00 : f32
    %neg3A_385 = vector.broadcast %neg3A_384 : f32 to vector<256x32xf32>
    %neg3A_386 = arith.subf %neg3A_385, %slice3A_383 : vector<256x32xf32>
    %slice3A_387 = vector.extract_strided_slice %slice3A_382 {offsets = [0, 0], sizes = [256, 32], strides = [1, 1]} : vector<256x64xf32> to vector<256x32xf32>
    %concatenate3A_388 = tpu.concatenate %neg3A_386, %slice3A_387 in 1 : vector<256x32xf32>, vector<256x32xf32> -> vector<256x64xf32>
    %mul3A_389 = arith.mulf %slice3A_382, %get3A_19 : vector<256x64xf32>
    %mul3A_390 = arith.mulf %concatenate3A_388, %get3A_16 : vector<256x64xf32>
    %add3A_391 = arith.addf %mul3A_389, %mul3A_390 : vector<256x64xf32>
    %swap3A_392 = arith.constant 0 : index
    %swap3A_393 = arith.constant 9 : index
    %swap3A_394 = arith.constant 0 : index
    %swap3A_395 = arith.constant 0 : index
    %swap3A_396 = vector.load %arg9[%swap3A_392, %swap3A_393, %swap3A_394, %swap3A_395] : memref<1x12x256x64xf32, #tpu.memory_space<vmem>>, vector<1x1x256x64xf32>
    %swap3A_397 = vector.shape_cast %swap3A_396 : vector<1x1x256x64xf32> to vector<256x64xf32>
    %swap3A_398 = vector.shape_cast %add3A_391 : vector<256x64xf32> to vector<1x1x256x64xf32>
    tpu.vector_store %arg9[%swap3A_392, %swap3A_393, %swap3A_394, %swap3A_395], %swap3A_398 {strides = array<i32>} : memref<1x12x256x64xf32, #tpu.memory_space<vmem>>, vector<1x1x256x64xf32>,
    %slice3A_399 = vector.extract_strided_slice %dot_general3A_228 {offsets = [0, 640], sizes = [256, 64], strides = [1, 1]} : vector<256x768xf32> to vector<256x64xf32>
    %slice3A_400 = vector.extract_strided_slice %slice3A_399 {offsets = [0, 32], sizes = [256, 32], strides = [1, 1]} : vector<256x64xf32> to vector<256x32xf32>
    %neg3A_401 = arith.constant 0.000000e+00 : f32
    %neg3A_402 = vector.broadcast %neg3A_401 : f32 to vector<256x32xf32>
    %neg3A_403 = arith.subf %neg3A_402, %slice3A_400 : vector<256x32xf32>
    %slice3A_404 = vector.extract_strided_slice %slice3A_399 {offsets = [0, 0], sizes = [256, 32], strides = [1, 1]} : vector<256x64xf32> to vector<256x32xf32>
    %concatenate3A_405 = tpu.concatenate %neg3A_403, %slice3A_404 in 1 : vector<256x32xf32>, vector<256x32xf32> -> vector<256x64xf32>
    %mul3A_406 = arith.mulf %slice3A_399, %get3A_19 : vector<256x64xf32>
    %mul3A_407 = arith.mulf %concatenate3A_405, %get3A_16 : vector<256x64xf32>
    %add3A_408 = arith.addf %mul3A_406, %mul3A_407 : vector<256x64xf32>
    %swap3A_409 = arith.constant 0 : index
    %swap3A_410 = arith.constant 10 : index
    %swap3A_411 = arith.constant 0 : index
    %swap3A_412 = arith.constant 0 : index
    %swap3A_413 = vector.load %arg9[%swap3A_409, %swap3A_410, %swap3A_411, %swap3A_412] : memref<1x12x256x64xf32, #tpu.memory_space<vmem>>, vector<1x1x256x64xf32>
    %swap3A_414 = vector.shape_cast %swap3A_413 : vector<1x1x256x64xf32> to vector<256x64xf32>
    %swap3A_415 = vector.shape_cast %add3A_408 : vector<256x64xf32> to vector<1x1x256x64xf32>
    tpu.vector_store %arg9[%swap3A_409, %swap3A_410, %swap3A_411, %swap3A_412], %swap3A_415 {strides = array<i32>} : memref<1x12x256x64xf32, #tpu.memory_space<vmem>>, vector<1x1x256x64xf32>,
    %slice3A_416 = vector.extract_strided_slice %dot_general3A_228 {offsets = [0, 704], sizes = [256, 64], strides = [1, 1]} : vector<256x768xf32> to vector<256x64xf32>
    %slice3A_417 = vector.extract_strided_slice %slice3A_416 {offsets = [0, 32], sizes = [256, 32], strides = [1, 1]} : vector<256x64xf32> to vector<256x32xf32>
    %neg3A_418 = arith.constant 0.000000e+00 : f32
    %neg3A_419 = vector.broadcast %neg3A_418 : f32 to vector<256x32xf32>
    %neg3A_420 = arith.subf %neg3A_419, %slice3A_417 : vector<256x32xf32>
    %slice3A_421 = vector.extract_strided_slice %slice3A_416 {offsets = [0, 0], sizes = [256, 32], strides = [1, 1]} : vector<256x64xf32> to vector<256x32xf32>
    %concatenate3A_422 = tpu.concatenate %neg3A_420, %slice3A_421 in 1 : vector<256x32xf32>, vector<256x32xf32> -> vector<256x64xf32>
    %mul3A_423 = arith.mulf %slice3A_416, %get3A_19 : vector<256x64xf32>
    %mul3A_424 = arith.mulf %concatenate3A_422, %get3A_16 : vector<256x64xf32>
    %add3A_425 = arith.addf %mul3A_423, %mul3A_424 : vector<256x64xf32>
    %swap3A_426 = arith.constant 0 : index
    %swap3A_427 = arith.constant 11 : index
    %swap3A_428 = arith.constant 0 : index
    %swap3A_429 = arith.constant 0 : index
    %swap3A_430 = vector.load %arg9[%swap3A_426, %swap3A_427, %swap3A_428, %swap3A_429] : memref<1x12x256x64xf32, #tpu.memory_space<vmem>>, vector<1x1x256x64xf32>
    %swap3A_431 = vector.shape_cast %swap3A_430 : vector<1x1x256x64xf32> to vector<256x64xf32>
    %swap3A_432 = vector.shape_cast %add3A_425 : vector<256x64xf32> to vector<1x1x256x64xf32>
    tpu.vector_store %arg9[%swap3A_426, %swap3A_427, %swap3A_428, %swap3A_429], %swap3A_432 {strides = array<i32>} : memref<1x12x256x64xf32, #tpu.memory_space<vmem>>, vector<1x1x256x64xf32>,
    %get3A_433 = arith.constant 0 : index
    %get3A_434 = arith.constant 0 : index
    %get3A_435 = vector.load %arg5[%get3A_433, %get3A_434] : memref<768x768xf32, #tpu.memory_space<vmem>>, vector<768x768xf32>
    %dot_general3A_436 = arith.constant dense<0.000000e+00> : vector<256x768xf32>
    %dot_general3A_437 = tpu.matmul %mul3A_13, %get3A_435, %dot_general3A_436 {dimension_numbers = #tpu.dot_dimension_numbers<[1], [1], [0], [0], [0, 0, 1, 0], [], []>, transpose_lhs_hint = false} : vector<256x768xf32>, vector<768x768xf32>, vector<256x768xf32> -> vector<256x768xf32>
    %slice3A_438 = vector.extract_strided_slice %dot_general3A_437 {offsets = [0, 0], sizes = [256, 64], strides = [1, 1]} : vector<256x768xf32> to vector<256x64xf32>
    %swap3A_439 = arith.constant 0 : index
    %swap3A_440 = arith.constant 0 : index
    %swap3A_441 = arith.constant 0 : index
    %swap3A_442 = arith.constant 0 : index
    %swap3A_443 = vector.load %arg10[%swap3A_439, %swap3A_440, %swap3A_441, %swap3A_442] : memref<1x12x256x64xf32, #tpu.memory_space<vmem>>, vector<1x1x256x64xf32>
    %swap3A_444 = vector.shape_cast %swap3A_443 : vector<1x1x256x64xf32> to vector<256x64xf32>
    %swap3A_445 = vector.shape_cast %slice3A_438 : vector<256x64xf32> to vector<1x1x256x64xf32>
    tpu.vector_store %arg10[%swap3A_439, %swap3A_440, %swap3A_441, %swap3A_442], %swap3A_445 {strides = array<i32>} : memref<1x12x256x64xf32, #tpu.memory_space<vmem>>, vector<1x1x256x64xf32>,
    %slice3A_446 = vector.extract_strided_slice %dot_general3A_437 {offsets = [0, 64], sizes = [256, 64], strides = [1, 1]} : vector<256x768xf32> to vector<256x64xf32>
    %swap3A_447 = arith.constant 0 : index
    %swap3A_448 = arith.constant 1 : index
    %swap3A_449 = arith.constant 0 : index
    %swap3A_450 = arith.constant 0 : index
    %swap3A_451 = vector.load %arg10[%swap3A_447, %swap3A_448, %swap3A_449, %swap3A_450] : memref<1x12x256x64xf32, #tpu.memory_space<vmem>>, vector<1x1x256x64xf32>
    %swap3A_452 = vector.shape_cast %swap3A_451 : vector<1x1x256x64xf32> to vector<256x64xf32>
    %swap3A_453 = vector.shape_cast %slice3A_446 : vector<256x64xf32> to vector<1x1x256x64xf32>
    tpu.vector_store %arg10[%swap3A_447, %swap3A_448, %swap3A_449, %swap3A_450], %swap3A_453 {strides = array<i32>} : memref<1x12x256x64xf32, #tpu.memory_space<vmem>>, vector<1x1x256x64xf32>,
    %slice3A_454 = vector.extract_strided_slice %dot_general3A_437 {offsets = [0, 128], sizes = [256, 64], strides = [1, 1]} : vector<256x768xf32> to vector<256x64xf32>
    %swap3A_455 = arith.constant 0 : index
    %swap3A_456 = arith.constant 2 : index
    %swap3A_457 = arith.constant 0 : index
    %swap3A_458 = arith.constant 0 : index
    %swap3A_459 = vector.load %arg10[%swap3A_455, %swap3A_456, %swap3A_457, %swap3A_458] : memref<1x12x256x64xf32, #tpu.memory_space<vmem>>, vector<1x1x256x64xf32>
    %swap3A_460 = vector.shape_cast %swap3A_459 : vector<1x1x256x64xf32> to vector<256x64xf32>
    %swap3A_461 = vector.shape_cast %slice3A_454 : vector<256x64xf32> to vector<1x1x256x64xf32>
    tpu.vector_store %arg10[%swap3A_455, %swap3A_456, %swap3A_457, %swap3A_458], %swap3A_461 {strides = array<i32>} : memref<1x12x256x64xf32, #tpu.memory_space<vmem>>, vector<1x1x256x64xf32>,
    %slice3A_462 = vector.extract_strided_slice %dot_general3A_437 {offsets = [0, 192], sizes = [256, 64], strides = [1, 1]} : vector<256x768xf32> to vector<256x64xf32>
    %swap3A_463 = arith.constant 0 : index
    %swap3A_464 = arith.constant 3 : index
    %swap3A_465 = arith.constant 0 : index
    %swap3A_466 = arith.constant 0 : index
    %swap3A_467 = vector.load %arg10[%swap3A_463, %swap3A_464, %swap3A_465, %swap3A_466] : memref<1x12x256x64xf32, #tpu.memory_space<vmem>>, vector<1x1x256x64xf32>
    %swap3A_468 = vector.shape_cast %swap3A_467 : vector<1x1x256x64xf32> to vector<256x64xf32>
    %swap3A_469 = vector.shape_cast %slice3A_462 : vector<256x64xf32> to vector<1x1x256x64xf32>
    tpu.vector_store %arg10[%swap3A_463, %swap3A_464, %swap3A_465, %swap3A_466], %swap3A_469 {strides = array<i32>} : memref<1x12x256x64xf32, #tpu.memory_space<vmem>>, vector<1x1x256x64xf32>,
    %slice3A_470 = vector.extract_strided_slice %dot_general3A_437 {offsets = [0, 256], sizes = [256, 64], strides = [1, 1]} : vector<256x768xf32> to vector<256x64xf32>
    %swap3A_471 = arith.constant 0 : index
    %swap3A_472 = arith.constant 4 : index
    %swap3A_473 = arith.constant 0 : index
    %swap3A_474 = arith.constant 0 : index
    %swap3A_475 = vector.load %arg10[%swap3A_471, %swap3A_472, %swap3A_473, %swap3A_474] : memref<1x12x256x64xf32, #tpu.memory_space<vmem>>, vector<1x1x256x64xf32>
    %swap3A_476 = vector.shape_cast %swap3A_475 : vector<1x1x256x64xf32> to vector<256x64xf32>
    %swap3A_477 = vector.shape_cast %slice3A_470 : vector<256x64xf32> to vector<1x1x256x64xf32>
    tpu.vector_store %arg10[%swap3A_471, %swap3A_472, %swap3A_473, %swap3A_474], %swap3A_477 {strides = array<i32>} : memref<1x12x256x64xf32, #tpu.memory_space<vmem>>, vector<1x1x256x64xf32>,
    %slice3A_478 = vector.extract_strided_slice %dot_general3A_437 {offsets = [0, 320], sizes = [256, 64], strides = [1, 1]} : vector<256x768xf32> to vector<256x64xf32>
    %swap3A_479 = arith.constant 0 : index
    %swap3A_480 = arith.constant 5 : index
    %swap3A_481 = arith.constant 0 : index
    %swap3A_482 = arith.constant 0 : index
    %swap3A_483 = vector.load %arg10[%swap3A_479, %swap3A_480, %swap3A_481, %swap3A_482] : memref<1x12x256x64xf32, #tpu.memory_space<vmem>>, vector<1x1x256x64xf32>
    %swap3A_484 = vector.shape_cast %swap3A_483 : vector<1x1x256x64xf32> to vector<256x64xf32>
    %swap3A_485 = vector.shape_cast %slice3A_478 : vector<256x64xf32> to vector<1x1x256x64xf32>
    tpu.vector_store %arg10[%swap3A_479, %swap3A_480, %swap3A_481, %swap3A_482], %swap3A_485 {strides = array<i32>} : memref<1x12x256x64xf32, #tpu.memory_space<vmem>>, vector<1x1x256x64xf32>,
    %slice3A_486 = vector.extract_strided_slice %dot_general3A_437 {offsets = [0, 384], sizes = [256, 64], strides = [1, 1]} : vector<256x768xf32> to vector<256x64xf32>
    %swap3A_487 = arith.constant 0 : index
    %swap3A_488 = arith.constant 6 : index
    %swap3A_489 = arith.constant 0 : index
    %swap3A_490 = arith.constant 0 : index
    %swap3A_491 = vector.load %arg10[%swap3A_487, %swap3A_488, %swap3A_489, %swap3A_490] : memref<1x12x256x64xf32, #tpu.memory_space<vmem>>, vector<1x1x256x64xf32>
    %swap3A_492 = vector.shape_cast %swap3A_491 : vector<1x1x256x64xf32> to vector<256x64xf32>
    %swap3A_493 = vector.shape_cast %slice3A_486 : vector<256x64xf32> to vector<1x1x256x64xf32>
    tpu.vector_store %arg10[%swap3A_487, %swap3A_488, %swap3A_489, %swap3A_490], %swap3A_493 {strides = array<i32>} : memref<1x12x256x64xf32, #tpu.memory_space<vmem>>, vector<1x1x256x64xf32>,
    %slice3A_494 = vector.extract_strided_slice %dot_general3A_437 {offsets = [0, 448], sizes = [256, 64], strides = [1, 1]} : vector<256x768xf32> to vector<256x64xf32>
    %swap3A_495 = arith.constant 0 : index
    %swap3A_496 = arith.constant 7 : index
    %swap3A_497 = arith.constant 0 : index
    %swap3A_498 = arith.constant 0 : index
    %swap3A_499 = vector.load %arg10[%swap3A_495, %swap3A_496, %swap3A_497, %swap3A_498] : memref<1x12x256x64xf32, #tpu.memory_space<vmem>>, vector<1x1x256x64xf32>
    %swap3A_500 = vector.shape_cast %swap3A_499 : vector<1x1x256x64xf32> to vector<256x64xf32>
    %swap3A_501 = vector.shape_cast %slice3A_494 : vector<256x64xf32> to vector<1x1x256x64xf32>
    tpu.vector_store %arg10[%swap3A_495, %swap3A_496, %swap3A_497, %swap3A_498], %swap3A_501 {strides = array<i32>} : memref<1x12x256x64xf32, #tpu.memory_space<vmem>>, vector<1x1x256x64xf32>,
    %slice3A_502 = vector.extract_strided_slice %dot_general3A_437 {offsets = [0, 512], sizes = [256, 64], strides = [1, 1]} : vector<256x768xf32> to vector<256x64xf32>
    %swap3A_503 = arith.constant 0 : index
    %swap3A_504 = arith.constant 8 : index
    %swap3A_505 = arith.constant 0 : index
    %swap3A_506 = arith.constant 0 : index
    %swap3A_507 = vector.load %arg10[%swap3A_503, %swap3A_504, %swap3A_505, %swap3A_506] : memref<1x12x256x64xf32, #tpu.memory_space<vmem>>, vector<1x1x256x64xf32>
    %swap3A_508 = vector.shape_cast %swap3A_507 : vector<1x1x256x64xf32> to vector<256x64xf32>
    %swap3A_509 = vector.shape_cast %slice3A_502 : vector<256x64xf32> to vector<1x1x256x64xf32>
    tpu.vector_store %arg10[%swap3A_503, %swap3A_504, %swap3A_505, %swap3A_506], %swap3A_509 {strides = array<i32>} : memref<1x12x256x64xf32, #tpu.memory_space<vmem>>, vector<1x1x256x64xf32>,
    %slice3A_510 = vector.extract_strided_slice %dot_general3A_437 {offsets = [0, 576], sizes = [256, 64], strides = [1, 1]} : vector<256x768xf32> to vector<256x64xf32>
    %swap3A_511 = arith.constant 0 : index
    %swap3A_512 = arith.constant 9 : index
    %swap3A_513 = arith.constant 0 : index
    %swap3A_514 = arith.constant 0 : index
    %swap3A_515 = vector.load %arg10[%swap3A_511, %swap3A_512, %swap3A_513, %swap3A_514] : memref<1x12x256x64xf32, #tpu.memory_space<vmem>>, vector<1x1x256x64xf32>
    %swap3A_516 = vector.shape_cast %swap3A_515 : vector<1x1x256x64xf32> to vector<256x64xf32>
    %swap3A_517 = vector.shape_cast %slice3A_510 : vector<256x64xf32> to vector<1x1x256x64xf32>
    tpu.vector_store %arg10[%swap3A_511, %swap3A_512, %swap3A_513, %swap3A_514], %swap3A_517 {strides = array<i32>} : memref<1x12x256x64xf32, #tpu.memory_space<vmem>>, vector<1x1x256x64xf32>,
    %slice3A_518 = vector.extract_strided_slice %dot_general3A_437 {offsets = [0, 640], sizes = [256, 64], strides = [1, 1]} : vector<256x768xf32> to vector<256x64xf32>
    %swap3A_519 = arith.constant 0 : index
    %swap3A_520 = arith.constant 10 : index
    %swap3A_521 = arith.constant 0 : index
    %swap3A_522 = arith.constant 0 : index
    %swap3A_523 = vector.load %arg10[%swap3A_519, %swap3A_520, %swap3A_521, %swap3A_522] : memref<1x12x256x64xf32, #tpu.memory_space<vmem>>, vector<1x1x256x64xf32>
    %swap3A_524 = vector.shape_cast %swap3A_523 : vector<1x1x256x64xf32> to vector<256x64xf32>
    %swap3A_525 = vector.shape_cast %slice3A_518 : vector<256x64xf32> to vector<1x1x256x64xf32>
    tpu.vector_store %arg10[%swap3A_519, %swap3A_520, %swap3A_521, %swap3A_522], %swap3A_525 {strides = array<i32>} : memref<1x12x256x64xf32, #tpu.memory_space<vmem>>, vector<1x1x256x64xf32>,
    %slice3A_526 = vector.extract_strided_slice %dot_general3A_437 {offsets = [0, 704], sizes = [256, 64], strides = [1, 1]} : vector<256x768xf32> to vector<256x64xf32>
    %swap3A_527 = arith.constant 0 : index
    %swap3A_528 = arith.constant 11 : index
    %swap3A_529 = arith.constant 0 : index
    %swap3A_530 = arith.constant 0 : index
    %swap3A_531 = vector.load %arg10[%swap3A_527, %swap3A_528, %swap3A_529, %swap3A_530] : memref<1x12x256x64xf32, #tpu.memory_space<vmem>>, vector<1x1x256x64xf32>
    %swap3A_532 = vector.shape_cast %swap3A_531 : vector<1x1x256x64xf32> to vector<256x64xf32>
    %swap3A_533 = vector.shape_cast %slice3A_526 : vector<256x64xf32> to vector<1x1x256x64xf32>
    tpu.vector_store %arg10[%swap3A_527, %swap3A_528, %swap3A_529, %swap3A_530], %swap3A_533 {strides = array<i32>} : memref<1x12x256x64xf32, #tpu.memory_space<vmem>>, vector<1x1x256x64xf32>,
    return
  }
  func.func @transform_0(%arg0: i32) -> (i32, i32) {
    %c0_i32 = arith.constant 0 : i32
    %c0_i32_0 = arith.constant 0 : i32
    return %arg0, %c0_i32 : i32, i32
  }
  func.func @transform_1(%arg0: i32) -> (i32, i32) {
    %c0_i32 = arith.constant 0 : i32
    %c0_i32_0 = arith.constant 0 : i32
    %c0_i32_1 = arith.constant 0 : i32
    return %c0_i32, %c0_i32_0 : i32, i32
  }
  func.func @transform_2(%arg0: i32) -> (i32, i32) {
    %c0_i32 = arith.constant 0 : i32
    %c0_i32_0 = arith.constant 0 : i32
    %c0_i32_1 = arith.constant 0 : i32
    return %c0_i32, %c0_i32_0 : i32, i32
  }
  func.func @transform_3(%arg0: i32) -> (i32, i32) {
    %c0_i32 = arith.constant 0 : i32
    %c0_i32_0 = arith.constant 0 : i32
    %c0_i32_1 = arith.constant 0 : i32
    return %c0_i32, %c0_i32_0 : i32, i32
  }
  func.func @transform_4(%arg0: i32) -> (i32, i32) {
    %c0_i32 = arith.constant 0 : i32
    %c0_i32_0 = arith.constant 0 : i32
    %c0_i32_1 = arith.constant 0 : i32
    return %c0_i32, %c0_i32_0 : i32, i32
  }
  func.func @transform_5(%arg0: i32) -> (i32, i32) {
    %c0_i32 = arith.constant 0 : i32
    %c0_i32_0 = arith.constant 0 : i32
    return %arg0, %c0_i32 : i32, i32
  }
  func.func @transform_6(%arg0: i32) -> (i32, i32) {
    %c0_i32 = arith.constant 0 : i32
    %c0_i32_0 = arith.constant 0 : i32
    return %arg0, %c0_i32 : i32, i32
  }
  func.func @transform_7(%arg0: i32) -> (i32, i32, i32, i32) {
    %c0_i32 = arith.constant 0 : i32
    %c0_i32_0 = arith.constant 0 : i32
    %c0_i32_1 = arith.constant 0 : i32
    %c0_i32_2 = arith.constant 0 : i32
    return %arg0, %c0_i32, %c0_i32_0, %c0_i32_1 : i32, i32, i32, i32
  }
  func.func @transform_8(%arg0: i32) -> (i32, i32, i32, i32) {
    %c0_i32 = arith.constant 0 : i32
    %c0_i32_0 = arith.constant 0 : i32
    %c0_i32_1 = arith.constant 0 : i32
    %c0_i32_2 = arith.constant 0 : i32
    return %arg0, %c0_i32, %c0_i32_0, %c0_i32_1 : i32, i32, i32, i32
  }
  func.func @transform_9(%arg0: i32) -> (i32, i32, i32, i32) {
    %c0_i32 = arith.constant 0 : i32
    %c0_i32_0 = arith.constant 0 : i32
    %c0_i32_1 = arith.constant 0 : i32
    %c0_i32_2 = arith.constant 0 : i32
    return %arg0, %c0_i32, %c0_i32_0, %c0_i32_1 : i32, i32, i32, i32
  }
}

module attributes {stable_mosaic.version = 14 : i64} {
  func.func @body(%arg0: i32, %arg1: memref<1x1x256x64xf32, #tpu.memory_space<vmem>>, %arg2: memref<8x1x256x64xf32, #tpu.memory_space<vmem>>, %arg3: memref<8x1x256x64xf32, #tpu.memory_space<vmem>>, %arg4: memref<1x256x64xf32, #tpu.memory_space<vmem>>) attributes {dimension_semantics = [#tpu.dimension_semantics<arbitrary>], iteration_bounds = array<i64: 12>, scalar_prefetch = 0 : i64, scratch_operands = 0 : i64, tpu.core_type = #tpu.core_type<tc>, window_params = [{transform_indices = @transform_0, window_bounds = array<i64: 1, 1, 256, 64>}, {transform_indices = @transform_1, window_bounds = array<i64: 8, 1, 256, 64>}, {transform_indices = @transform_2, window_bounds = array<i64: 8, 1, 256, 64>}, {transform_indices = @transform_3, window_bounds = array<i64: 1, 256, 64>}]} {
    %get3A = arith.constant 0 : index
    %get3A_0 = arith.constant 0 : index
    %get3A_1 = arith.constant 0 : index
    %get3A_2 = arith.constant 0 : index
    %get3A_3 = vector.load %arg2[%get3A, %get3A_0, %get3A_1, %get3A_2] : memref<8x1x256x64xf32, #tpu.memory_space<vmem>>, vector<8x1x256x64xf32>
    %reshape3A = vector.shape_cast %get3A_3 : vector<8x1x256x64xf32> to vector<2048x64xf32>
    %get3A_4 = arith.constant 0 : index
    %get3A_5 = arith.constant 0 : index
    %get3A_6 = arith.constant 0 : index
    %get3A_7 = arith.constant 0 : index
    %get3A_8 = vector.load %arg3[%get3A_4, %get3A_5, %get3A_6, %get3A_7] : memref<8x1x256x64xf32, #tpu.memory_space<vmem>>, vector<8x1x256x64xf32>
    %reshape3A_9 = vector.shape_cast %get3A_8 : vector<8x1x256x64xf32> to vector<2048x64xf32>
    %get3A_10 = arith.constant 0 : index
    %get3A_11 = arith.constant 0 : index
    %get3A_12 = arith.constant 0 : index
    %get3A_13 = arith.constant 0 : index
    %get3A_14 = vector.load %arg1[%get3A_10, %get3A_11, %get3A_12, %get3A_13] : memref<1x1x256x64xf32, #tpu.memory_space<vmem>>, vector<1x1x256x64xf32>
    %get3A_15 = vector.shape_cast %get3A_14 : vector<1x1x256x64xf32> to vector<256x64xf32>
    %dot_general3A = arith.constant dense<0.000000e+00> : vector<256x2048xf32>
    %dot_general3A_16 = tpu.matmul %get3A_15, %reshape3A, %dot_general3A {dimension_numbers = #tpu.dot_dimension_numbers<[1], [1], [0], [0], [0, 0, 1, 0], [], []>, transpose_lhs_hint = false} : vector<256x64xf32>, vector<2048x64xf32>, vector<256x2048xf32> -> vector<256x2048xf32>
    %iota3A = tpu.iota {dimensions = array<i32: 0>} : vector<256x2048xi32>
    %add3A = arith.constant 1792 : i32
    %add3A_17 = vector.broadcast %add3A : i32 to vector<256x2048xi32>
    %add3A_18 = arith.addi %add3A_17, %iota3A : vector<256x2048xi32>
    %iota3A_19 = tpu.iota {dimensions = array<i32: 1>} : vector<256x2048xi32>
    %le3A = arith.cmpi sle, %iota3A_19, %add3A_18 : vector<256x2048xi32>
    %jit3A = arith.constant 0.000000e+00 : f32
    %jit3A_20 = arith.constant -1.000000e+09 : f32
    %broadcast_in_dim3A = vector.broadcast %jit3A : f32 to vector<256x2048xf32>
    %broadcast_in_dim3A_21 = vector.broadcast %jit3A_20 : f32 to vector<256x2048xf32>
    %select_n3A = arith.select %le3A, %broadcast_in_dim3A, %broadcast_in_dim3A_21 : vector<256x2048xi1>, vector<256x2048xf32>
    %add3A_22 = arith.addf %dot_general3A_16, %select_n3A : vector<256x2048xf32>
    %exp3A = math.exp %add3A_22 : vector<256x2048xf32>
    %reduce_sum3A = arith.constant dense<0.000000e+00> : vector<256xf32>
    %reduce_sum3A_23 = vector.multi_reduction <add>, %exp3A, %reduce_sum3A [1] : vector<256x2048xf32> to vector<256xf32>
    %broadcast_in_dim3A_24 = vector.shape_cast %reduce_sum3A_23 : vector<256xf32> to vector<256x1xf32>
    %div3A = vector.broadcast %broadcast_in_dim3A_24 : vector<256x1xf32> to vector<256x2048xf32>
    %div3A_25 = arith.divf %exp3A, %div3A : vector<256x2048xf32>
    %dot_general3A_26 = arith.constant dense<0.000000e+00> : vector<256x64xf32>
    %dot_general3A_27 = tpu.matmul %div3A_25, %reshape3A_9, %dot_general3A_26 {dimension_numbers = #tpu.dot_dimension_numbers<[1], [0], [0], [1], [0, 0, 1, 1], [], []>, transpose_lhs_hint = false} : vector<256x2048xf32>, vector<2048x64xf32>, vector<256x64xf32> -> vector<256x64xf32>
    %swap3A = arith.constant 0 : index
    %swap3A_28 = arith.constant 0 : index
    %swap3A_29 = arith.constant 0 : index
    %swap3A_30 = vector.load %arg4[%swap3A, %swap3A_28, %swap3A_29] : memref<1x256x64xf32, #tpu.memory_space<vmem>>, vector<1x256x64xf32>
    %swap3A_31 = vector.shape_cast %swap3A_30 : vector<1x256x64xf32> to vector<256x64xf32>
    %swap3A_32 = vector.shape_cast %dot_general3A_27 : vector<256x64xf32> to vector<1x256x64xf32>
    tpu.vector_store %arg4[%swap3A, %swap3A_28, %swap3A_29], %swap3A_32 {strides = array<i32>} : memref<1x256x64xf32, #tpu.memory_space<vmem>>, vector<1x256x64xf32>,
    return
  }
  func.func @transform_0(%arg0: i32) -> (i32, i32, i32, i32) {
    %c7_i32 = arith.constant 7 : i32
    %c0_i32 = arith.constant 0 : i32
    %c0_i32_0 = arith.constant 0 : i32
    %c0_i32_1 = arith.constant 0 : i32
    return %c7_i32, %arg0, %c0_i32, %c0_i32_0 : i32, i32, i32, i32
  }
  func.func @transform_1(%arg0: i32) -> (i32, i32, i32, i32) {
    %c0_i32 = arith.constant 0 : i32
    %c0_i32_0 = arith.constant 0 : i32
    %c0_i32_1 = arith.constant 0 : i32
    %c0_i32_2 = arith.constant 0 : i32
    return %c0_i32, %arg0, %c0_i32_0, %c0_i32_1 : i32, i32, i32, i32
  }
  func.func @transform_2(%arg0: i32) -> (i32, i32, i32, i32) {
    %c0_i32 = arith.constant 0 : i32
    %c0_i32_0 = arith.constant 0 : i32
    %c0_i32_1 = arith.constant 0 : i32
    %c0_i32_2 = arith.constant 0 : i32
    return %c0_i32, %arg0, %c0_i32_0, %c0_i32_1 : i32, i32, i32, i32
  }
  func.func @transform_3(%arg0: i32) -> (i32, i32, i32) {
    %c0_i32 = arith.constant 0 : i32
    %c0_i32_0 = arith.constant 0 : i32
    %c0_i32_1 = arith.constant 0 : i32
    return %arg0, %c0_i32, %c0_i32_0 : i32, i32, i32
  }
}

module attributes {stable_mosaic.version = 14 : i64} {
  func.func @body(%arg0: i32, %arg1: memref<1x1x256x64xf32, #tpu.memory_space<vmem>>, %arg2: memref<5x1x256x64xf32, #tpu.memory_space<vmem>>, %arg3: memref<5x1x256x64xf32, #tpu.memory_space<vmem>>, %arg4: memref<1x256x64xf32, #tpu.memory_space<vmem>>) attributes {dimension_semantics = [#tpu.dimension_semantics<arbitrary>], iteration_bounds = array<i64: 12>, scalar_prefetch = 0 : i64, scratch_operands = 0 : i64, tpu.core_type = #tpu.core_type<tc>, window_params = [{transform_indices = @transform_0, window_bounds = array<i64: 1, 1, 256, 64>}, {transform_indices = @transform_1, window_bounds = array<i64: 5, 1, 256, 64>}, {transform_indices = @transform_2, window_bounds = array<i64: 5, 1, 256, 64>}, {transform_indices = @transform_3, window_bounds = array<i64: 1, 256, 64>}]} {
    %get3A = arith.constant 0 : index
    %get3A_0 = arith.constant 0 : index
    %get3A_1 = arith.constant 0 : index
    %get3A_2 = arith.constant 0 : index
    %get3A_3 = vector.load %arg2[%get3A, %get3A_0, %get3A_1, %get3A_2] : memref<5x1x256x64xf32, #tpu.memory_space<vmem>>, vector<5x1x256x64xf32>
    %reshape3A = vector.shape_cast %get3A_3 : vector<5x1x256x64xf32> to vector<1280x64xf32>
    %get3A_4 = arith.constant 0 : index
    %get3A_5 = arith.constant 0 : index
    %get3A_6 = arith.constant 0 : index
    %get3A_7 = arith.constant 0 : index
    %get3A_8 = vector.load %arg3[%get3A_4, %get3A_5, %get3A_6, %get3A_7] : memref<5x1x256x64xf32, #tpu.memory_space<vmem>>, vector<5x1x256x64xf32>
    %reshape3A_9 = vector.shape_cast %get3A_8 : vector<5x1x256x64xf32> to vector<1280x64xf32>
    %get3A_10 = arith.constant 0 : index
    %get3A_11 = arith.constant 0 : index
    %get3A_12 = arith.constant 0 : index
    %get3A_13 = arith.constant 0 : index
    %get3A_14 = vector.load %arg1[%get3A_10, %get3A_11, %get3A_12, %get3A_13] : memref<1x1x256x64xf32, #tpu.memory_space<vmem>>, vector<1x1x256x64xf32>
    %get3A_15 = vector.shape_cast %get3A_14 : vector<1x1x256x64xf32> to vector<256x64xf32>
    %dot_general3A = arith.constant dense<0.000000e+00> : vector<256x1280xf32>
    %dot_general3A_16 = tpu.matmul %get3A_15, %reshape3A, %dot_general3A {dimension_numbers = #tpu.dot_dimension_numbers<[1], [1], [0], [0], [0, 0, 1, 0], [], []>, transpose_lhs_hint = false} : vector<256x64xf32>, vector<1280x64xf32>, vector<256x1280xf32> -> vector<256x1280xf32>
    %iota3A = tpu.iota {dimensions = array<i32: 0>} : vector<256x1280xi32>
    %add3A = arith.constant 1024 : i32
    %add3A_17 = vector.broadcast %add3A : i32 to vector<256x1280xi32>
    %add3A_18 = arith.addi %add3A_17, %iota3A : vector<256x1280xi32>
    %iota3A_19 = tpu.iota {dimensions = array<i32: 1>} : vector<256x1280xi32>
    %le3A = arith.cmpi sle, %iota3A_19, %add3A_18 : vector<256x1280xi32>
    %jit3A = arith.constant 0.000000e+00 : f32
    %jit3A_20 = arith.constant -1.000000e+09 : f32
    %broadcast_in_dim3A = vector.broadcast %jit3A : f32 to vector<256x1280xf32>
    %broadcast_in_dim3A_21 = vector.broadcast %jit3A_20 : f32 to vector<256x1280xf32>
    %select_n3A = arith.select %le3A, %broadcast_in_dim3A, %broadcast_in_dim3A_21 : vector<256x1280xi1>, vector<256x1280xf32>
    %add3A_22 = arith.addf %dot_general3A_16, %select_n3A : vector<256x1280xf32>
    %exp3A = math.exp %add3A_22 : vector<256x1280xf32>
    %reduce_sum3A = arith.constant dense<0.000000e+00> : vector<256xf32>
    %reduce_sum3A_23 = vector.multi_reduction <add>, %exp3A, %reduce_sum3A [1] : vector<256x1280xf32> to vector<256xf32>
    %broadcast_in_dim3A_24 = vector.shape_cast %reduce_sum3A_23 : vector<256xf32> to vector<256x1xf32>
    %div3A = vector.broadcast %broadcast_in_dim3A_24 : vector<256x1xf32> to vector<256x1280xf32>
    %div3A_25 = arith.divf %exp3A, %div3A : vector<256x1280xf32>
    %dot_general3A_26 = arith.constant dense<0.000000e+00> : vector<256x64xf32>
    %dot_general3A_27 = tpu.matmul %div3A_25, %reshape3A_9, %dot_general3A_26 {dimension_numbers = #tpu.dot_dimension_numbers<[1], [0], [0], [1], [0, 0, 1, 1], [], []>, transpose_lhs_hint = false} : vector<256x1280xf32>, vector<1280x64xf32>, vector<256x64xf32> -> vector<256x64xf32>
    %swap3A = arith.constant 0 : index
    %swap3A_28 = arith.constant 0 : index
    %swap3A_29 = arith.constant 0 : index
    %swap3A_30 = vector.load %arg4[%swap3A, %swap3A_28, %swap3A_29] : memref<1x256x64xf32, #tpu.memory_space<vmem>>, vector<1x256x64xf32>
    %swap3A_31 = vector.shape_cast %swap3A_30 : vector<1x256x64xf32> to vector<256x64xf32>
    %swap3A_32 = vector.shape_cast %dot_general3A_27 : vector<256x64xf32> to vector<1x256x64xf32>
    tpu.vector_store %arg4[%swap3A, %swap3A_28, %swap3A_29], %swap3A_32 {strides = array<i32>} : memref<1x256x64xf32, #tpu.memory_space<vmem>>, vector<1x256x64xf32>,
    return
  }
  func.func @transform_0(%arg0: i32) -> (i32, i32, i32, i32) {
    %c4_i32 = arith.constant 4 : i32
    %c0_i32 = arith.constant 0 : i32
    %c0_i32_0 = arith.constant 0 : i32
    %c0_i32_1 = arith.constant 0 : i32
    return %c4_i32, %arg0, %c0_i32, %c0_i32_0 : i32, i32, i32, i32
  }
  func.func @transform_1(%arg0: i32) -> (i32, i32, i32, i32) {
    %c0_i32 = arith.constant 0 : i32
    %c0_i32_0 = arith.constant 0 : i32
    %c0_i32_1 = arith.constant 0 : i32
    %c0_i32_2 = arith.constant 0 : i32
    return %c0_i32, %arg0, %c0_i32_0, %c0_i32_1 : i32, i32, i32, i32
  }
  func.func @transform_2(%arg0: i32) -> (i32, i32, i32, i32) {
    %c0_i32 = arith.constant 0 : i32
    %c0_i32_0 = arith.constant 0 : i32
    %c0_i32_1 = arith.constant 0 : i32
    %c0_i32_2 = arith.constant 0 : i32
    return %c0_i32, %arg0, %c0_i32_0, %c0_i32_1 : i32, i32, i32, i32
  }
  func.func @transform_3(%arg0: i32) -> (i32, i32, i32) {
    %c0_i32 = arith.constant 0 : i32
    %c0_i32_0 = arith.constant 0 : i32
    %c0_i32_1 = arith.constant 0 : i32
    return %arg0, %c0_i32, %c0_i32_0 : i32, i32, i32
  }
}

module attributes {stable_mosaic.version = 14 : i64} {
  func.func @body(%arg0: i32, %arg1: memref<1x1x256x64xf32, #tpu.memory_space<vmem>>, %arg2: memref<4x1x256x64xf32, #tpu.memory_space<vmem>>, %arg3: memref<4x1x256x64xf32, #tpu.memory_space<vmem>>, %arg4: memref<1x256x64xf32, #tpu.memory_space<vmem>>) attributes {dimension_semantics = [#tpu.dimension_semantics<arbitrary>], iteration_bounds = array<i64: 12>, scalar_prefetch = 0 : i64, scratch_operands = 0 : i64, tpu.core_type = #tpu.core_type<tc>, window_params = [{transform_indices = @transform_0, window_bounds = array<i64: 1, 1, 256, 64>}, {transform_indices = @transform_1, window_bounds = array<i64: 4, 1, 256, 64>}, {transform_indices = @transform_2, window_bounds = array<i64: 4, 1, 256, 64>}, {transform_indices = @transform_3, window_bounds = array<i64: 1, 256, 64>}]} {
    %get3A = arith.constant 0 : index
    %get3A_0 = arith.constant 0 : index
    %get3A_1 = arith.constant 0 : index
    %get3A_2 = arith.constant 0 : index
    %get3A_3 = vector.load %arg2[%get3A, %get3A_0, %get3A_1, %get3A_2] : memref<4x1x256x64xf32, #tpu.memory_space<vmem>>, vector<4x1x256x64xf32>
    %reshape3A = vector.shape_cast %get3A_3 : vector<4x1x256x64xf32> to vector<1024x64xf32>
    %get3A_4 = arith.constant 0 : index
    %get3A_5 = arith.constant 0 : index
    %get3A_6 = arith.constant 0 : index
    %get3A_7 = arith.constant 0 : index
    %get3A_8 = vector.load %arg3[%get3A_4, %get3A_5, %get3A_6, %get3A_7] : memref<4x1x256x64xf32, #tpu.memory_space<vmem>>, vector<4x1x256x64xf32>
    %reshape3A_9 = vector.shape_cast %get3A_8 : vector<4x1x256x64xf32> to vector<1024x64xf32>
    %get3A_10 = arith.constant 0 : index
    %get3A_11 = arith.constant 0 : index
    %get3A_12 = arith.constant 0 : index
    %get3A_13 = arith.constant 0 : index
    %get3A_14 = vector.load %arg1[%get3A_10, %get3A_11, %get3A_12, %get3A_13] : memref<1x1x256x64xf32, #tpu.memory_space<vmem>>, vector<1x1x256x64xf32>
    %get3A_15 = vector.shape_cast %get3A_14 : vector<1x1x256x64xf32> to vector<256x64xf32>
    %dot_general3A = arith.constant dense<0.000000e+00> : vector<256x1024xf32>
    %dot_general3A_16 = tpu.matmul %get3A_15, %reshape3A, %dot_general3A {dimension_numbers = #tpu.dot_dimension_numbers<[1], [1], [0], [0], [0, 0, 1, 0], [], []>, transpose_lhs_hint = false} : vector<256x64xf32>, vector<1024x64xf32>, vector<256x1024xf32> -> vector<256x1024xf32>
    %iota3A = tpu.iota {dimensions = array<i32: 0>} : vector<256x1024xi32>
    %add3A = arith.constant 768 : i32
    %add3A_17 = vector.broadcast %add3A : i32 to vector<256x1024xi32>
    %add3A_18 = arith.addi %add3A_17, %iota3A : vector<256x1024xi32>
    %iota3A_19 = tpu.iota {dimensions = array<i32: 1>} : vector<256x1024xi32>
    %le3A = arith.cmpi sle, %iota3A_19, %add3A_18 : vector<256x1024xi32>
    %jit3A = arith.constant 0.000000e+00 : f32
    %jit3A_20 = arith.constant -1.000000e+09 : f32
    %broadcast_in_dim3A = vector.broadcast %jit3A : f32 to vector<256x1024xf32>
    %broadcast_in_dim3A_21 = vector.broadcast %jit3A_20 : f32 to vector<256x1024xf32>
    %select_n3A = arith.select %le3A, %broadcast_in_dim3A, %broadcast_in_dim3A_21 : vector<256x1024xi1>, vector<256x1024xf32>
    %add3A_22 = arith.addf %dot_general3A_16, %select_n3A : vector<256x1024xf32>
    %exp3A = math.exp %add3A_22 : vector<256x1024xf32>
    %reduce_sum3A = arith.constant dense<0.000000e+00> : vector<256xf32>
    %reduce_sum3A_23 = vector.multi_reduction <add>, %exp3A, %reduce_sum3A [1] : vector<256x1024xf32> to vector<256xf32>
    %broadcast_in_dim3A_24 = vector.shape_cast %reduce_sum3A_23 : vector<256xf32> to vector<256x1xf32>
    %div3A = vector.broadcast %broadcast_in_dim3A_24 : vector<256x1xf32> to vector<256x1024xf32>
    %div3A_25 = arith.divf %exp3A, %div3A : vector<256x1024xf32>
    %dot_general3A_26 = arith.constant dense<0.000000e+00> : vector<256x64xf32>
    %dot_general3A_27 = tpu.matmul %div3A_25, %reshape3A_9, %dot_general3A_26 {dimension_numbers = #tpu.dot_dimension_numbers<[1], [0], [0], [1], [0, 0, 1, 1], [], []>, transpose_lhs_hint = false} : vector<256x1024xf32>, vector<1024x64xf32>, vector<256x64xf32> -> vector<256x64xf32>
    %swap3A = arith.constant 0 : index
    %swap3A_28 = arith.constant 0 : index
    %swap3A_29 = arith.constant 0 : index
    %swap3A_30 = vector.load %arg4[%swap3A, %swap3A_28, %swap3A_29] : memref<1x256x64xf32, #tpu.memory_space<vmem>>, vector<1x256x64xf32>
    %swap3A_31 = vector.shape_cast %swap3A_30 : vector<1x256x64xf32> to vector<256x64xf32>
    %swap3A_32 = vector.shape_cast %dot_general3A_27 : vector<256x64xf32> to vector<1x256x64xf32>
    tpu.vector_store %arg4[%swap3A, %swap3A_28, %swap3A_29], %swap3A_32 {strides = array<i32>} : memref<1x256x64xf32, #tpu.memory_space<vmem>>, vector<1x256x64xf32>,
    return
  }
  func.func @transform_0(%arg0: i32) -> (i32, i32, i32, i32) {
    %c3_i32 = arith.constant 3 : i32
    %c0_i32 = arith.constant 0 : i32
    %c0_i32_0 = arith.constant 0 : i32
    %c0_i32_1 = arith.constant 0 : i32
    return %c3_i32, %arg0, %c0_i32, %c0_i32_0 : i32, i32, i32, i32
  }
  func.func @transform_1(%arg0: i32) -> (i32, i32, i32, i32) {
    %c0_i32 = arith.constant 0 : i32
    %c0_i32_0 = arith.constant 0 : i32
    %c0_i32_1 = arith.constant 0 : i32
    %c0_i32_2 = arith.constant 0 : i32
    return %c0_i32, %arg0, %c0_i32_0, %c0_i32_1 : i32, i32, i32, i32
  }
  func.func @transform_2(%arg0: i32) -> (i32, i32, i32, i32) {
    %c0_i32 = arith.constant 0 : i32
    %c0_i32_0 = arith.constant 0 : i32
    %c0_i32_1 = arith.constant 0 : i32
    %c0_i32_2 = arith.constant 0 : i32
    return %c0_i32, %arg0, %c0_i32_0, %c0_i32_1 : i32, i32, i32, i32
  }
  func.func @transform_3(%arg0: i32) -> (i32, i32, i32) {
    %c0_i32 = arith.constant 0 : i32
    %c0_i32_0 = arith.constant 0 : i32
    %c0_i32_1 = arith.constant 0 : i32
    return %arg0, %c0_i32, %c0_i32_0 : i32, i32, i32
  }
}

module attributes {stable_mosaic.version = 14 : i64} {
  func.func @body(%arg0: i32, %arg1: memref<1x1x256x64xf32, #tpu.memory_space<vmem>>, %arg2: memref<3x1x256x64xf32, #tpu.memory_space<vmem>>, %arg3: memref<3x1x256x64xf32, #tpu.memory_space<vmem>>, %arg4: memref<1x256x64xf32, #tpu.memory_space<vmem>>) attributes {dimension_semantics = [#tpu.dimension_semantics<arbitrary>], iteration_bounds = array<i64: 12>, scalar_prefetch = 0 : i64, scratch_operands = 0 : i64, tpu.core_type = #tpu.core_type<tc>, window_params = [{transform_indices = @transform_0, window_bounds = array<i64: 1, 1, 256, 64>}, {transform_indices = @transform_1, window_bounds = array<i64: 3, 1, 256, 64>}, {transform_indices = @transform_2, window_bounds = array<i64: 3, 1, 256, 64>}, {transform_indices = @transform_3, window_bounds = array<i64: 1, 256, 64>}]} {
    %get3A = arith.constant 0 : index
    %get3A_0 = arith.constant 0 : index
    %get3A_1 = arith.constant 0 : index
    %get3A_2 = arith.constant 0 : index
    %get3A_3 = vector.load %arg2[%get3A, %get3A_0, %get3A_1, %get3A_2] : memref<3x1x256x64xf32, #tpu.memory_space<vmem>>, vector<3x1x256x64xf32>
    %reshape3A = vector.shape_cast %get3A_3 : vector<3x1x256x64xf32> to vector<768x64xf32>
    %get3A_4 = arith.constant 0 : index
    %get3A_5 = arith.constant 0 : index
    %get3A_6 = arith.constant 0 : index
    %get3A_7 = arith.constant 0 : index
    %get3A_8 = vector.load %arg3[%get3A_4, %get3A_5, %get3A_6, %get3A_7] : memref<3x1x256x64xf32, #tpu.memory_space<vmem>>, vector<3x1x256x64xf32>
    %reshape3A_9 = vector.shape_cast %get3A_8 : vector<3x1x256x64xf32> to vector<768x64xf32>
    %get3A_10 = arith.constant 0 : index
    %get3A_11 = arith.constant 0 : index
    %get3A_12 = arith.constant 0 : index
    %get3A_13 = arith.constant 0 : index
    %get3A_14 = vector.load %arg1[%get3A_10, %get3A_11, %get3A_12, %get3A_13] : memref<1x1x256x64xf32, #tpu.memory_space<vmem>>, vector<1x1x256x64xf32>
    %get3A_15 = vector.shape_cast %get3A_14 : vector<1x1x256x64xf32> to vector<256x64xf32>
    %dot_general3A = arith.constant dense<0.000000e+00> : vector<256x768xf32>
    %dot_general3A_16 = tpu.matmul %get3A_15, %reshape3A, %dot_general3A {dimension_numbers = #tpu.dot_dimension_numbers<[1], [1], [0], [0], [0, 0, 1, 0], [], []>, transpose_lhs_hint = false} : vector<256x64xf32>, vector<768x64xf32>, vector<256x768xf32> -> vector<256x768xf32>
    %iota3A = tpu.iota {dimensions = array<i32: 0>} : vector<256x768xi32>
    %add3A = arith.constant 512 : i32
    %add3A_17 = vector.broadcast %add3A : i32 to vector<256x768xi32>
    %add3A_18 = arith.addi %add3A_17, %iota3A : vector<256x768xi32>
    %iota3A_19 = tpu.iota {dimensions = array<i32: 1>} : vector<256x768xi32>
    %le3A = arith.cmpi sle, %iota3A_19, %add3A_18 : vector<256x768xi32>
    %jit3A = arith.constant 0.000000e+00 : f32
    %jit3A_20 = arith.constant -1.000000e+09 : f32
    %broadcast_in_dim3A = vector.broadcast %jit3A : f32 to vector<256x768xf32>
    %broadcast_in_dim3A_21 = vector.broadcast %jit3A_20 : f32 to vector<256x768xf32>
    %select_n3A = arith.select %le3A, %broadcast_in_dim3A, %broadcast_in_dim3A_21 : vector<256x768xi1>, vector<256x768xf32>
    %add3A_22 = arith.addf %dot_general3A_16, %select_n3A : vector<256x768xf32>
    %exp3A = math.exp %add3A_22 : vector<256x768xf32>
    %reduce_sum3A = arith.constant dense<0.000000e+00> : vector<256xf32>
    %reduce_sum3A_23 = vector.multi_reduction <add>, %exp3A, %reduce_sum3A [1] : vector<256x768xf32> to vector<256xf32>
    %broadcast_in_dim3A_24 = vector.shape_cast %reduce_sum3A_23 : vector<256xf32> to vector<256x1xf32>
    %div3A = vector.broadcast %broadcast_in_dim3A_24 : vector<256x1xf32> to vector<256x768xf32>
    %div3A_25 = arith.divf %exp3A, %div3A : vector<256x768xf32>
    %dot_general3A_26 = arith.constant dense<0.000000e+00> : vector<256x64xf32>
    %dot_general3A_27 = tpu.matmul %div3A_25, %reshape3A_9, %dot_general3A_26 {dimension_numbers = #tpu.dot_dimension_numbers<[1], [0], [0], [1], [0, 0, 1, 1], [], []>, transpose_lhs_hint = false} : vector<256x768xf32>, vector<768x64xf32>, vector<256x64xf32> -> vector<256x64xf32>
    %swap3A = arith.constant 0 : index
    %swap3A_28 = arith.constant 0 : index
    %swap3A_29 = arith.constant 0 : index
    %swap3A_30 = vector.load %arg4[%swap3A, %swap3A_28, %swap3A_29] : memref<1x256x64xf32, #tpu.memory_space<vmem>>, vector<1x256x64xf32>
    %swap3A_31 = vector.shape_cast %swap3A_30 : vector<1x256x64xf32> to vector<256x64xf32>
    %swap3A_32 = vector.shape_cast %dot_general3A_27 : vector<256x64xf32> to vector<1x256x64xf32>
    tpu.vector_store %arg4[%swap3A, %swap3A_28, %swap3A_29], %swap3A_32 {strides = array<i32>} : memref<1x256x64xf32, #tpu.memory_space<vmem>>, vector<1x256x64xf32>,
    return
  }
  func.func @transform_0(%arg0: i32) -> (i32, i32, i32, i32) {
    %c2_i32 = arith.constant 2 : i32
    %c0_i32 = arith.constant 0 : i32
    %c0_i32_0 = arith.constant 0 : i32
    %c0_i32_1 = arith.constant 0 : i32
    return %c2_i32, %arg0, %c0_i32, %c0_i32_0 : i32, i32, i32, i32
  }
  func.func @transform_1(%arg0: i32) -> (i32, i32, i32, i32) {
    %c0_i32 = arith.constant 0 : i32
    %c0_i32_0 = arith.constant 0 : i32
    %c0_i32_1 = arith.constant 0 : i32
    %c0_i32_2 = arith.constant 0 : i32
    return %c0_i32, %arg0, %c0_i32_0, %c0_i32_1 : i32, i32, i32, i32
  }
  func.func @transform_2(%arg0: i32) -> (i32, i32, i32, i32) {
    %c0_i32 = arith.constant 0 : i32
    %c0_i32_0 = arith.constant 0 : i32
    %c0_i32_1 = arith.constant 0 : i32
    %c0_i32_2 = arith.constant 0 : i32
    return %c0_i32, %arg0, %c0_i32_0, %c0_i32_1 : i32, i32, i32, i32
  }
  func.func @transform_3(%arg0: i32) -> (i32, i32, i32) {
    %c0_i32 = arith.constant 0 : i32
    %c0_i32_0 = arith.constant 0 : i32
    %c0_i32_1 = arith.constant 0 : i32
    return %arg0, %c0_i32, %c0_i32_0 : i32, i32, i32
  }
}

module attributes {stable_mosaic.version = 14 : i64} {
  func.func @body(%arg0: i32, %arg1: memref<1x1x256x64xf32, #tpu.memory_space<vmem>>, %arg2: memref<2x1x256x64xf32, #tpu.memory_space<vmem>>, %arg3: memref<2x1x256x64xf32, #tpu.memory_space<vmem>>, %arg4: memref<1x256x64xf32, #tpu.memory_space<vmem>>) attributes {dimension_semantics = [#tpu.dimension_semantics<arbitrary>], iteration_bounds = array<i64: 12>, scalar_prefetch = 0 : i64, scratch_operands = 0 : i64, tpu.core_type = #tpu.core_type<tc>, window_params = [{transform_indices = @transform_0, window_bounds = array<i64: 1, 1, 256, 64>}, {transform_indices = @transform_1, window_bounds = array<i64: 2, 1, 256, 64>}, {transform_indices = @transform_2, window_bounds = array<i64: 2, 1, 256, 64>}, {transform_indices = @transform_3, window_bounds = array<i64: 1, 256, 64>}]} {
    %get3A = arith.constant 0 : index
    %get3A_0 = arith.constant 0 : index
    %get3A_1 = arith.constant 0 : index
    %get3A_2 = arith.constant 0 : index
    %get3A_3 = vector.load %arg2[%get3A, %get3A_0, %get3A_1, %get3A_2] : memref<2x1x256x64xf32, #tpu.memory_space<vmem>>, vector<2x1x256x64xf32>
    %reshape3A = vector.shape_cast %get3A_3 : vector<2x1x256x64xf32> to vector<512x64xf32>
    %get3A_4 = arith.constant 0 : index
    %get3A_5 = arith.constant 0 : index
    %get3A_6 = arith.constant 0 : index
    %get3A_7 = arith.constant 0 : index
    %get3A_8 = vector.load %arg3[%get3A_4, %get3A_5, %get3A_6, %get3A_7] : memref<2x1x256x64xf32, #tpu.memory_space<vmem>>, vector<2x1x256x64xf32>
    %reshape3A_9 = vector.shape_cast %get3A_8 : vector<2x1x256x64xf32> to vector<512x64xf32>
    %get3A_10 = arith.constant 0 : index
    %get3A_11 = arith.constant 0 : index
    %get3A_12 = arith.constant 0 : index
    %get3A_13 = arith.constant 0 : index
    %get3A_14 = vector.load %arg1[%get3A_10, %get3A_11, %get3A_12, %get3A_13] : memref<1x1x256x64xf32, #tpu.memory_space<vmem>>, vector<1x1x256x64xf32>
    %get3A_15 = vector.shape_cast %get3A_14 : vector<1x1x256x64xf32> to vector<256x64xf32>
    %dot_general3A = arith.constant dense<0.000000e+00> : vector<256x512xf32>
    %dot_general3A_16 = tpu.matmul %get3A_15, %reshape3A, %dot_general3A {dimension_numbers = #tpu.dot_dimension_numbers<[1], [1], [0], [0], [0, 0, 1, 0], [], []>, transpose_lhs_hint = false} : vector<256x64xf32>, vector<512x64xf32>, vector<256x512xf32> -> vector<256x512xf32>
    %iota3A = tpu.iota {dimensions = array<i32: 0>} : vector<256x512xi32>
    %add3A = arith.constant 256 : i32
    %add3A_17 = vector.broadcast %add3A : i32 to vector<256x512xi32>
    %add3A_18 = arith.addi %add3A_17, %iota3A : vector<256x512xi32>
    %iota3A_19 = tpu.iota {dimensions = array<i32: 1>} : vector<256x512xi32>
    %le3A = arith.cmpi sle, %iota3A_19, %add3A_18 : vector<256x512xi32>
    %jit3A = arith.constant 0.000000e+00 : f32
    %jit3A_20 = arith.constant -1.000000e+09 : f32
    %broadcast_in_dim3A = vector.broadcast %jit3A : f32 to vector<256x512xf32>
    %broadcast_in_dim3A_21 = vector.broadcast %jit3A_20 : f32 to vector<256x512xf32>
    %select_n3A = arith.select %le3A, %broadcast_in_dim3A, %broadcast_in_dim3A_21 : vector<256x512xi1>, vector<256x512xf32>
    %add3A_22 = arith.addf %dot_general3A_16, %select_n3A : vector<256x512xf32>
    %exp3A = math.exp %add3A_22 : vector<256x512xf32>
    %reduce_sum3A = arith.constant dense<0.000000e+00> : vector<256xf32>
    %reduce_sum3A_23 = vector.multi_reduction <add>, %exp3A, %reduce_sum3A [1] : vector<256x512xf32> to vector<256xf32>
    %broadcast_in_dim3A_24 = vector.shape_cast %reduce_sum3A_23 : vector<256xf32> to vector<256x1xf32>
    %div3A = vector.broadcast %broadcast_in_dim3A_24 : vector<256x1xf32> to vector<256x512xf32>
    %div3A_25 = arith.divf %exp3A, %div3A : vector<256x512xf32>
    %dot_general3A_26 = arith.constant dense<0.000000e+00> : vector<256x64xf32>
    %dot_general3A_27 = tpu.matmul %div3A_25, %reshape3A_9, %dot_general3A_26 {dimension_numbers = #tpu.dot_dimension_numbers<[1], [0], [0], [1], [0, 0, 1, 1], [], []>, transpose_lhs_hint = false} : vector<256x512xf32>, vector<512x64xf32>, vector<256x64xf32> -> vector<256x64xf32>
    %swap3A = arith.constant 0 : index
    %swap3A_28 = arith.constant 0 : index
    %swap3A_29 = arith.constant 0 : index
    %swap3A_30 = vector.load %arg4[%swap3A, %swap3A_28, %swap3A_29] : memref<1x256x64xf32, #tpu.memory_space<vmem>>, vector<1x256x64xf32>
    %swap3A_31 = vector.shape_cast %swap3A_30 : vector<1x256x64xf32> to vector<256x64xf32>
    %swap3A_32 = vector.shape_cast %dot_general3A_27 : vector<256x64xf32> to vector<1x256x64xf32>
    tpu.vector_store %arg4[%swap3A, %swap3A_28, %swap3A_29], %swap3A_32 {strides = array<i32>} : memref<1x256x64xf32, #tpu.memory_space<vmem>>, vector<1x256x64xf32>,
    return
  }
  func.func @transform_0(%arg0: i32) -> (i32, i32, i32, i32) {
    %c1_i32 = arith.constant 1 : i32
    %c0_i32 = arith.constant 0 : i32
    %c0_i32_0 = arith.constant 0 : i32
    %c0_i32_1 = arith.constant 0 : i32
    return %c1_i32, %arg0, %c0_i32, %c0_i32_0 : i32, i32, i32, i32
  }
  func.func @transform_1(%arg0: i32) -> (i32, i32, i32, i32) {
    %c0_i32 = arith.constant 0 : i32
    %c0_i32_0 = arith.constant 0 : i32
    %c0_i32_1 = arith.constant 0 : i32
    %c0_i32_2 = arith.constant 0 : i32
    return %c0_i32, %arg0, %c0_i32_0, %c0_i32_1 : i32, i32, i32, i32
  }
  func.func @transform_2(%arg0: i32) -> (i32, i32, i32, i32) {
    %c0_i32 = arith.constant 0 : i32
    %c0_i32_0 = arith.constant 0 : i32
    %c0_i32_1 = arith.constant 0 : i32
    %c0_i32_2 = arith.constant 0 : i32
    return %c0_i32, %arg0, %c0_i32_0, %c0_i32_1 : i32, i32, i32, i32
  }
  func.func @transform_3(%arg0: i32) -> (i32, i32, i32) {
    %c0_i32 = arith.constant 0 : i32
    %c0_i32_0 = arith.constant 0 : i32
    %c0_i32_1 = arith.constant 0 : i32
    return %arg0, %c0_i32, %c0_i32_0 : i32, i32, i32
  }
}

module attributes {stable_mosaic.version = 14 : i64} {
  func.func @body(%arg0: i32, %arg1: memref<1x1x256x64xf32, #tpu.memory_space<vmem>>, %arg2: memref<1x1x256x64xf32, #tpu.memory_space<vmem>>, %arg3: memref<1x1x256x64xf32, #tpu.memory_space<vmem>>, %arg4: memref<1x256x64xf32, #tpu.memory_space<vmem>>) attributes {dimension_semantics = [#tpu.dimension_semantics<arbitrary>], iteration_bounds = array<i64: 12>, scalar_prefetch = 0 : i64, scratch_operands = 0 : i64, tpu.core_type = #tpu.core_type<tc>, window_params = [{transform_indices = @transform_0, window_bounds = array<i64: 1, 1, 256, 64>}, {transform_indices = @transform_1, window_bounds = array<i64: 1, 1, 256, 64>}, {transform_indices = @transform_2, window_bounds = array<i64: 1, 1, 256, 64>}, {transform_indices = @transform_3, window_bounds = array<i64: 1, 256, 64>}]} {
    %get3A = arith.constant 0 : index
    %get3A_0 = arith.constant 0 : index
    %get3A_1 = arith.constant 0 : index
    %get3A_2 = arith.constant 0 : index
    %get3A_3 = vector.load %arg2[%get3A, %get3A_0, %get3A_1, %get3A_2] : memref<1x1x256x64xf32, #tpu.memory_space<vmem>>, vector<1x1x256x64xf32>
    %reshape3A = vector.shape_cast %get3A_3 : vector<1x1x256x64xf32> to vector<256x64xf32>
    %get3A_4 = arith.constant 0 : index
    %get3A_5 = arith.constant 0 : index
    %get3A_6 = arith.constant 0 : index
    %get3A_7 = arith.constant 0 : index
    %get3A_8 = vector.load %arg3[%get3A_4, %get3A_5, %get3A_6, %get3A_7] : memref<1x1x256x64xf32, #tpu.memory_space<vmem>>, vector<1x1x256x64xf32>
    %reshape3A_9 = vector.shape_cast %get3A_8 : vector<1x1x256x64xf32> to vector<256x64xf32>
    %get3A_10 = arith.constant 0 : index
    %get3A_11 = arith.constant 0 : index
    %get3A_12 = arith.constant 0 : index
    %get3A_13 = arith.constant 0 : index
    %get3A_14 = vector.load %arg1[%get3A_10, %get3A_11, %get3A_12, %get3A_13] : memref<1x1x256x64xf32, #tpu.memory_space<vmem>>, vector<1x1x256x64xf32>
    %get3A_15 = vector.shape_cast %get3A_14 : vector<1x1x256x64xf32> to vector<256x64xf32>
    %dot_general3A = arith.constant dense<0.000000e+00> : vector<256x256xf32>
    %dot_general3A_16 = tpu.matmul %get3A_15, %reshape3A, %dot_general3A {dimension_numbers = #tpu.dot_dimension_numbers<[1], [1], [0], [0], [0, 0, 1, 0], [], []>, transpose_lhs_hint = false} : vector<256x64xf32>, vector<256x64xf32>, vector<256x256xf32> -> vector<256x256xf32>
    %iota3A = tpu.iota {dimensions = array<i32: 0>} : vector<256x256xi32>
    %add3A = arith.constant 0 : i32
    %add3A_17 = vector.broadcast %add3A : i32 to vector<256x256xi32>
    %add3A_18 = arith.addi %add3A_17, %iota3A : vector<256x256xi32>
    %iota3A_19 = tpu.iota {dimensions = array<i32: 1>} : vector<256x256xi32>
    %le3A = arith.cmpi sle, %iota3A_19, %add3A_18 : vector<256x256xi32>
    %jit3A = arith.constant 0.000000e+00 : f32
    %jit3A_20 = arith.constant -1.000000e+09 : f32
    %broadcast_in_dim3A = vector.broadcast %jit3A : f32 to vector<256x256xf32>
    %broadcast_in_dim3A_21 = vector.broadcast %jit3A_20 : f32 to vector<256x256xf32>
    %select_n3A = arith.select %le3A, %broadcast_in_dim3A, %broadcast_in_dim3A_21 : vector<256x256xi1>, vector<256x256xf32>
    %add3A_22 = arith.addf %dot_general3A_16, %select_n3A : vector<256x256xf32>
    %exp3A = math.exp %add3A_22 : vector<256x256xf32>
    %reduce_sum3A = arith.constant dense<0.000000e+00> : vector<256xf32>
    %reduce_sum3A_23 = vector.multi_reduction <add>, %exp3A, %reduce_sum3A [1] : vector<256x256xf32> to vector<256xf32>
    %broadcast_in_dim3A_24 = vector.shape_cast %reduce_sum3A_23 : vector<256xf32> to vector<256x1xf32>
    %div3A = vector.broadcast %broadcast_in_dim3A_24 : vector<256x1xf32> to vector<256x256xf32>
    %div3A_25 = arith.divf %exp3A, %div3A : vector<256x256xf32>
    %dot_general3A_26 = arith.constant dense<0.000000e+00> : vector<256x64xf32>
    %dot_general3A_27 = tpu.matmul %div3A_25, %reshape3A_9, %dot_general3A_26 {dimension_numbers = #tpu.dot_dimension_numbers<[1], [0], [0], [1], [0, 0, 1, 1], [], []>, transpose_lhs_hint = false} : vector<256x256xf32>, vector<256x64xf32>, vector<256x64xf32> -> vector<256x64xf32>
    %swap3A = arith.constant 0 : index
    %swap3A_28 = arith.constant 0 : index
    %swap3A_29 = arith.constant 0 : index
    %swap3A_30 = vector.load %arg4[%swap3A, %swap3A_28, %swap3A_29] : memref<1x256x64xf32, #tpu.memory_space<vmem>>, vector<1x256x64xf32>
    %swap3A_31 = vector.shape_cast %swap3A_30 : vector<1x256x64xf32> to vector<256x64xf32>
    %swap3A_32 = vector.shape_cast %dot_general3A_27 : vector<256x64xf32> to vector<1x256x64xf32>
    tpu.vector_store %arg4[%swap3A, %swap3A_28, %swap3A_29], %swap3A_32 {strides = array<i32>} : memref<1x256x64xf32, #tpu.memory_space<vmem>>, vector<1x256x64xf32>,
    return
  }
  func.func @transform_0(%arg0: i32) -> (i32, i32, i32, i32) {
    %c0_i32 = arith.constant 0 : i32
    %c0_i32_0 = arith.constant 0 : i32
    %c0_i32_1 = arith.constant 0 : i32
    %c0_i32_2 = arith.constant 0 : i32
    return %c0_i32, %arg0, %c0_i32_0, %c0_i32_1 : i32, i32, i32, i32
  }
  func.func @transform_1(%arg0: i32) -> (i32, i32, i32, i32) {
    %c0_i32 = arith.constant 0 : i32
    %c0_i32_0 = arith.constant 0 : i32
    %c0_i32_1 = arith.constant 0 : i32
    %c0_i32_2 = arith.constant 0 : i32
    return %c0_i32, %arg0, %c0_i32_0, %c0_i32_1 : i32, i32, i32, i32
  }
  func.func @transform_2(%arg0: i32) -> (i32, i32, i32, i32) {
    %c0_i32 = arith.constant 0 : i32
    %c0_i32_0 = arith.constant 0 : i32
    %c0_i32_1 = arith.constant 0 : i32
    %c0_i32_2 = arith.constant 0 : i32
    return %c0_i32, %arg0, %c0_i32_0, %c0_i32_1 : i32, i32, i32, i32
  }
  func.func @transform_3(%arg0: i32) -> (i32, i32, i32) {
    %c0_i32 = arith.constant 0 : i32
    %c0_i32_0 = arith.constant 0 : i32
    %c0_i32_1 = arith.constant 0 : i32
    return %arg0, %c0_i32, %c0_i32_0 : i32, i32, i32
  }
}

module attributes {stable_mosaic.version = 14 : i64} {
  func.func @_k3a_body(%arg0: i32, %arg1: memref<12x256x64xf32, #tpu.memory_space<vmem>>, %arg2: memref<256x768xf32, #tpu.memory_space<vmem>>, %arg3: memref<768x768xf32, #tpu.memory_space<vmem>>, %arg4: memref<1x768xf32, #tpu.memory_space<vmem>>, %arg5: memref<768x64xf32, #tpu.memory_space<vmem>>, %arg6: memref<256x768xf32, #tpu.memory_space<vmem>>, %arg7: memref<256x768xf32, #tpu.memory_space<vmem>>, %arg8: memref<256x64xf32, #tpu.memory_space<vmem>>) attributes {dimension_semantics = [#tpu.dimension_semantics<arbitrary>], iteration_bounds = array<i64: 8>, scalar_prefetch = 0 : i64, scratch_operands = 0 : i64, tpu.core_type = #tpu.core_type<tc>, window_params = [{transform_indices = @transform_0, window_bounds = array<i64: 12, 256, 64>}, {transform_indices = @transform_1, window_bounds = array<i64: 256, 768>}, {pipeline_mode = #tpu.pipeline_mode<synchronous>, transform_indices = @transform_2, window_bounds = array<i64: 768, 768>}, {pipeline_mode = #tpu.pipeline_mode<synchronous>, transform_indices = @transform_3, window_bounds = array<i64: 1, 768>}, {pipeline_mode = #tpu.pipeline_mode<synchronous>, transform_indices = @transform_4, window_bounds = array<i64: 768, 64>}, {transform_indices = @transform_5, window_bounds = array<i64: 256, 768>}, {transform_indices = @transform_6, window_bounds = array<i64: 256, 768>}, {transform_indices = @transform_7, window_bounds = array<i64: 256, 64>}]} {
    %get3A = arith.constant 0 : index
    %get3A_0 = arith.constant 0 : index
    %get3A_1 = vector.load %arg3[%get3A, %get3A_0] : memref<768x768xf32, #tpu.memory_space<vmem>>, vector<768x768xf32>
    %get3A_2 = arith.constant 0 : index
    %get3A_3 = arith.constant 0 : index
    %get3A_4 = arith.constant 0 : index
    %get3A_5 = vector.load %arg1[%get3A_2, %get3A_3, %get3A_4] : memref<12x256x64xf32, #tpu.memory_space<vmem>>, vector<1x256x64xf32>
    %get3A_6 = vector.shape_cast %get3A_5 : vector<1x256x64xf32> to vector<256x64xf32>
    %slice3A = vector.extract_strided_slice %get3A_1 {offsets = [0, 0], sizes = [768, 64], strides = [1, 1]} : vector<768x768xf32> to vector<768x64xf32>
    %dot_general3A = arith.constant dense<0.000000e+00> : vector<256x768xf32>
    %dot_general3A_7 = tpu.matmul %get3A_6, %slice3A, %dot_general3A {dimension_numbers = #tpu.dot_dimension_numbers<[1], [1], [0], [0], [0, 0, 1, 0], [], []>, transpose_lhs_hint = false} : vector<256x64xf32>, vector<768x64xf32>, vector<256x768xf32> -> vector<256x768xf32>
    %get3A_8 = arith.constant 1 : index
    %get3A_9 = arith.constant 0 : index
    %get3A_10 = arith.constant 0 : index
    %get3A_11 = vector.load %arg1[%get3A_8, %get3A_9, %get3A_10] : memref<12x256x64xf32, #tpu.memory_space<vmem>>, vector<1x256x64xf32>
    %get3A_12 = vector.shape_cast %get3A_11 : vector<1x256x64xf32> to vector<256x64xf32>
    %slice3A_13 = vector.extract_strided_slice %get3A_1 {offsets = [0, 64], sizes = [768, 64], strides = [1, 1]} : vector<768x768xf32> to vector<768x64xf32>
    %dot_general3A_14 = arith.constant dense<0.000000e+00> : vector<256x768xf32>
    %dot_general3A_15 = tpu.matmul %get3A_12, %slice3A_13, %dot_general3A_14 {dimension_numbers = #tpu.dot_dimension_numbers<[1], [1], [0], [0], [0, 0, 1, 0], [], []>, transpose_lhs_hint = false} : vector<256x64xf32>, vector<768x64xf32>, vector<256x768xf32> -> vector<256x768xf32>
    %add3A = arith.addf %dot_general3A_7, %dot_general3A_15 : vector<256x768xf32>
    %get3A_16 = arith.constant 2 : index
    %get3A_17 = arith.constant 0 : index
    %get3A_18 = arith.constant 0 : index
    %get3A_19 = vector.load %arg1[%get3A_16, %get3A_17, %get3A_18] : memref<12x256x64xf32, #tpu.memory_space<vmem>>, vector<1x256x64xf32>
    %get3A_20 = vector.shape_cast %get3A_19 : vector<1x256x64xf32> to vector<256x64xf32>
    %slice3A_21 = vector.extract_strided_slice %get3A_1 {offsets = [0, 128], sizes = [768, 64], strides = [1, 1]} : vector<768x768xf32> to vector<768x64xf32>
    %dot_general3A_22 = arith.constant dense<0.000000e+00> : vector<256x768xf32>
    %dot_general3A_23 = tpu.matmul %get3A_20, %slice3A_21, %dot_general3A_22 {dimension_numbers = #tpu.dot_dimension_numbers<[1], [1], [0], [0], [0, 0, 1, 0], [], []>, transpose_lhs_hint = false} : vector<256x64xf32>, vector<768x64xf32>, vector<256x768xf32> -> vector<256x768xf32>
    %add3A_24 = arith.addf %add3A, %dot_general3A_23 : vector<256x768xf32>
    %get3A_25 = arith.constant 3 : index
    %get3A_26 = arith.constant 0 : index
    %get3A_27 = arith.constant 0 : index
    %get3A_28 = vector.load %arg1[%get3A_25, %get3A_26, %get3A_27] : memref<12x256x64xf32, #tpu.memory_space<vmem>>, vector<1x256x64xf32>
    %get3A_29 = vector.shape_cast %get3A_28 : vector<1x256x64xf32> to vector<256x64xf32>
    %slice3A_30 = vector.extract_strided_slice %get3A_1 {offsets = [0, 192], sizes = [768, 64], strides = [1, 1]} : vector<768x768xf32> to vector<768x64xf32>
    %dot_general3A_31 = arith.constant dense<0.000000e+00> : vector<256x768xf32>
    %dot_general3A_32 = tpu.matmul %get3A_29, %slice3A_30, %dot_general3A_31 {dimension_numbers = #tpu.dot_dimension_numbers<[1], [1], [0], [0], [0, 0, 1, 0], [], []>, transpose_lhs_hint = false} : vector<256x64xf32>, vector<768x64xf32>, vector<256x768xf32> -> vector<256x768xf32>
    %add3A_33 = arith.addf %add3A_24, %dot_general3A_32 : vector<256x768xf32>
    %get3A_34 = arith.constant 4 : index
    %get3A_35 = arith.constant 0 : index
    %get3A_36 = arith.constant 0 : index
    %get3A_37 = vector.load %arg1[%get3A_34, %get3A_35, %get3A_36] : memref<12x256x64xf32, #tpu.memory_space<vmem>>, vector<1x256x64xf32>
    %get3A_38 = vector.shape_cast %get3A_37 : vector<1x256x64xf32> to vector<256x64xf32>
    %slice3A_39 = vector.extract_strided_slice %get3A_1 {offsets = [0, 256], sizes = [768, 64], strides = [1, 1]} : vector<768x768xf32> to vector<768x64xf32>
    %dot_general3A_40 = arith.constant dense<0.000000e+00> : vector<256x768xf32>
    %dot_general3A_41 = tpu.matmul %get3A_38, %slice3A_39, %dot_general3A_40 {dimension_numbers = #tpu.dot_dimension_numbers<[1], [1], [0], [0], [0, 0, 1, 0], [], []>, transpose_lhs_hint = false} : vector<256x64xf32>, vector<768x64xf32>, vector<256x768xf32> -> vector<256x768xf32>
    %add3A_42 = arith.addf %add3A_33, %dot_general3A_41 : vector<256x768xf32>
    %get3A_43 = arith.constant 5 : index
    %get3A_44 = arith.constant 0 : index
    %get3A_45 = arith.constant 0 : index
    %get3A_46 = vector.load %arg1[%get3A_43, %get3A_44, %get3A_45] : memref<12x256x64xf32, #tpu.memory_space<vmem>>, vector<1x256x64xf32>
    %get3A_47 = vector.shape_cast %get3A_46 : vector<1x256x64xf32> to vector<256x64xf32>
    %slice3A_48 = vector.extract_strided_slice %get3A_1 {offsets = [0, 320], sizes = [768, 64], strides = [1, 1]} : vector<768x768xf32> to vector<768x64xf32>
    %dot_general3A_49 = arith.constant dense<0.000000e+00> : vector<256x768xf32>
    %dot_general3A_50 = tpu.matmul %get3A_47, %slice3A_48, %dot_general3A_49 {dimension_numbers = #tpu.dot_dimension_numbers<[1], [1], [0], [0], [0, 0, 1, 0], [], []>, transpose_lhs_hint = false} : vector<256x64xf32>, vector<768x64xf32>, vector<256x768xf32> -> vector<256x768xf32>
    %add3A_51 = arith.addf %add3A_42, %dot_general3A_50 : vector<256x768xf32>
    %get3A_52 = arith.constant 6 : index
    %get3A_53 = arith.constant 0 : index
    %get3A_54 = arith.constant 0 : index
    %get3A_55 = vector.load %arg1[%get3A_52, %get3A_53, %get3A_54] : memref<12x256x64xf32, #tpu.memory_space<vmem>>, vector<1x256x64xf32>
    %get3A_56 = vector.shape_cast %get3A_55 : vector<1x256x64xf32> to vector<256x64xf32>
    %slice3A_57 = vector.extract_strided_slice %get3A_1 {offsets = [0, 384], sizes = [768, 64], strides = [1, 1]} : vector<768x768xf32> to vector<768x64xf32>
    %dot_general3A_58 = arith.constant dense<0.000000e+00> : vector<256x768xf32>
    %dot_general3A_59 = tpu.matmul %get3A_56, %slice3A_57, %dot_general3A_58 {dimension_numbers = #tpu.dot_dimension_numbers<[1], [1], [0], [0], [0, 0, 1, 0], [], []>, transpose_lhs_hint = false} : vector<256x64xf32>, vector<768x64xf32>, vector<256x768xf32> -> vector<256x768xf32>
    %add3A_60 = arith.addf %add3A_51, %dot_general3A_59 : vector<256x768xf32>
    %get3A_61 = arith.constant 7 : index
    %get3A_62 = arith.constant 0 : index
    %get3A_63 = arith.constant 0 : index
    %get3A_64 = vector.load %arg1[%get3A_61, %get3A_62, %get3A_63] : memref<12x256x64xf32, #tpu.memory_space<vmem>>, vector<1x256x64xf32>
    %get3A_65 = vector.shape_cast %get3A_64 : vector<1x256x64xf32> to vector<256x64xf32>
    %slice3A_66 = vector.extract_strided_slice %get3A_1 {offsets = [0, 448], sizes = [768, 64], strides = [1, 1]} : vector<768x768xf32> to vector<768x64xf32>
    %dot_general3A_67 = arith.constant dense<0.000000e+00> : vector<256x768xf32>
    %dot_general3A_68 = tpu.matmul %get3A_65, %slice3A_66, %dot_general3A_67 {dimension_numbers = #tpu.dot_dimension_numbers<[1], [1], [0], [0], [0, 0, 1, 0], [], []>, transpose_lhs_hint = false} : vector<256x64xf32>, vector<768x64xf32>, vector<256x768xf32> -> vector<256x768xf32>
    %add3A_69 = arith.addf %add3A_60, %dot_general3A_68 : vector<256x768xf32>
    %get3A_70 = arith.constant 8 : index
    %get3A_71 = arith.constant 0 : index
    %get3A_72 = arith.constant 0 : index
    %get3A_73 = vector.load %arg1[%get3A_70, %get3A_71, %get3A_72] : memref<12x256x64xf32, #tpu.memory_space<vmem>>, vector<1x256x64xf32>
    %get3A_74 = vector.shape_cast %get3A_73 : vector<1x256x64xf32> to vector<256x64xf32>
    %slice3A_75 = vector.extract_strided_slice %get3A_1 {offsets = [0, 512], sizes = [768, 64], strides = [1, 1]} : vector<768x768xf32> to vector<768x64xf32>
    %dot_general3A_76 = arith.constant dense<0.000000e+00> : vector<256x768xf32>
    %dot_general3A_77 = tpu.matmul %get3A_74, %slice3A_75, %dot_general3A_76 {dimension_numbers = #tpu.dot_dimension_numbers<[1], [1], [0], [0], [0, 0, 1, 0], [], []>, transpose_lhs_hint = false} : vector<256x64xf32>, vector<768x64xf32>, vector<256x768xf32> -> vector<256x768xf32>
    %add3A_78 = arith.addf %add3A_69, %dot_general3A_77 : vector<256x768xf32>
    %get3A_79 = arith.constant 9 : index
    %get3A_80 = arith.constant 0 : index
    %get3A_81 = arith.constant 0 : index
    %get3A_82 = vector.load %arg1[%get3A_79, %get3A_80, %get3A_81] : memref<12x256x64xf32, #tpu.memory_space<vmem>>, vector<1x256x64xf32>
    %get3A_83 = vector.shape_cast %get3A_82 : vector<1x256x64xf32> to vector<256x64xf32>
    %slice3A_84 = vector.extract_strided_slice %get3A_1 {offsets = [0, 576], sizes = [768, 64], strides = [1, 1]} : vector<768x768xf32> to vector<768x64xf32>
    %dot_general3A_85 = arith.constant dense<0.000000e+00> : vector<256x768xf32>
    %dot_general3A_86 = tpu.matmul %get3A_83, %slice3A_84, %dot_general3A_85 {dimension_numbers = #tpu.dot_dimension_numbers<[1], [1], [0], [0], [0, 0, 1, 0], [], []>, transpose_lhs_hint = false} : vector<256x64xf32>, vector<768x64xf32>, vector<256x768xf32> -> vector<256x768xf32>
    %add3A_87 = arith.addf %add3A_78, %dot_general3A_86 : vector<256x768xf32>
    %get3A_88 = arith.constant 10 : index
    %get3A_89 = arith.constant 0 : index
    %get3A_90 = arith.constant 0 : index
    %get3A_91 = vector.load %arg1[%get3A_88, %get3A_89, %get3A_90] : memref<12x256x64xf32, #tpu.memory_space<vmem>>, vector<1x256x64xf32>
    %get3A_92 = vector.shape_cast %get3A_91 : vector<1x256x64xf32> to vector<256x64xf32>
    %slice3A_93 = vector.extract_strided_slice %get3A_1 {offsets = [0, 640], sizes = [768, 64], strides = [1, 1]} : vector<768x768xf32> to vector<768x64xf32>
    %dot_general3A_94 = arith.constant dense<0.000000e+00> : vector<256x768xf32>
    %dot_general3A_95 = tpu.matmul %get3A_92, %slice3A_93, %dot_general3A_94 {dimension_numbers = #tpu.dot_dimension_numbers<[1], [1], [0], [0], [0, 0, 1, 0], [], []>, transpose_lhs_hint = false} : vector<256x64xf32>, vector<768x64xf32>, vector<256x768xf32> -> vector<256x768xf32>
    %add3A_96 = arith.addf %add3A_87, %dot_general3A_95 : vector<256x768xf32>
    %get3A_97 = arith.constant 11 : index
    %get3A_98 = arith.constant 0 : index
    %get3A_99 = arith.constant 0 : index
    %get3A_100 = vector.load %arg1[%get3A_97, %get3A_98, %get3A_99] : memref<12x256x64xf32, #tpu.memory_space<vmem>>, vector<1x256x64xf32>
    %get3A_101 = vector.shape_cast %get3A_100 : vector<1x256x64xf32> to vector<256x64xf32>
    %slice3A_102 = vector.extract_strided_slice %get3A_1 {offsets = [0, 704], sizes = [768, 64], strides = [1, 1]} : vector<768x768xf32> to vector<768x64xf32>
    %dot_general3A_103 = arith.constant dense<0.000000e+00> : vector<256x768xf32>
    %dot_general3A_104 = tpu.matmul %get3A_101, %slice3A_102, %dot_general3A_103 {dimension_numbers = #tpu.dot_dimension_numbers<[1], [1], [0], [0], [0, 0, 1, 0], [], []>, transpose_lhs_hint = false} : vector<256x64xf32>, vector<768x64xf32>, vector<256x768xf32> -> vector<256x768xf32>
    %add3A_105 = arith.addf %add3A_96, %dot_general3A_104 : vector<256x768xf32>
    %get3A_106 = arith.constant 0 : index
    %get3A_107 = arith.constant 0 : index
    %get3A_108 = vector.load %arg2[%get3A_106, %get3A_107] : memref<256x768xf32, #tpu.memory_space<vmem>>, vector<256x768xf32>
    %add3A_109 = arith.addf %get3A_108, %add3A_105 : vector<256x768xf32>
    %get3A_110 = arith.constant 0 : index
    %get3A_111 = arith.constant 0 : index
    %get3A_112 = vector.load %arg4[%get3A_110, %get3A_111] : memref<1x768xf32, #tpu.memory_space<vmem>>, vector<1x768xf32>
    %mul3A = arith.mulf %add3A_109, %add3A_109 : vector<256x768xf32>
    %reduce_sum3A = arith.constant dense<0.000000e+00> : vector<256xf32>
    %reduce_sum3A_113 = vector.multi_reduction <add>, %mul3A, %reduce_sum3A [1] : vector<256x768xf32> to vector<256xf32>
    %broadcast_in_dim3A = vector.shape_cast %reduce_sum3A_113 : vector<256xf32> to vector<256x1xf32>
    %div3A = arith.constant 7.680000e+02 : f32
    %div3A_114 = vector.broadcast %div3A : f32 to vector<256x1xf32>
    %div3A_115 = arith.divf %broadcast_in_dim3A, %div3A_114 : vector<256x1xf32>
    %add3A_116 = arith.constant 9.99999997E-7 : f32
    %add3A_117 = vector.broadcast %add3A_116 : f32 to vector<256x1xf32>
    %add3A_118 = arith.addf %div3A_115, %add3A_117 : vector<256x1xf32>
    %rsqrt3A = math.rsqrt %add3A_118 : vector<256x1xf32>
    %mul3A_119 = vector.broadcast %rsqrt3A : vector<256x1xf32> to vector<256x768xf32>
    %mul3A_120 = arith.mulf %add3A_109, %mul3A_119 : vector<256x768xf32>
    %mul3A_121 = vector.broadcast %get3A_112 : vector<1x768xf32> to vector<256x768xf32>
    %mul3A_122 = arith.mulf %mul3A_120, %mul3A_121 : vector<256x768xf32>
    %swap3A = arith.constant 0 : index
    %swap3A_123 = arith.constant 0 : index
    %swap3A_124 = vector.load %arg6[%swap3A, %swap3A_123] : memref<256x768xf32, #tpu.memory_space<vmem>>, vector<256x768xf32>
    tpu.vector_store %arg6[%swap3A, %swap3A_123], %add3A_109 {strides = array<i32>} : memref<256x768xf32, #tpu.memory_space<vmem>>, vector<256x768xf32>,
    %swap3A_125 = arith.constant 0 : index
    %swap3A_126 = arith.constant 0 : index
    %swap3A_127 = vector.load %arg7[%swap3A_125, %swap3A_126] : memref<256x768xf32, #tpu.memory_space<vmem>>, vector<256x768xf32>
    tpu.vector_store %arg7[%swap3A_125, %swap3A_126], %mul3A_122 {strides = array<i32>} : memref<256x768xf32, #tpu.memory_space<vmem>>, vector<256x768xf32>,
    %get3A_128 = arith.constant 0 : index
    %get3A_129 = arith.constant 0 : index
    %get3A_130 = vector.load %arg5[%get3A_128, %get3A_129] : memref<768x64xf32, #tpu.memory_space<vmem>>, vector<768x64xf32>
    %dot_general3A_131 = arith.constant dense<0.000000e+00> : vector<256x64xf32>
    %dot_general3A_132 = tpu.matmul %mul3A_122, %get3A_130, %dot_general3A_131 {dimension_numbers = #tpu.dot_dimension_numbers<[1], [0], [0], [1], [0, 0, 1, 1], [], []>, precision = #tpu.contract_precision<fp32>, transpose_lhs_hint = false} : vector<256x768xf32>, vector<768x64xf32>, vector<256x64xf32> -> vector<256x64xf32>
    %swap3A_133 = arith.constant 0 : index
    %swap3A_134 = arith.constant 0 : index
    %swap3A_135 = vector.load %arg8[%swap3A_133, %swap3A_134] : memref<256x64xf32, #tpu.memory_space<vmem>>, vector<256x64xf32>
    tpu.vector_store %arg8[%swap3A_133, %swap3A_134], %dot_general3A_132 {strides = array<i32>} : memref<256x64xf32, #tpu.memory_space<vmem>>, vector<256x64xf32>,
    return
  }
  func.func @transform_0(%arg0: i32) -> (i32, i32, i32) {
    %c0_i32 = arith.constant 0 : i32
    %c0_i32_0 = arith.constant 0 : i32
    %c0_i32_1 = arith.constant 0 : i32
    return %c0_i32, %arg0, %c0_i32_0 : i32, i32, i32
  }
  func.func @transform_1(%arg0: i32) -> (i32, i32) {
    %c0_i32 = arith.constant 0 : i32
    %c0_i32_0 = arith.constant 0 : i32
    return %arg0, %c0_i32 : i32, i32
  }
  func.func @transform_2(%arg0: i32) -> (i32, i32) {
    %c0_i32 = arith.constant 0 : i32
    %c0_i32_0 = arith.constant 0 : i32
    %c0_i32_1 = arith.constant 0 : i32
    return %c0_i32, %c0_i32_0 : i32, i32
  }
  func.func @transform_3(%arg0: i32) -> (i32, i32) {
    %c0_i32 = arith.constant 0 : i32
    %c0_i32_0 = arith.constant 0 : i32
    %c0_i32_1 = arith.constant 0 : i32
    return %c0_i32, %c0_i32_0 : i32, i32
  }
  func.func @transform_4(%arg0: i32) -> (i32, i32) {
    %c0_i32 = arith.constant 0 : i32
    %c0_i32_0 = arith.constant 0 : i32
    %c0_i32_1 = arith.constant 0 : i32
    return %c0_i32, %c0_i32_0 : i32, i32
  }
  func.func @transform_5(%arg0: i32) -> (i32, i32) {
    %c0_i32 = arith.constant 0 : i32
    %c0_i32_0 = arith.constant 0 : i32
    return %arg0, %c0_i32 : i32, i32
  }
  func.func @transform_6(%arg0: i32) -> (i32, i32) {
    %c0_i32 = arith.constant 0 : i32
    %c0_i32_0 = arith.constant 0 : i32
    return %arg0, %c0_i32 : i32, i32
  }
  func.func @transform_7(%arg0: i32) -> (i32, i32) {
    %c0_i32 = arith.constant 0 : i32
    %c0_i32_0 = arith.constant 0 : i32
    return %arg0, %c0_i32 : i32, i32
  }
}

module attributes {stable_mosaic.version = 14 : i64} {
  func.func @_k3b_body(%arg0: memref<2048x64xf32, #tpu.memory_space<vmem>>, %arg1: memref<2048x2048xbf16, #tpu.memory_space<vmem>>, %arg2: memref<2048x1xi32, #tpu.memory_space<vmem>>, %arg3: memref<2048x1xi32, #tpu.memory_space<vmem>>, %arg4: memref<2048x1xi32, #tpu.memory_space<vmem>>, %arg5: memref<2048x1xi32, #tpu.memory_space<vmem>>, %arg6: memref<2048x1xf32, #tpu.memory_space<vmem>>, %arg7: memref<2048x1xf32, #tpu.memory_space<vmem>>) attributes {dimension_semantics = [], scalar_prefetch = 0 : i64, scratch_operands = 0 : i64, tpu.core_type = #tpu.core_type<tc>} {
    %get3A = arith.constant 0 : index
    %get3A_0 = arith.constant 0 : index
    %get3A_1 = vector.load %arg0[%get3A, %get3A_0] : memref<2048x64xf32, #tpu.memory_space<vmem>>, vector<2048x64xf32>
    %reduce_max3A = arith.constant dense<0xFF800000> : vector<2048xf32>
    %reduce_max3A_2 = vector.multi_reduction <maximumf>, %get3A_1, %reduce_max3A [1] : vector<2048x64xf32> to vector<2048xf32>
    %broadcast_in_dim3A = vector.shape_cast %reduce_max3A_2 : vector<2048xf32> to vector<2048x1xf32>
    %sub3A = vector.broadcast %broadcast_in_dim3A : vector<2048x1xf32> to vector<2048x64xf32>
    %sub3A_3 = arith.subf %get3A_1, %sub3A : vector<2048x64xf32>
    %exp3A = math.exp %sub3A_3 : vector<2048x64xf32>
    %reduce_sum3A = arith.constant dense<0.000000e+00> : vector<2048xf32>
    %reduce_sum3A_4 = vector.multi_reduction <add>, %exp3A, %reduce_sum3A [1] : vector<2048x64xf32> to vector<2048xf32>
    %broadcast_in_dim3A_5 = vector.shape_cast %reduce_sum3A_4 : vector<2048xf32> to vector<2048x1xf32>
    %div3A = vector.broadcast %broadcast_in_dim3A_5 : vector<2048x1xf32> to vector<2048x64xf32>
    %div3A_6 = arith.divf %exp3A, %div3A : vector<2048x64xf32>
    %iota3A = tpu.iota {dimensions = array<i32: 1>} : vector<2048x64xi32>
    %reduce_max3A_7 = arith.constant dense<0xFF800000> : vector<2048xf32>
    %reduce_max3A_8 = vector.multi_reduction <maximumf>, %div3A_6, %reduce_max3A_7 [1] : vector<2048x64xf32> to vector<2048xf32>
    %broadcast_in_dim3A_9 = vector.shape_cast %reduce_max3A_8 : vector<2048xf32> to vector<2048x1xf32>
    %eq3A = vector.broadcast %broadcast_in_dim3A_9 : vector<2048x1xf32> to vector<2048x64xf32>
    %eq3A_10 = arith.cmpf oeq, %div3A_6, %eq3A : vector<2048x64xf32>
    %jit3A = arith.constant 64 : i32
    %broadcast_in_dim3A_11 = vector.broadcast %jit3A : i32 to vector<2048x64xi32>
    %select_n3A = arith.select %eq3A_10, %iota3A, %broadcast_in_dim3A_11 : vector<2048x64xi1>, vector<2048x64xi32>
    %reduce_min3A = arith.constant dense<2147483647> : vector<2048xi32>
    %reduce_min3A_12 = vector.multi_reduction <minsi>, %select_n3A, %reduce_min3A [1] : vector<2048x64xi32> to vector<2048xi32>
    %broadcast_in_dim3A_13 = vector.shape_cast %reduce_min3A_12 : vector<2048xi32> to vector<2048x1xi32>
    %eq3A_14 = vector.broadcast %broadcast_in_dim3A_13 : vector<2048x1xi32> to vector<2048x64xi32>
    %eq3A_15 = arith.cmpi eq, %iota3A, %eq3A_14 : vector<2048x64xi32>
    %convert_element_type3A = arith.extui %eq3A_15 : vector<2048x64xi1> to vector<2048x64xi32>
    %convert_element_type3A_16 = arith.sitofp %convert_element_type3A : vector<2048x64xi32> to vector<2048x64xf32>
    %sub3A_17 = arith.constant 1.000000e+00 : f32
    %sub3A_18 = vector.broadcast %sub3A_17 : f32 to vector<2048x64xf32>
    %sub3A_19 = arith.subf %sub3A_18, %convert_element_type3A_16 : vector<2048x64xf32>
    %mul3A = arith.mulf %div3A_6, %sub3A_19 : vector<2048x64xf32>
    %reduce_max3A_20 = arith.constant dense<0xFF800000> : vector<2048xf32>
    %reduce_max3A_21 = vector.multi_reduction <maximumf>, %mul3A, %reduce_max3A_20 [1] : vector<2048x64xf32> to vector<2048xf32>
    %broadcast_in_dim3A_22 = vector.shape_cast %reduce_max3A_21 : vector<2048xf32> to vector<2048x1xf32>
    %eq3A_23 = vector.broadcast %broadcast_in_dim3A_22 : vector<2048x1xf32> to vector<2048x64xf32>
    %eq3A_24 = arith.cmpf oeq, %mul3A, %eq3A_23 : vector<2048x64xf32>
    %jit3A_25 = arith.constant 64 : i32
    %broadcast_in_dim3A_26 = vector.broadcast %jit3A_25 : i32 to vector<2048x64xi32>
    %select_n3A_27 = arith.select %eq3A_24, %iota3A, %broadcast_in_dim3A_26 : vector<2048x64xi1>, vector<2048x64xi32>
    %reduce_min3A_28 = arith.constant dense<2147483647> : vector<2048xi32>
    %reduce_min3A_29 = vector.multi_reduction <minsi>, %select_n3A_27, %reduce_min3A_28 [1] : vector<2048x64xi32> to vector<2048xi32>
    %broadcast_in_dim3A_30 = vector.shape_cast %reduce_min3A_29 : vector<2048xi32> to vector<2048x1xi32>
    %eq3A_31 = vector.broadcast %broadcast_in_dim3A_30 : vector<2048x1xi32> to vector<2048x64xi32>
    %eq3A_32 = arith.cmpi eq, %iota3A, %eq3A_31 : vector<2048x64xi32>
    %convert_element_type3A_33 = arith.extui %eq3A_32 : vector<2048x64xi1> to vector<2048x64xi32>
    %convert_element_type3A_34 = arith.sitofp %convert_element_type3A_33 : vector<2048x64xi32> to vector<2048x64xf32>
    %get3A_35 = arith.constant 0 : index
    %get3A_36 = arith.constant 0 : index
    %get3A_37 = vector.load %arg1[%get3A_35, %get3A_36] : memref<2048x2048xbf16, #tpu.memory_space<vmem>>, vector<2048x2048xbf16>
    %convert_element_type3A_38 = arith.truncf %convert_element_type3A_16 : vector<2048x64xf32> to vector<2048x64xbf16>
    %dot_general3A = arith.constant dense<0.000000e+00> : vector<2048x64xf32>
    %dot_general3A_39 = tpu.matmul %get3A_37, %convert_element_type3A_38, %dot_general3A {dimension_numbers = #tpu.dot_dimension_numbers<[1], [0], [0], [1], [0, 0, 1, 1], [], []>, transpose_lhs_hint = false} : vector<2048x2048xbf16>, vector<2048x64xbf16>, vector<2048x64xf32> -> vector<2048x64xf32>
    %convert_element_type3A_40 = arith.truncf %convert_element_type3A_34 : vector<2048x64xf32> to vector<2048x64xbf16>
    %dot_general3A_41 = arith.constant dense<0.000000e+00> : vector<2048x64xf32>
    %dot_general3A_42 = tpu.matmul %get3A_37, %convert_element_type3A_40, %dot_general3A_41 {dimension_numbers = #tpu.dot_dimension_numbers<[1], [0], [0], [1], [0, 0, 1, 1], [], []>, transpose_lhs_hint = false} : vector<2048x2048xbf16>, vector<2048x64xbf16>, vector<2048x64xf32> -> vector<2048x64xf32>
    %sub3A_43 = arith.constant 1.000000e+00 : f32
    %sub3A_44 = vector.broadcast %sub3A_43 : f32 to vector<2048x64xf32>
    %sub3A_45 = arith.subf %dot_general3A_39, %sub3A_44 : vector<2048x64xf32>
    %slice3A = vector.extract_strided_slice %dot_general3A_39 {offsets = [2047, 0], sizes = [1, 64], strides = [1, 1]} : vector<2048x64xf32> to vector<1x64xf32>
    %sub3A_46 = arith.constant 1.000000e+00 : f32
    %sub3A_47 = vector.broadcast %sub3A_46 : f32 to vector<2048x64xf32>
    %sub3A_48 = arith.subf %dot_general3A_42, %sub3A_47 : vector<2048x64xf32>
    %add3A = vector.broadcast %slice3A : vector<1x64xf32> to vector<2048x64xf32>
    %add3A_49 = arith.addf %sub3A_48, %add3A : vector<2048x64xf32>
    %lt3A = arith.constant 8.000000e+01 : f32
    %lt3A_50 = vector.broadcast %lt3A : f32 to vector<2048x64xf32>
    %lt3A_51 = arith.cmpf olt, %sub3A_45, %lt3A_50 : vector<2048x64xf32>
    %jit3A_52 = arith.constant 0.000000e+00 : f32
    %broadcast_in_dim3A_53 = vector.broadcast %jit3A_52 : f32 to vector<2048x64xf32>
    %select_n3A_54 = arith.select %lt3A_51, %convert_element_type3A_16, %broadcast_in_dim3A_53 : vector<2048x64xi1>, vector<2048x64xf32>
    %lt3A_55 = arith.constant 8.000000e+01 : f32
    %lt3A_56 = vector.broadcast %lt3A_55 : f32 to vector<2048x64xf32>
    %lt3A_57 = arith.cmpf olt, %add3A_49, %lt3A_56 : vector<2048x64xf32>
    %jit3A_58 = arith.constant 0.000000e+00 : f32
    %broadcast_in_dim3A_59 = vector.broadcast %jit3A_58 : f32 to vector<2048x64xf32>
    %select_n3A_60 = arith.select %lt3A_57, %convert_element_type3A_34, %broadcast_in_dim3A_59 : vector<2048x64xi1>, vector<2048x64xf32>
    %mul3A_61 = arith.mulf %div3A_6, %select_n3A_54 : vector<2048x64xf32>
    %reduce_sum3A_62 = arith.constant dense<0.000000e+00> : vector<2048xf32>
    %reduce_sum3A_63 = vector.multi_reduction <add>, %mul3A_61, %reduce_sum3A_62 [1] : vector<2048x64xf32> to vector<2048xf32>
    %broadcast_in_dim3A_64 = vector.shape_cast %reduce_sum3A_63 : vector<2048xf32> to vector<2048x1xf32>
    %mul3A_65 = arith.mulf %mul3A, %select_n3A_60 : vector<2048x64xf32>
    %reduce_sum3A_66 = arith.constant dense<0.000000e+00> : vector<2048xf32>
    %reduce_sum3A_67 = vector.multi_reduction <add>, %mul3A_65, %reduce_sum3A_66 [1] : vector<2048x64xf32> to vector<2048xf32>
    %broadcast_in_dim3A_68 = vector.shape_cast %reduce_sum3A_67 : vector<2048xf32> to vector<2048x1xf32>
    %add3A_69 = arith.addf %broadcast_in_dim3A_64, %broadcast_in_dim3A_68 : vector<2048x1xf32>
    %add3A_70 = arith.constant 9.99999971E-10 : f32
    %add3A_71 = vector.broadcast %add3A_70 : f32 to vector<2048x1xf32>
    %add3A_72 = arith.addf %add3A_69, %add3A_71 : vector<2048x1xf32>
    %div3A_73 = arith.divf %broadcast_in_dim3A_64, %add3A_72 : vector<2048x1xf32>
    %swap3A = arith.constant 0 : index
    %swap3A_74 = arith.constant 0 : index
    %swap3A_75 = vector.load %arg6[%swap3A, %swap3A_74] : memref<2048x1xf32, #tpu.memory_space<vmem>>, vector<2048x1xf32>
    tpu.vector_store %arg6[%swap3A, %swap3A_74], %div3A_73 {strides = array<i32>} : memref<2048x1xf32, #tpu.memory_space<vmem>>, vector<2048x1xf32>,
    %div3A_76 = arith.divf %broadcast_in_dim3A_68, %add3A_72 : vector<2048x1xf32>
    %swap3A_77 = arith.constant 0 : index
    %swap3A_78 = arith.constant 0 : index
    %swap3A_79 = vector.load %arg7[%swap3A_77, %swap3A_78] : memref<2048x1xf32, #tpu.memory_space<vmem>>, vector<2048x1xf32>
    tpu.vector_store %arg7[%swap3A_77, %swap3A_78], %div3A_76 {strides = array<i32>} : memref<2048x1xf32, #tpu.memory_space<vmem>>, vector<2048x1xf32>,
    %mul3A_80 = arith.mulf %sub3A_45, %select_n3A_54 : vector<2048x64xf32>
    %reduce_sum3A_81 = arith.constant dense<0.000000e+00> : vector<2048xf32>
    %reduce_sum3A_82 = vector.multi_reduction <add>, %mul3A_80, %reduce_sum3A_81 [1] : vector<2048x64xf32> to vector<2048xf32>
    %broadcast_in_dim3A_83 = vector.shape_cast %reduce_sum3A_82 : vector<2048xf32> to vector<2048x1xf32>
    %convert_element_type3A_84 = arith.fptosi %broadcast_in_dim3A_83 : vector<2048x1xf32> to vector<2048x1xi32>
    %mul3A_85 = arith.mulf %add3A_49, %select_n3A_60 : vector<2048x64xf32>
    %reduce_sum3A_86 = arith.constant dense<0.000000e+00> : vector<2048xf32>
    %reduce_sum3A_87 = vector.multi_reduction <add>, %mul3A_85, %reduce_sum3A_86 [1] : vector<2048x64xf32> to vector<2048xf32>
    %broadcast_in_dim3A_88 = vector.shape_cast %reduce_sum3A_87 : vector<2048xf32> to vector<2048x1xf32>
    %convert_element_type3A_89 = arith.fptosi %broadcast_in_dim3A_88 : vector<2048x1xf32> to vector<2048x1xi32>
    %reduce_sum3A_90 = arith.constant dense<0.000000e+00> : vector<2048xf32>
    %reduce_sum3A_91 = vector.multi_reduction <add>, %select_n3A_54, %reduce_sum3A_90 [1] : vector<2048x64xf32> to vector<2048xf32>
    %broadcast_in_dim3A_92 = vector.shape_cast %reduce_sum3A_91 : vector<2048xf32> to vector<2048x1xf32>
    %gt3A = arith.constant 0.000000e+00 : f32
    %gt3A_93 = vector.broadcast %gt3A : f32 to vector<2048x1xf32>
    %gt3A_94 = arith.cmpf ogt, %broadcast_in_dim3A_92, %gt3A_93 : vector<2048x1xf32>
    %reduce_sum3A_95 = arith.constant dense<0.000000e+00> : vector<2048xf32>
    %reduce_sum3A_96 = vector.multi_reduction <add>, %select_n3A_60, %reduce_sum3A_95 [1] : vector<2048x64xf32> to vector<2048xf32>
    %broadcast_in_dim3A_97 = vector.shape_cast %reduce_sum3A_96 : vector<2048xf32> to vector<2048x1xf32>
    %gt3A_98 = arith.constant 0.000000e+00 : f32
    %gt3A_99 = vector.broadcast %gt3A_98 : f32 to vector<2048x1xf32>
    %gt3A_100 = arith.cmpf ogt, %broadcast_in_dim3A_97, %gt3A_99 : vector<2048x1xf32>
    %mul3A_101 = arith.constant 80 : i32
    %mul3A_102 = vector.broadcast %mul3A_101 : i32 to vector<2048x1xi32>
    %mul3A_103 = arith.muli %broadcast_in_dim3A_13, %mul3A_102 : vector<2048x1xi32>
    %add3A_104 = arith.addi %mul3A_103, %convert_element_type3A_84 : vector<2048x1xi32>
    %mul3A_105 = arith.constant 80 : i32
    %mul3A_106 = vector.broadcast %mul3A_105 : i32 to vector<2048x1xi32>
    %mul3A_107 = arith.muli %broadcast_in_dim3A_30, %mul3A_106 : vector<2048x1xi32>
    %add3A_108 = arith.addi %mul3A_107, %convert_element_type3A_89 : vector<2048x1xi32>
    %jit3A_109 = arith.constant 5120 : i32
    %broadcast_in_dim3A_110 = vector.broadcast %jit3A_109 : i32 to vector<2048x1xi32>
    %select_n3A_111 = arith.select %gt3A_94, %add3A_104, %broadcast_in_dim3A_110 : vector<2048x1xi1>, vector<2048x1xi32>
    %swap3A_112 = arith.constant 0 : index
    %swap3A_113 = arith.constant 0 : index
    %swap3A_114 = vector.load %arg2[%swap3A_112, %swap3A_113] : memref<2048x1xi32, #tpu.memory_space<vmem>>, vector<2048x1xi32>
    tpu.vector_store %arg2[%swap3A_112, %swap3A_113], %select_n3A_111 {strides = array<i32>} : memref<2048x1xi32, #tpu.memory_space<vmem>>, vector<2048x1xi32>,
    %jit3A_115 = arith.constant 5120 : i32
    %broadcast_in_dim3A_116 = vector.broadcast %jit3A_115 : i32 to vector<2048x1xi32>
    %select_n3A_117 = arith.select %gt3A_100, %add3A_108, %broadcast_in_dim3A_116 : vector<2048x1xi1>, vector<2048x1xi32>
    %swap3A_118 = arith.constant 0 : index
    %swap3A_119 = arith.constant 0 : index
    %swap3A_120 = vector.load %arg3[%swap3A_118, %swap3A_119] : memref<2048x1xi32, #tpu.memory_space<vmem>>, vector<2048x1xi32>
    tpu.vector_store %arg3[%swap3A_118, %swap3A_119], %select_n3A_117 {strides = array<i32>} : memref<2048x1xi32, #tpu.memory_space<vmem>>, vector<2048x1xi32>,
    %jit3A_121 = arith.constant 0 : i32
    %broadcast_in_dim3A_122 = vector.broadcast %jit3A_121 : i32 to vector<2048x1xi32>
    %select_n3A_123 = arith.select %gt3A_94, %add3A_104, %broadcast_in_dim3A_122 : vector<2048x1xi1>, vector<2048x1xi32>
    %swap3A_124 = arith.constant 0 : index
    %swap3A_125 = arith.constant 0 : index
    %swap3A_126 = vector.load %arg4[%swap3A_124, %swap3A_125] : memref<2048x1xi32, #tpu.memory_space<vmem>>, vector<2048x1xi32>
    tpu.vector_store %arg4[%swap3A_124, %swap3A_125], %select_n3A_123 {strides = array<i32>} : memref<2048x1xi32, #tpu.memory_space<vmem>>, vector<2048x1xi32>,
    %jit3A_127 = arith.constant 0 : i32
    %broadcast_in_dim3A_128 = vector.broadcast %jit3A_127 : i32 to vector<2048x1xi32>
    %select_n3A_129 = arith.select %gt3A_100, %add3A_108, %broadcast_in_dim3A_128 : vector<2048x1xi1>, vector<2048x1xi32>
    %swap3A_130 = arith.constant 0 : index
    %swap3A_131 = arith.constant 0 : index
    %swap3A_132 = vector.load %arg5[%swap3A_130, %swap3A_131] : memref<2048x1xi32, #tpu.memory_space<vmem>>, vector<2048x1xi32>
    tpu.vector_store %arg5[%swap3A_130, %swap3A_131], %select_n3A_129 {strides = array<i32>} : memref<2048x1xi32, #tpu.memory_space<vmem>>, vector<2048x1xi32>,
    return
  }
}

module attributes {stable_mosaic.version = 14 : i64} {
  func.func @_k7_body(%arg0: i32, %arg1: memref<1x80x768xf32, #tpu.memory_space<vmem>>, %arg2: memref<1x768x2048xf32, #tpu.memory_space<vmem>>, %arg3: memref<1x1024x768xf32, #tpu.memory_space<vmem>>, %arg4: memref<1x80x768xf32, #tpu.memory_space<vmem>>) attributes {dimension_semantics = [#tpu.dimension_semantics<arbitrary>], iteration_bounds = array<i64: 64>, scalar_prefetch = 0 : i64, scratch_operands = 0 : i64, tpu.core_type = #tpu.core_type<tc>, window_params = [{transform_indices = @transform_0, window_bounds = array<i64: 1, 80, 768>}, {transform_indices = @transform_1, window_bounds = array<i64: 1, 768, 2048>}, {transform_indices = @transform_2, window_bounds = array<i64: 1, 1024, 768>}, {transform_indices = @transform_3, window_bounds = array<i64: 1, 80, 768>}]} {
    %get3A = arith.constant 0 : index
    %get3A_0 = arith.constant 0 : index
    %get3A_1 = arith.constant 0 : index
    %get3A_2 = vector.load %arg1[%get3A, %get3A_0, %get3A_1] : memref<1x80x768xf32, #tpu.memory_space<vmem>>, vector<1x80x768xf32>
    %get3A_3 = vector.shape_cast %get3A_2 : vector<1x80x768xf32> to vector<80x768xf32>
    %get3A_4 = arith.constant 0 : index
    %get3A_5 = arith.constant 0 : index
    %get3A_6 = arith.constant 0 : index
    %get3A_7 = vector.load %arg2[%get3A_4, %get3A_5, %get3A_6] : memref<1x768x2048xf32, #tpu.memory_space<vmem>>, vector<1x768x2048xf32>
    %get3A_8 = vector.shape_cast %get3A_7 : vector<1x768x2048xf32> to vector<768x2048xf32>
    %convert_element_type3A = arith.truncf %get3A_3 : vector<80x768xf32> to vector<80x768xbf16>
    %convert_element_type3A_9 = arith.truncf %get3A_8 : vector<768x2048xf32> to vector<768x2048xbf16>
    %dot_general3A = arith.constant dense<0.000000e+00> : vector<80x2048xf32>
    %dot_general3A_10 = tpu.matmul %convert_element_type3A, %convert_element_type3A_9, %dot_general3A {dimension_numbers = #tpu.dot_dimension_numbers<[1], [0], [0], [1], [0, 0, 1, 1], [], []>, transpose_lhs_hint = false} : vector<80x768xbf16>, vector<768x2048xbf16>, vector<80x2048xf32> -> vector<80x2048xf32>
    %slice3A = vector.extract_strided_slice %dot_general3A_10 {offsets = [0, 0], sizes = [80, 1024], strides = [1, 1]} : vector<80x2048xf32> to vector<80x1024xf32>
    %slice3A_11 = vector.extract_strided_slice %dot_general3A_10 {offsets = [0, 1024], sizes = [80, 1024], strides = [1, 1]} : vector<80x2048xf32> to vector<80x1024xf32>
    %neg3A = arith.constant 0.000000e+00 : f32
    %neg3A_12 = vector.broadcast %neg3A : f32 to vector<80x1024xf32>
    %neg3A_13 = arith.subf %neg3A_12, %slice3A_11 : vector<80x1024xf32>
    %exp3A = math.exp %neg3A_13 : vector<80x1024xf32>
    %add3A = arith.constant 1.000000e+00 : f32
    %add3A_14 = vector.broadcast %add3A : f32 to vector<80x1024xf32>
    %add3A_15 = arith.addf %add3A_14, %exp3A : vector<80x1024xf32>
    %div3A = arith.constant 1.000000e+00 : f32
    %div3A_16 = vector.broadcast %div3A : f32 to vector<80x1024xf32>
    %div3A_17 = arith.divf %div3A_16, %add3A_15 : vector<80x1024xf32>
    %mul3A = arith.mulf %slice3A_11, %div3A_17 : vector<80x1024xf32>
    %mul3A_18 = arith.mulf %slice3A, %mul3A : vector<80x1024xf32>
    %get3A_19 = arith.constant 0 : index
    %get3A_20 = arith.constant 0 : index
    %get3A_21 = arith.constant 0 : index
    %get3A_22 = vector.load %arg3[%get3A_19, %get3A_20, %get3A_21] : memref<1x1024x768xf32, #tpu.memory_space<vmem>>, vector<1x1024x768xf32>
    %get3A_23 = vector.shape_cast %get3A_22 : vector<1x1024x768xf32> to vector<1024x768xf32>
    %convert_element_type3A_24 = arith.truncf %mul3A_18 : vector<80x1024xf32> to vector<80x1024xbf16>
    %convert_element_type3A_25 = arith.truncf %get3A_23 : vector<1024x768xf32> to vector<1024x768xbf16>
    %dot_general3A_26 = arith.constant dense<0.000000e+00> : vector<80x768xf32>
    %dot_general3A_27 = tpu.matmul %convert_element_type3A_24, %convert_element_type3A_25, %dot_general3A_26 {dimension_numbers = #tpu.dot_dimension_numbers<[1], [0], [0], [1], [0, 0, 1, 1], [], []>, transpose_lhs_hint = false} : vector<80x1024xbf16>, vector<1024x768xbf16>, vector<80x768xf32> -> vector<80x768xf32>
    %swap3A = arith.constant 0 : index
    %swap3A_28 = arith.constant 0 : index
    %swap3A_29 = arith.constant 0 : index
    %swap3A_30 = vector.load %arg4[%swap3A, %swap3A_28, %swap3A_29] : memref<1x80x768xf32, #tpu.memory_space<vmem>>, vector<1x80x768xf32>
    %swap3A_31 = vector.shape_cast %swap3A_30 : vector<1x80x768xf32> to vector<80x768xf32>
    %swap3A_32 = vector.shape_cast %dot_general3A_27 : vector<80x768xf32> to vector<1x80x768xf32>
    tpu.vector_store %arg4[%swap3A, %swap3A_28, %swap3A_29], %swap3A_32 {strides = array<i32>} : memref<1x80x768xf32, #tpu.memory_space<vmem>>, vector<1x80x768xf32>,
    return
  }
  func.func @transform_0(%arg0: i32) -> (i32, i32, i32) {
    %c0_i32 = arith.constant 0 : i32
    %c0_i32_0 = arith.constant 0 : i32
    %c0_i32_1 = arith.constant 0 : i32
    return %arg0, %c0_i32, %c0_i32_0 : i32, i32, i32
  }
  func.func @transform_1(%arg0: i32) -> (i32, i32, i32) {
    %add3A = arith.constant 0 : i32
    %add3A_0 = arith.addi %add3A, %arg0 : i32
    %c0_i32 = arith.constant 0 : i32
    %c0_i32_1 = arith.constant 0 : i32
    %c0_i32_2 = arith.constant 0 : i32
    return %add3A_0, %c0_i32, %c0_i32_1 : i32, i32, i32
  }
  func.func @transform_2(%arg0: i32) -> (i32, i32, i32) {
    %add3A = arith.constant 0 : i32
    %add3A_0 = arith.addi %add3A, %arg0 : i32
    %c0_i32 = arith.constant 0 : i32
    %c0_i32_1 = arith.constant 0 : i32
    %c0_i32_2 = arith.constant 0 : i32
    return %add3A_0, %c0_i32, %c0_i32_1 : i32, i32, i32
  }
  func.func @transform_3(%arg0: i32) -> (i32, i32, i32) {
    %c0_i32 = arith.constant 0 : i32
    %c0_i32_0 = arith.constant 0 : i32
    %c0_i32_1 = arith.constant 0 : i32
    return %arg0, %c0_i32, %c0_i32_0 : i32, i32, i32
  }
}

module attributes {stable_mosaic.version = 14 : i64} {
  func.func @_k9_body(%arg0: i32, %arg1: memref<256x768xf32, #tpu.memory_space<vmem>>, %arg2: memref<256x768xf32, #tpu.memory_space<vmem>>, %arg3: memref<256x768xf32, #tpu.memory_space<vmem>>, %arg4: memref<256x1xf32, #tpu.memory_space<vmem>>, %arg5: memref<256x1xf32, #tpu.memory_space<vmem>>, %arg6: memref<1x768xf32, #tpu.memory_space<vmem>>, %arg7: memref<768x2048xf32, #tpu.memory_space<vmem>>, %arg8: memref<1024x768xf32, #tpu.memory_space<vmem>>, %arg9: memref<256x768xf32, #tpu.memory_space<vmem>>) attributes {dimension_semantics = [#tpu.dimension_semantics<arbitrary>], iteration_bounds = array<i64: 8>, scalar_prefetch = 0 : i64, scratch_operands = 0 : i64, tpu.core_type = #tpu.core_type<tc>, window_params = [{transform_indices = @transform_0, window_bounds = array<i64: 256, 768>}, {transform_indices = @transform_1, window_bounds = array<i64: 256, 768>}, {transform_indices = @transform_2, window_bounds = array<i64: 256, 768>}, {transform_indices = @transform_3, window_bounds = array<i64: 256, 1>}, {transform_indices = @transform_4, window_bounds = array<i64: 256, 1>}, {pipeline_mode = #tpu.pipeline_mode<synchronous>, transform_indices = @transform_5, window_bounds = array<i64: 1, 768>}, {pipeline_mode = #tpu.pipeline_mode<synchronous>, transform_indices = @transform_6, window_bounds = array<i64: 768, 2048>}, {pipeline_mode = #tpu.pipeline_mode<synchronous>, transform_indices = @transform_7, window_bounds = array<i64: 1024, 768>}, {transform_indices = @transform_8, window_bounds = array<i64: 256, 768>}]} {
    %get3A = arith.constant 0 : index
    %get3A_0 = arith.constant 0 : index
    %get3A_1 = vector.load %arg1[%get3A, %get3A_0] : memref<256x768xf32, #tpu.memory_space<vmem>>, vector<256x768xf32>
    %get3A_2 = arith.constant 0 : index
    %get3A_3 = arith.constant 0 : index
    %get3A_4 = vector.load %arg4[%get3A_2, %get3A_3] : memref<256x1xf32, #tpu.memory_space<vmem>>, vector<256x1xf32>
    %get3A_5 = arith.constant 0 : index
    %get3A_6 = arith.constant 0 : index
    %get3A_7 = vector.load %arg2[%get3A_5, %get3A_6] : memref<256x768xf32, #tpu.memory_space<vmem>>, vector<256x768xf32>
    %mul3A = vector.broadcast %get3A_4 : vector<256x1xf32> to vector<256x768xf32>
    %mul3A_8 = arith.mulf %mul3A, %get3A_7 : vector<256x768xf32>
    %add3A = arith.addf %get3A_1, %mul3A_8 : vector<256x768xf32>
    %get3A_9 = arith.constant 0 : index
    %get3A_10 = arith.constant 0 : index
    %get3A_11 = vector.load %arg5[%get3A_9, %get3A_10] : memref<256x1xf32, #tpu.memory_space<vmem>>, vector<256x1xf32>
    %get3A_12 = arith.constant 0 : index
    %get3A_13 = arith.constant 0 : index
    %get3A_14 = vector.load %arg3[%get3A_12, %get3A_13] : memref<256x768xf32, #tpu.memory_space<vmem>>, vector<256x768xf32>
    %mul3A_15 = vector.broadcast %get3A_11 : vector<256x1xf32> to vector<256x768xf32>
    %mul3A_16 = arith.mulf %mul3A_15, %get3A_14 : vector<256x768xf32>
    %add3A_17 = arith.addf %add3A, %mul3A_16 : vector<256x768xf32>
    %get3A_18 = arith.constant 0 : index
    %get3A_19 = arith.constant 0 : index
    %get3A_20 = vector.load %arg6[%get3A_18, %get3A_19] : memref<1x768xf32, #tpu.memory_space<vmem>>, vector<1x768xf32>
    %mul3A_21 = arith.mulf %add3A_17, %add3A_17 : vector<256x768xf32>
    %reduce_sum3A = arith.constant dense<0.000000e+00> : vector<256xf32>
    %reduce_sum3A_22 = vector.multi_reduction <add>, %mul3A_21, %reduce_sum3A [1] : vector<256x768xf32> to vector<256xf32>
    %broadcast_in_dim3A = vector.shape_cast %reduce_sum3A_22 : vector<256xf32> to vector<256x1xf32>
    %div3A = arith.constant 7.680000e+02 : f32
    %div3A_23 = vector.broadcast %div3A : f32 to vector<256x1xf32>
    %div3A_24 = arith.divf %broadcast_in_dim3A, %div3A_23 : vector<256x1xf32>
    %add3A_25 = arith.constant 9.99999997E-7 : f32
    %add3A_26 = vector.broadcast %add3A_25 : f32 to vector<256x1xf32>
    %add3A_27 = arith.addf %div3A_24, %add3A_26 : vector<256x1xf32>
    %rsqrt3A = math.rsqrt %add3A_27 : vector<256x1xf32>
    %mul3A_28 = vector.broadcast %rsqrt3A : vector<256x1xf32> to vector<256x768xf32>
    %mul3A_29 = arith.mulf %add3A_17, %mul3A_28 : vector<256x768xf32>
    %mul3A_30 = vector.broadcast %get3A_20 : vector<1x768xf32> to vector<256x768xf32>
    %mul3A_31 = arith.mulf %mul3A_29, %mul3A_30 : vector<256x768xf32>
    %get3A_32 = arith.constant 0 : index
    %get3A_33 = arith.constant 0 : index
    %get3A_34 = vector.load %arg7[%get3A_32, %get3A_33] : memref<768x2048xf32, #tpu.memory_space<vmem>>, vector<768x2048xf32>
    %convert_element_type3A = arith.truncf %mul3A_31 : vector<256x768xf32> to vector<256x768xbf16>
    %convert_element_type3A_35 = arith.truncf %get3A_34 : vector<768x2048xf32> to vector<768x2048xbf16>
    %dot_general3A = arith.constant dense<0.000000e+00> : vector<256x2048xf32>
    %dot_general3A_36 = tpu.matmul %convert_element_type3A, %convert_element_type3A_35, %dot_general3A {dimension_numbers = #tpu.dot_dimension_numbers<[1], [0], [0], [1], [0, 0, 1, 1], [], []>, transpose_lhs_hint = false} : vector<256x768xbf16>, vector<768x2048xbf16>, vector<256x2048xf32> -> vector<256x2048xf32>
    %slice3A = vector.extract_strided_slice %dot_general3A_36 {offsets = [0, 0], sizes = [256, 1024], strides = [1, 1]} : vector<256x2048xf32> to vector<256x1024xf32>
    %slice3A_37 = vector.extract_strided_slice %dot_general3A_36 {offsets = [0, 1024], sizes = [256, 1024], strides = [1, 1]} : vector<256x2048xf32> to vector<256x1024xf32>
    %neg3A = arith.constant 0.000000e+00 : f32
    %neg3A_38 = vector.broadcast %neg3A : f32 to vector<256x1024xf32>
    %neg3A_39 = arith.subf %neg3A_38, %slice3A_37 : vector<256x1024xf32>
    %exp3A = math.exp %neg3A_39 : vector<256x1024xf32>
    %add3A_40 = arith.constant 1.000000e+00 : f32
    %add3A_41 = vector.broadcast %add3A_40 : f32 to vector<256x1024xf32>
    %add3A_42 = arith.addf %add3A_41, %exp3A : vector<256x1024xf32>
    %div3A_43 = arith.constant 1.000000e+00 : f32
    %div3A_44 = vector.broadcast %div3A_43 : f32 to vector<256x1024xf32>
    %div3A_45 = arith.divf %div3A_44, %add3A_42 : vector<256x1024xf32>
    %mul3A_46 = arith.mulf %slice3A_37, %div3A_45 : vector<256x1024xf32>
    %mul3A_47 = arith.mulf %slice3A, %mul3A_46 : vector<256x1024xf32>
    %get3A_48 = arith.constant 0 : index
    %get3A_49 = arith.constant 0 : index
    %get3A_50 = vector.load %arg8[%get3A_48, %get3A_49] : memref<1024x768xf32, #tpu.memory_space<vmem>>, vector<1024x768xf32>
    %convert_element_type3A_51 = arith.truncf %mul3A_47 : vector<256x1024xf32> to vector<256x1024xbf16>
    %convert_element_type3A_52 = arith.truncf %get3A_50 : vector<1024x768xf32> to vector<1024x768xbf16>
    %dot_general3A_53 = arith.constant dense<0.000000e+00> : vector<256x768xf32>
    %dot_general3A_54 = tpu.matmul %convert_element_type3A_51, %convert_element_type3A_52, %dot_general3A_53 {dimension_numbers = #tpu.dot_dimension_numbers<[1], [0], [0], [1], [0, 0, 1, 1], [], []>, transpose_lhs_hint = false} : vector<256x1024xbf16>, vector<1024x768xbf16>, vector<256x768xf32> -> vector<256x768xf32>
    %add3A_55 = arith.addf %add3A_17, %dot_general3A_54 : vector<256x768xf32>
    %swap3A = arith.constant 0 : index
    %swap3A_56 = arith.constant 0 : index
    %swap3A_57 = vector.load %arg9[%swap3A, %swap3A_56] : memref<256x768xf32, #tpu.memory_space<vmem>>, vector<256x768xf32>
    tpu.vector_store %arg9[%swap3A, %swap3A_56], %add3A_55 {strides = array<i32>} : memref<256x768xf32, #tpu.memory_space<vmem>>, vector<256x768xf32>,
    return
  }
  func.func @transform_0(%arg0: i32) -> (i32, i32) {
    %c0_i32 = arith.constant 0 : i32
    %c0_i32_0 = arith.constant 0 : i32
    return %arg0, %c0_i32 : i32, i32
  }
  func.func @transform_1(%arg0: i32) -> (i32, i32) {
    %c0_i32 = arith.constant 0 : i32
    %c0_i32_0 = arith.constant 0 : i32
    return %arg0, %c0_i32 : i32, i32
  }
  func.func @transform_2(%arg0: i32) -> (i32, i32) {
    %c0_i32 = arith.constant 0 : i32
    %c0_i32_0 = arith.constant 0 : i32
    return %arg0, %c0_i32 : i32, i32
  }
  func.func @transform_3(%arg0: i32) -> (i32, i32) {
    %c0_i32 = arith.constant 0 : i32
    %c0_i32_0 = arith.constant 0 : i32
    return %arg0, %c0_i32 : i32, i32
  }
  func.func @transform_4(%arg0: i32) -> (i32, i32) {
    %c0_i32 = arith.constant 0 : i32
    %c0_i32_0 = arith.constant 0 : i32
    return %arg0, %c0_i32 : i32, i32
  }
  func.func @transform_5(%arg0: i32) -> (i32, i32) {
    %c0_i32 = arith.constant 0 : i32
    %c0_i32_0 = arith.constant 0 : i32
    %c0_i32_1 = arith.constant 0 : i32
    return %c0_i32, %c0_i32_0 : i32, i32
  }
  func.func @transform_6(%arg0: i32) -> (i32, i32) {
    %c0_i32 = arith.constant 0 : i32
    %c0_i32_0 = arith.constant 0 : i32
    %c0_i32_1 = arith.constant 0 : i32
    return %c0_i32, %c0_i32_0 : i32, i32
  }
  func.func @transform_7(%arg0: i32) -> (i32, i32) {
    %c0_i32 = arith.constant 0 : i32
    %c0_i32_0 = arith.constant 0 : i32
    %c0_i32_1 = arith.constant 0 : i32
    return %c0_i32, %c0_i32_0 : i32, i32
  }
  func.func @transform_8(%arg0: i32) -> (i32, i32) {
    %c0_i32 = arith.constant 0 : i32
    %c0_i32_0 = arith.constant 0 : i32
    return %arg0, %c0_i32 : i32, i32
  }
}

</mosaic_0001>

<sc_bundles>
// kernel: kernel.18.cloned.1.call-start
scs
__scs_entry_jumppad:
0x0: {  	(pc) =	sbr.rel $0x88, $3  }
0x1: {  	(tag) =	ssettag $0x0;
	lr =	simm.s32 $0x1  }
0x2: {  	[smem:$0x3F94] =	sst lr;
	_ =	strace $0xD0000000  }
0x3: {  	_ = 	snop  }
0x4: {  	_ = 	snop  }
0x5: {  	_ = 	snop  }
0x6: {  	_ = 	snop  }
0x7: {  	_ = 	snop  }
__scs_overlays_trampoline_lowered:
0x8: {  	[smem:$0x3FA3] =	sst s0  }
0x9: {  	[smem:$0x3FA4] =	sst s1  }
0xa: {  	[smem:$0x3FA5] =	sst s2  }
0xb: {  	[smem:$0x3FA6] =	sst s3  }
0xc: {  	[smem:$0x3FA7] =	sst s4  }
0xd: {  	[smem:$0x3FA8] =	sst s5  }
0xe: {  	[smem:$0x3FA9] =	sst s6  }
0xf: {  	[smem:$0x3FAA] =	sst s7  }
0x10: {  	[smem:$0x3FAB] =	sst s8  }
0x11: {  	[smem:$0x3FAC] =	sst s9;
	s0 =	simm.s32 @!p0 $0x0  }
0x12: {  	s1 =	sld [smem:$0x3F92];
	s0 =	simm.s32 @p0 $0x1  }
0x13: {  	[smem:$0x3FAD] =	sst s0;
	s0 =	simm.s32 @!p1 $0x0  }
0x14: {  	s2 =	sld [smem:$0x3F91];
	s0 =	simm.s32 @p1 $0x1  }
0x15: {  	[smem:$0x3FAE] =	sst s0;
	s0 =	simm.s32 @!p2 $0x0  }
0x16: {  	s3 =	sld [smem:$0x3FDB];
	s0 =	simm.s32 @p2 $0x1  }
0x17: {  	s4 =	simm.s32 $0x1BF5;
	[smem:$0x3FB0] =	sst s0  }
0x18: {  	s0 =	sld [smem:$0x3F93];
	_ =	swait.ge [sflag:s4], $0x0  }
0x19: {  	s7 =	sld [smem:$0x3F94]  }
0x1a: {  	s8 =	sadd.s32 $0xFFFFE003, lr  }
0x1b: {  	s9 =	sadd.s32 $0xFFFFFEF7, lr;
	s5 =	simm.s32 $0xFFFFFFFF;
	p2 =	slt.u32 s8, $0xFFFFF086  }
0x1c: {  	p1 =	slt.u32 s9, $0xF7A;
	s5 =	simm.s32 @!p2 $0x0  }
0x1d: {  	s5 =	simm.s32 @p1 $0x1;
	p0 =	seq.s32 s7, s2  }
0x1e: {  	s7 =	smul.u32 @!p0 $0xF7A, s2;
	p2 =	seq.s32 @!p0 s5, $0x0  }
0x1f: {  	s9 =	smul.u32 $0xF7A, s1;
	s8 =	simm.s32 @!p0 $0x1BF5;
	p2 =	por !p2, p0  }
0x20: {  	[sflag:s8] =	ssyncset.s32 @!p0 $0xFFFFF086;
	s6 =	sadd.s32 @!p0 s3, s7;
	s7 =	simm.s32 @!p0 $0x108  }
0x21: {  	s3 =	sadd.s32 s3, s9;
	s6 =	sadd.s32 @!p0 $0x88, s6;
	s7 =	simm.s32 @p2 $0x1082  }
0x22: {  	[simem:s7], [sflag:s8] =	dma.local @!p0 [hbm:s6], $0xF7A  }
0x23: {  	s9 =	sor.u32 $0xD0000000, s2;
	s6 =	simm.s32 $0x108;
	_ =	swait.ge @!p0 [sflag:s8], $0x0  }
0x24: {  	s3 =	sadd.s32 $0x88, s3;
	s6 =	simm.s32 @!p1 $0x1082;
	[sflag:s4] =	ssyncset.s32 $0xFFFFF086  }
0x25: {  	[simem:s6], [sflag:s4] =	dma.local [hbm:s3], $0xF7A  }
0x26: {  	[smem:$0x3F94] =	sst s1;
	(tag) =	ssettag s2;
	_ =	strace s9  }
0x27: {  	s1 =	sld [smem:$0x3FA4]  }
0x28: {  	s2 =	sld [smem:$0x3FA5]  }
0x29: {  	s4 =	sld [smem:$0x3FA7]  }
0x2a: {  	p0 =	seq.s32 s5, $0x0;
	s5 =	sld [smem:$0x3FA8]  }
0x2b: {  	s6 =	sld [smem:$0x3FA9]  }
0x2c: {  	s7 =	sld [smem:$0x3FAA]  }
0x2d: {  	s3 =	simm.s32 $0x108;
	s8 =	sld [smem:$0x3FAB]  }
0x2e: {  	s3 =	simm.s32 @!p0 $0x1082;
	s9 =	sld [smem:$0x3FAC]  }
0x2f: {  	lr =	sadd.s32 s0, s3;
	s0 =	sld [smem:$0x3FA3]  }
0x30: {  	s3 =	sld [smem:$0x3FA6]  }
0x31: {  	[smem:$0x3FAF] =	sst s10  }
0x32: {  	s10 =	sld [smem:$0x3FAD];
	_ =	sdelay $0x3  }
0x33: {  	p0 =	seq.s32 s10, $0x1;
	s10 =	sld [smem:$0x3FAF];
	_ =	sdelay $0x3  }
0x34: {  	[smem:$0x3FAF] =	sst s10  }
0x35: {  	s10 =	sld [smem:$0x3FAE];
	_ =	sdelay $0x3  }
0x36: {  	p1 =	seq.s32 s10, $0x1;
	s10 =	sld [smem:$0x3FAF];
	_ =	sdelay $0x3  }
0x37: {  	[smem:$0x3FAF] =	sst s10  }
0x38: {  	s10 =	sld [smem:$0x3FB0]  }
0x39: {  	_ = 	snop;
	(pc) =	sbr.ind lr, $3  }
0x3a: {  	_ = 	snop  }
0x3b: {  	_ = 	snop  }
0x3c: {  	p2 =	seq.s32 s10, $0x1;
	s10 =	sld [smem:$0x3FAF]  }
0x3d: {  	_ =	shalt  }
0x3e: {  	_ =	shalt  }
0x3f: {  	_ =	shalt  }
0x40: {  	_ =	shalt  }
0x41: {  	_ =	shalt  }
0x42: {  	_ =	shalt  }
0x43: {  	_ =	shalt  }
0x44: {  	_ =	shalt  }
0x45: {  	_ =	shalt  }
0x46: {  	_ =	shalt  }
0x47: {  	_ =	shalt  }
0x48: {  	_ =	shalt  }
0x49: {  	_ =	shalt  }
0x4a: {  	_ =	shalt  }
0x4b: {  	_ =	shalt  }
0x4c: {  	_ =	shalt  }
0x4d: {  	_ =	shalt  }
0x4e: {  	_ =	shalt  }
0x4f: {  	_ =	shalt  }
0x50: {  	_ =	shalt  }
0x51: {  	_ =	shalt  }
0x52: {  	_ =	shalt  }
0x53: {  	_ =	shalt  }
0x54: {  	_ =	shalt  }
0x55: {  	_ =	shalt  }
0x56: {  	_ =	shalt  }
0x57: {  	_ =	shalt  }
0x58: {  	_ =	shalt  }
0x59: {  	_ =	shalt  }
0x5a: {  	_ =	shalt  }
0x5b: {  	_ =	shalt  }
0x5c: {  	_ =	shalt  }
0x5d: {  	_ =	shalt  }
0x5e: {  	_ =	shalt  }
0x5f: {  	_ =	shalt  }
0x60: {  	_ =	shalt  }
0x61: {  	_ =	shalt  }
0x62: {  	_ =	shalt  }
0x63: {  	_ =	shalt  }
0x64: {  	_ =	shalt  }
0x65: {  	_ =	shalt  }
0x66: {  	_ =	shalt  }
0x67: {  	_ =	shalt  }
0x68: {  	_ =	shalt  }
0x69: {  	_ =	shalt  }
0x6a: {  	_ =	shalt  }
0x6b: {  	_ =	shalt  }
0x6c: {  	_ =	shalt  }
0x6d: {  	_ =	shalt  }
0x6e: {  	_ =	shalt  }
0x6f: {  	_ =	shalt  }
0x70: {  	_ =	shalt  }
0x71: {  	_ =	shalt  }
0x72: {  	_ =	shalt  }
0x73: {  	_ =	shalt  }
0x74: {  	_ =	shalt  }
0x75: {  	_ =	shalt  }
0x76: {  	_ =	shalt  }
0x77: {  	_ =	shalt  }
0x78: {  	_ =	shalt  }
0x79: {  	_ =	shalt  }
0x7a: {  	_ =	shalt  }
0x7b: {  	_ =	shalt  }
0x7c: {  	_ =	shalt  }
0x7d: {  	_ =	shalt  }
0x7e: {  	_ =	shalt  }
0x7f: {  	_ =	shalt  }
0x80: {  	_ =	shalt  }
0x81: {  	_ =	shalt  }
0x82: {  	_ =	shalt  }
0x83: {  	_ =	shalt  }
0x84: {  	_ =	shalt  }
0x85: {  	_ =	shalt  }
0x86: {  	_ =	shalt  }
0x87: {  	_ =	shalt  }
.Lfunc_end0:
.L_simem_size_0:
called_computation_lowered:
.L_overlay_start_0:
0x88: {  	s2 =	sld [smem:$0x3FD9]  }
0x89: {  	s3 =	sld [smem:$0x3FFE];
	_ =	sdelay $0x1  }
0x8a: {  	s1 =	srdreg.scid  }
0x8b: {  	s0 =	sand.u32 $0x1, s1  }
0x8c: {  	s16 =	sshll.u32 s0, $0xA;
	s2 =	sadd.s32 s3, s2  }
0x8d: {  	s2 =	sadd.s32 s2, s16  }
0x8e: {  	[smem:$0x3FBB] =	sst s2  }
0x8f: {  	_ = 	snop  }
0x90: {  	(tm) =	ssettm $0x1  }
0x91: {  	s17 =	sld [smem:$0x3FFB];
	_ =	sdelay $0x3  }
0x92: {  	_ =	strace s17  }
0x93: {  	s2 =	sld [smem:$0x3FFC];
	_ =	sdelay $0x3  }
0x94: {  	_ =	strace s2  }
0x95: {  	s2 =	sld [smem:$0x3FFD];
	_ =	sdelay $0x3  }
0x96: {  	_ =	strace s2  }
0x97: {  	_ =	strace $0x8FFFFFFF  }
0x98: {  	s18 =	sld [smem:$0x3FDB];
	_ =	sdelay $0x1  }
0x99: {  	s19 =	simm.s32 $_scs_section_size  }
0x9a: {  	s4 =	simm.s32 $_size__tile_overlayer_lowered;
	s5 =	simm.s32 $_tile_overlayer_lowered  }
0x9b: {  	s22 =	simm.s32 $0x1BFF;
	s21 =	sshll.u32 s5, $0x1;
	s2 =	sadd.s32 s19, s18  }
0x9c: {  	s6 =	simm.s32 $0x0;
	s20 =	sshll.u32 s4, $0x1;
	s4 =	sadd.s32 s21, s2  }
0x9d: {  	[timem:s6], [sflag:s22] =	dma.local [hbm:s4], s20  }
0x9e: {  	_ =	swait.ge [sflag:s22], s20  }
0x9f: {  	s3 =	ssub.s32 $0x0, s20;
	[sflag:s22] =	ssyncset.done $0x0  }
0xa0: {  	[sflag:s22] =	ssyncadd.s32 s3;
	_ =	sdelay $0x1  }
0xa1: {  	s23 =	simm.s32 $0x1B8B  }
0xa2: {  	_ =	swait.ge [sflag:s23], $0x1  }
0xa3: {  	[sflag:s23] =	ssyncset.done $0x0  }
0xa4: {  	s25 =	simm.s32 $0x1B8E;
	s24 =	sld [smem:$0x3FFE];
	[sflag:s23] =	ssyncadd.s32 $0xFFFFFFFF  }
0xa5: {  	s26 =	simm.s32 $execute0_lowered;
	[smem:$0x3FD2] =	sst s25  }
0xa6: {  	s4 =	sshll.u32 s26, $0x1;
	_ =	strace $0x80000046;
	[dreg:$0x1] =	wrdreg $0xFFFFFFFF  }
0xa7: {  	s28 =	simm.s32 $_size_execute0_lowered;
	s2 =	sadd.s32 s2, s4;
	[dreg:$0x0] =	wrdreg $0x0  }
0xa8: {  	s4 =	sshll.u32 s28, $0x1;
	[dreg:$0x2] =	wrdreg s2  }
0xa9: {  	[dreg:$0x3] =	wrdreg s4  }
0xaa: {  	[dreg:$0x4] =	wrdreg $0xC0  }
0xab: {  	_ =	task [dreg:s6], $0x5FFFF  }
0xac: {  	[dreg:$0x1] =	wrdreg $0xFFFFFFFF  }
0xad: {  	[dreg:$0x0] =	wrdreg $0x60  }
0xae: {  	[dreg:$0x2] =	wrdreg s24  }
0xaf: {  	[dreg:$0x3] =	wrdreg $0x9  }
0xb0: {  	_ =	task.clear_ibuf [dreg:s6], $0x4FFFF;
	_ =	strace $0x90000046  }
0xb1: {  	s29 =	simm.s32 $0x9;
	_ =	strace $0x80000048  }
0xb2: {  	_ =	swait.ge [sflag:s29], $0x1  }
0xb3: {  	[sflag:s29] =	ssyncadd.s32 $0xFFFFFFFF  }
0xb4: {  	_ =	strace $0x90000048  }
0xb5: {  	_ =	sfence  }
0xb6: {  	s30 =	sld [smem:$0x0];
	_ =	sdelay $0x2  }
0xb7: {  	s31 =	sshll.u32 s1, $0xD;
	s1 =	sshrl.u32 s1, $0x2  }
0xb8: {  	s3 =	sand.u32 $0x4000, s31;
	s1 =	sadd.s32 s1, s30  }
0xb9: {  	s0 =	sor.u32 s3, s0;
	s1 =	sshll.u32 s1, $0x11  }
0xba: {  	s0 =	sor.u32 s1, s0  }
0xbb: {  	s0 =	sadd.s32 $0x8F2B, s0  }
0xbc: {  	[sflag:s0] =	ssyncadd.remote.s32 $0x1  }
0xbd: {  	_ =	sfence.sel $0xFFFF  }
0xbe: {  	[dreg:$0x0] =	wrdreg $0xFFFFFFFF;
	(pc) =	sbr.abs _section_cstart, $3  }
0xbf: {  	[dreg:$0x1] =	wrdreg $0xFFFFFFFF  }
0xc0: {  	_ =	task.clear_ibuf [dreg:s6], $0x2FFFF;
	_ =	strace $0x9FFFFFFF  }
0xc1: {  	(tm) =	ssettm $0x7FFFFFFF  }
tec
execute0_lowered:
.L_overlay_start_1:
0x0: {  	(tag) =	ssettag $0x1  }
0x1: {  	s0 =	srdreg.scid  }
0x2: {  	s2 =	sand.u32 $0x1, s0;
	s0 =	stileid.u32  }
0x3: {  	s3 =	sshll.u32 s0, $0x1;
	s5 =	ssub.s32 $0x0, s2  }
0x4: {  	p0 =	sne.s32 s3, s5  }
.Ltmp0:
0x5: {  	_ = 	snop;
	(pc) =	sbr.rel @p0 .LBB2_7-.Ltmp0, $3  }
0x6: {  	_ =	sdelay $0x1  }
0x7: {  	s4 =	rddreg [dreg:$0x0]  }
0x8: {  	s1 =	rddreg [dreg:$0x1];
	_ =	strace $0x80000047  }
0x9: {  	s5 =	ssub.s32 $0x2, s2;
	s2 =	sadd.s32 $0x43600, s4;
	s3 =	sadd.s32 $0x43800, s4  }
0xa: {  	s4 =	sadd.s32 $0x43A00, s4;
	s7 =	simm.s32 $0x1;
	s6 =	sshrl.u32 s5, $0x1  }
0xb: {  	s8 =	simm.s32 $0x800;
	s9 =	simm.s32 $0x1000;
	s5 =	ssub.s32 s5, s6  }
0xc: {  	v0 =	vimm.s32 $0x0;
	v1 =	vlaneseq.u32;
	s10 =	simm.s32 $0x0;
	s6 =	simm.s32 $0x0;
	s5 =	smax.u32 s5, $0x1  }
.LBB2_2:
0xd: {  	[tilespmem:s6], [sflag:$0x1] =	stream.linear.gather [hbm4b:s2+s6], $0x800, $0x38;
	[tilespmem:$0x2400] =	vst v63  }
0xe: {  	_ =	swait.ge [sflag:s7], $0x800  }
0xf: {  	[sflag:s7] =	ssyncset.done $0x0  }
0x10: {  	[sflag:s7] =	ssyncadd.s32 $0xFFFFF800  }
0x11: {  	[tilespmem:s8], [sflag:$0x1] =	stream.linear.gather [hbm4b:s3+s6], $0x800, $0x38;
	[tilespmem:$0x2400] =	vst v63  }
0x12: {  	_ =	swait.ge [sflag:s7], $0x800  }
0x13: {  	[sflag:s7] =	ssyncset.done $0x0  }
0x14: {  	s11 =	simm.s32 $0x0;
	[sflag:s7] =	ssyncadd.s32 $0xFFFFF800  }
.LBB2_3:
0x15: {  	p0 =	sne.s32 s11, $0x4FC0  }
.Ltmp1:
0x16: {  	_ = 	snop;
	(pc) =	sbr.rel @p0 .LBB2_3-.Ltmp1, $3  }
0x17: {  	_ =	sdelay $0x1  }
0x18: {  	s12 =	sshra.s32 s11, $0x2  }
0x19: {  	s11 =	sadd.s32 $0x40, s11;
	[tilespmem:s12+$0x1000] =	vst v0  }
0x1a: {  	s11 =	simm.s32 $0x0;
	s12 =	simm.s32 $0x800;
	s13 =	simm.s32 $0x0  }
.LBB2_5:
0x1b: {  	v2 =	vld [tilespmem:s11+$0x0];
	_ =	sdelay $0x4  }
0x1c: {  	vm0 =	vlt.s32 v2, $0x1400;
	_ =	sdelay $0x4  }
0x1d: {  	v3 =	vor.u32 s13, v1  }
0x1e: {  	[tilespmem:v2+s9+$0x0] =	vst.idx.msk vm0, v3  }
0x1f: {  	v2 =	vld [tilespmem:s12+$0x0];
	_ =	sdelay $0x4  }
0x20: {  	vm15 =	vlt.s32 v2, $0x1400  }
0x21: {  	p0 =	sne.s32 s13, $0x7F0  }
.Ltmp2:
0x22: {  	_ = 	snop;
	(pc) =	sbr.rel @p0 .LBB2_5-.Ltmp2, $2  }
0x23: {  	_ =	sdelay $0x2  }
0x24: {  	s11 =	sadd.s32 $0x10, s11;
	s13 =	sadd.s32 $0x10, s13;
	s12 =	sadd.s32 $0x10, s12;
	[tilespmem:v2+s9+$0x0] =	vst.idx.msk vm15, v3  }
0x25: {  	s10 =	sadd.s32 $0x1, s10  }
0x26: {  	p0 =	sne.s32 s10, s5  }
.Ltmp3:
0x27: {  	_ = 	snop;
	(pc) =	sbr.rel @p0 .LBB2_2-.Ltmp3, $4  }
0x28: {  	[hbm4b:s4+s6] =	stream.linear.scatter [tilespmem:s9], [sflag:$0x1], $0x1400, $0x38;
	[tilespmem:$0x2400] =	vst v63  }
0x29: {  	_ =	swait.ge [sflag:s7], $0x1400  }
0x2a: {  	[sflag:s7] =	ssyncset.done $0x0  }
0x2b: {  	[sflag:s7] =	ssyncadd.s32 $0xFFFFEC00  }
.LBB2_7:
0x2c: {  	_ =	sfence.sel $0x180000  }
0x2d: {  	[bflag:$0x0] =	sbarrier.arrive $0xFFFF  }
0x2e: {  	p0 =	sne.s32 s0, $0x0;
	_ =	strace $0x90000047  }
0x2f: {  	s0 =	sadd.s32 @!p0 $0x100000, s1;
	[bflag:$0x2] =	sbarrier.arrive $0xFFFF  }
0x30: {  	[sflag:s0] =	ssyncadd.tile.s32 @!p0 $0x1;
	_ =	shalt  }
.Lfunc_end2:
_tile_overlayer_lowered:
.L_overlay_start_2:
0x31: {  	(tag) =	ssettag $0x2  }
0x32: {  	s0 =	rddreg [dreg:$0x0];
	s2 =	stileid.u32  }
0x33: {  	s1 =	rddreg [dreg:$0x1];
	p0 =	sne.s32 s2, $0x0  }
0x34: {  	s3 =	rddreg [dreg:$0x2];
	[bflag:$0x3] =	sbarrier.arrive $0xFFFF;
	s2 =	simm.s32 @!p0 $0x1C01  }
0x35: {  	[timem:s3], [sflag:s2] =	dma.local @!p0 [hbm:s0], s1  }
0x36: {  	s0 =	simm.s32 @!p0 $0x1  }
0x37: {  	_ =	swait.ge @!p0 [sflag:s0], s1  }
0x38: {  	s1 =	ssub.s32 @!p0 $0x0, s1;
	[sflag:s0] =	ssyncset.done @!p0 $0x0  }
0x39: {  	[sflag:s0] =	ssyncadd.s32 @!p0 s1  }
0x3a: {  	[bflag:$0x3] =	sbarrier.arrive $0xFFFF  }
0x3b: {  	_ =	shalt  }

// kernel: kernel.21.cloned.1.call-start
scs
__scs_entry_jumppad:
0x0: {  	(pc) =	sbr.rel $0x88, $3  }
0x1: {  	(tag) =	ssettag $0x0;
	lr =	simm.s32 $0x1  }
0x2: {  	[smem:$0x3F94] =	sst lr;
	_ =	strace $0xD0000000  }
0x3: {  	_ = 	snop  }
0x4: {  	_ = 	snop  }
0x5: {  	_ = 	snop  }
0x6: {  	_ = 	snop  }
0x7: {  	_ = 	snop  }
__scs_overlays_trampoline_lowered:
0x8: {  	[smem:$0x3FA3] =	sst s0  }
0x9: {  	[smem:$0x3FA4] =	sst s1  }
0xa: {  	[smem:$0x3FA5] =	sst s2  }
0xb: {  	[smem:$0x3FA6] =	sst s3  }
0xc: {  	[smem:$0x3FA7] =	sst s4  }
0xd: {  	[smem:$0x3FA8] =	sst s5  }
0xe: {  	[smem:$0x3FA9] =	sst s6  }
0xf: {  	[smem:$0x3FAA] =	sst s7  }
0x10: {  	[smem:$0x3FAB] =	sst s8  }
0x11: {  	[smem:$0x3FAC] =	sst s9;
	s0 =	simm.s32 @!p0 $0x0  }
0x12: {  	s1 =	sld [smem:$0x3F92];
	s0 =	simm.s32 @p0 $0x1  }
0x13: {  	[smem:$0x3FAD] =	sst s0;
	s0 =	simm.s32 @!p1 $0x0  }
0x14: {  	s2 =	sld [smem:$0x3F91];
	s0 =	simm.s32 @p1 $0x1  }
0x15: {  	[smem:$0x3FAE] =	sst s0;
	s0 =	simm.s32 @!p2 $0x0  }
0x16: {  	s3 =	sld [smem:$0x3FDB];
	s0 =	simm.s32 @p2 $0x1  }
0x17: {  	s4 =	simm.s32 $0x1BF5;
	[smem:$0x3FB0] =	sst s0  }
0x18: {  	s0 =	sld [smem:$0x3F93];
	_ =	swait.ge [sflag:s4], $0x0  }
0x19: {  	s7 =	sld [smem:$0x3F94]  }
0x1a: {  	s8 =	sadd.s32 $0xFFFFE003, lr  }
0x1b: {  	s9 =	sadd.s32 $0xFFFFFEF7, lr;
	s5 =	simm.s32 $0xFFFFFFFF;
	p2 =	slt.u32 s8, $0xFFFFF086  }
0x1c: {  	p1 =	slt.u32 s9, $0xF7A;
	s5 =	simm.s32 @!p2 $0x0  }
0x1d: {  	s5 =	simm.s32 @p1 $0x1;
	p0 =	seq.s32 s7, s2  }
0x1e: {  	s7 =	smul.u32 @!p0 $0xF7A, s2;
	p2 =	seq.s32 @!p0 s5, $0x0  }
0x1f: {  	s9 =	smul.u32 $0xF7A, s1;
	s8 =	simm.s32 @!p0 $0x1BF5;
	p2 =	por !p2, p0  }
0x20: {  	[sflag:s8] =	ssyncset.s32 @!p0 $0xFFFFF086;
	s6 =	sadd.s32 @!p0 s3, s7;
	s7 =	simm.s32 @!p0 $0x108  }
0x21: {  	s3 =	sadd.s32 s3, s9;
	s6 =	sadd.s32 @!p0 $0x88, s6;
	s7 =	simm.s32 @p2 $0x1082  }
0x22: {  	[simem:s7], [sflag:s8] =	dma.local @!p0 [hbm:s6], $0xF7A  }
0x23: {  	s9 =	sor.u32 $0xD0000000, s2;
	s6 =	simm.s32 $0x108;
	_ =	swait.ge @!p0 [sflag:s8], $0x0  }
0x24: {  	s3 =	sadd.s32 $0x88, s3;
	s6 =	simm.s32 @!p1 $0x1082;
	[sflag:s4] =	ssyncset.s32 $0xFFFFF086  }
0x25: {  	[simem:s6], [sflag:s4] =	dma.local [hbm:s3], $0xF7A  }
0x26: {  	[smem:$0x3F94] =	sst s1;
	(tag) =	ssettag s2;
	_ =	strace s9  }
0x27: {  	s1 =	sld [smem:$0x3FA4]  }
0x28: {  	s2 =	sld [smem:$0x3FA5]  }
0x29: {  	s4 =	sld [smem:$0x3FA7]  }
0x2a: {  	p0 =	seq.s32 s5, $0x0;
	s5 =	sld [smem:$0x3FA8]  }
0x2b: {  	s6 =	sld [smem:$0x3FA9]  }
0x2c: {  	s7 =	sld [smem:$0x3FAA]  }
0x2d: {  	s3 =	simm.s32 $0x108;
	s8 =	sld [smem:$0x3FAB]  }
0x2e: {  	s3 =	simm.s32 @!p0 $0x1082;
	s9 =	sld [smem:$0x3FAC]  }
0x2f: {  	lr =	sadd.s32 s0, s3;
	s0 =	sld [smem:$0x3FA3]  }
0x30: {  	s3 =	sld [smem:$0x3FA6]  }
0x31: {  	[smem:$0x3FAF] =	sst s10  }
0x32: {  	s10 =	sld [smem:$0x3FAD];
	_ =	sdelay $0x3  }
0x33: {  	p0 =	seq.s32 s10, $0x1;
	s10 =	sld [smem:$0x3FAF];
	_ =	sdelay $0x3  }
0x34: {  	[smem:$0x3FAF] =	sst s10  }
0x35: {  	s10 =	sld [smem:$0x3FAE];
	_ =	sdelay $0x3  }
0x36: {  	p1 =	seq.s32 s10, $0x1;
	s10 =	sld [smem:$0x3FAF];
	_ =	sdelay $0x3  }
0x37: {  	[smem:$0x3FAF] =	sst s10  }
0x38: {  	s10 =	sld [smem:$0x3FB0]  }
0x39: {  	_ = 	snop;
	(pc) =	sbr.ind lr, $3  }
0x3a: {  	_ = 	snop  }
0x3b: {  	_ = 	snop  }
0x3c: {  	p2 =	seq.s32 s10, $0x1;
	s10 =	sld [smem:$0x3FAF]  }
0x3d: {  	_ =	shalt  }
0x3e: {  	_ =	shalt  }
0x3f: {  	_ =	shalt  }
0x40: {  	_ =	shalt  }
0x41: {  	_ =	shalt  }
0x42: {  	_ =	shalt  }
0x43: {  	_ =	shalt  }
0x44: {  	_ =	shalt  }
0x45: {  	_ =	shalt  }
0x46: {  	_ =	shalt  }
0x47: {  	_ =	shalt  }
0x48: {  	_ =	shalt  }
0x49: {  	_ =	shalt  }
0x4a: {  	_ =	shalt  }
0x4b: {  	_ =	shalt  }
0x4c: {  	_ =	shalt  }
0x4d: {  	_ =	shalt  }
0x4e: {  	_ =	shalt  }
0x4f: {  	_ =	shalt  }
0x50: {  	_ =	shalt  }
0x51: {  	_ =	shalt  }
0x52: {  	_ =	shalt  }
0x53: {  	_ =	shalt  }
0x54: {  	_ =	shalt  }
0x55: {  	_ =	shalt  }
0x56: {  	_ =	shalt  }
0x57: {  	_ =	shalt  }
0x58: {  	_ =	shalt  }
0x59: {  	_ =	shalt  }
0x5a: {  	_ =	shalt  }
0x5b: {  	_ =	shalt  }
0x5c: {  	_ =	shalt  }
0x5d: {  	_ =	shalt  }
0x5e: {  	_ =	shalt  }
0x5f: {  	_ =	shalt  }
0x60: {  	_ =	shalt  }
0x61: {  	_ =	shalt  }
0x62: {  	_ =	shalt  }
0x63: {  	_ =	shalt  }
0x64: {  	_ =	shalt  }
0x65: {  	_ =	shalt  }
0x66: {  	_ =	shalt  }
0x67: {  	_ =	shalt  }
0x68: {  	_ =	shalt  }
0x69: {  	_ =	shalt  }
0x6a: {  	_ =	shalt  }
0x6b: {  	_ =	shalt  }
0x6c: {  	_ =	shalt  }
0x6d: {  	_ =	shalt  }
0x6e: {  	_ =	shalt  }
0x6f: {  	_ =	shalt  }
0x70: {  	_ =	shalt  }
0x71: {  	_ =	shalt  }
0x72: {  	_ =	shalt  }
0x73: {  	_ =	shalt  }
0x74: {  	_ =	shalt  }
0x75: {  	_ =	shalt  }
0x76: {  	_ =	shalt  }
0x77: {  	_ =	shalt  }
0x78: {  	_ =	shalt  }
0x79: {  	_ =	shalt  }
0x7a: {  	_ =	shalt  }
0x7b: {  	_ =	shalt  }
0x7c: {  	_ =	shalt  }
0x7d: {  	_ =	shalt  }
0x7e: {  	_ =	shalt  }
0x7f: {  	_ =	shalt  }
0x80: {  	_ =	shalt  }
0x81: {  	_ =	shalt  }
0x82: {  	_ =	shalt  }
0x83: {  	_ =	shalt  }
0x84: {  	_ =	shalt  }
0x85: {  	_ =	shalt  }
0x86: {  	_ =	shalt  }
0x87: {  	_ =	shalt  }
.Lfunc_end0:
.L_simem_size_0:
called_computation.1_lowered:
.L_overlay_start_0:
0x88: {  	s2 =	sld [smem:$0x3FD9]  }
0x89: {  	s3 =	sld [smem:$0x3FFE];
	_ =	sdelay $0x1  }
0x8a: {  	s1 =	srdreg.scid  }
0x8b: {  	s0 =	sand.u32 $0x1, s1  }
0x8c: {  	s16 =	sshll.u32 s0, $0xA;
	s2 =	sadd.s32 s3, s2  }
0x8d: {  	s2 =	sadd.s32 s2, s16  }
0x8e: {  	[smem:$0x3FBB] =	sst s2  }
0x8f: {  	_ = 	snop  }
0x90: {  	(tm) =	ssettm $0x1  }
0x91: {  	s17 =	sld [smem:$0x3FFB];
	_ =	sdelay $0x3  }
0x92: {  	_ =	strace s17  }
0x93: {  	s2 =	sld [smem:$0x3FFC];
	_ =	sdelay $0x3  }
0x94: {  	_ =	strace s2  }
0x95: {  	s2 =	sld [smem:$0x3FFD];
	_ =	sdelay $0x3  }
0x96: {  	_ =	strace s2  }
0x97: {  	_ =	strace $0x8FFFFFFF  }
0x98: {  	s18 =	sld [smem:$0x3FDB];
	_ =	sdelay $0x1  }
0x99: {  	s19 =	simm.s32 $_scs_section_size  }
0x9a: {  	s4 =	simm.s32 $_size__tile_overlayer_lowered;
	s5 =	simm.s32 $_tile_overlayer_lowered  }
0x9b: {  	s22 =	simm.s32 $0x1BFF;
	s21 =	sshll.u32 s5, $0x1;
	s2 =	sadd.s32 s19, s18  }
0x9c: {  	s6 =	simm.s32 $0x0;
	s20 =	sshll.u32 s4, $0x1;
	s4 =	sadd.s32 s21, s2  }
0x9d: {  	[timem:s6], [sflag:s22] =	dma.local [hbm:s4], s20  }
0x9e: {  	_ =	swait.ge [sflag:s22], s20  }
0x9f: {  	s3 =	ssub.s32 $0x0, s20;
	[sflag:s22] =	ssyncset.done $0x0  }
0xa0: {  	[sflag:s22] =	ssyncadd.s32 s3;
	_ =	sdelay $0x1  }
0xa1: {  	s23 =	simm.s32 $0x1B8B  }
0xa2: {  	_ =	swait.ge [sflag:s23], $0x1  }
0xa3: {  	[sflag:s23] =	ssyncset.done $0x0  }
0xa4: {  	s25 =	simm.s32 $0x1B8E;
	s24 =	sld [smem:$0x3FFE];
	[sflag:s23] =	ssyncadd.s32 $0xFFFFFFFF  }
0xa5: {  	s26 =	simm.s32 $execute0_lowered;
	[smem:$0x3FD2] =	sst s25  }
0xa6: {  	s4 =	sshll.u32 s26, $0x1;
	_ =	strace $0x80000049;
	[dreg:$0x1] =	wrdreg $0xFFFFFFFF  }
0xa7: {  	s28 =	simm.s32 $_size_execute0_lowered;
	s2 =	sadd.s32 s2, s4;
	[dreg:$0x0] =	wrdreg $0x0  }
0xa8: {  	s4 =	sshll.u32 s28, $0x1;
	[dreg:$0x2] =	wrdreg s2  }
0xa9: {  	[dreg:$0x3] =	wrdreg s4  }
0xaa: {  	[dreg:$0x4] =	wrdreg $0xC0  }
0xab: {  	_ =	task [dreg:s6], $0x5FFFF  }
0xac: {  	[dreg:$0x1] =	wrdreg $0xFFFFFFFF  }
0xad: {  	[dreg:$0x0] =	wrdreg $0x60  }
0xae: {  	[dreg:$0x2] =	wrdreg s24  }
0xaf: {  	[dreg:$0x3] =	wrdreg $0x9  }
0xb0: {  	_ =	task.clear_ibuf [dreg:s6], $0x4FFFF;
	_ =	strace $0x90000049  }
0xb1: {  	s29 =	simm.s32 $0x9;
	_ =	strace $0x8000004B  }
0xb2: {  	_ =	swait.ge [sflag:s29], $0x1  }
0xb3: {  	[sflag:s29] =	ssyncadd.s32 $0xFFFFFFFF  }
0xb4: {  	_ =	strace $0x9000004B  }
0xb5: {  	_ =	sfence  }
0xb6: {  	s30 =	sld [smem:$0x0];
	_ =	sdelay $0x2  }
0xb7: {  	s31 =	sshll.u32 s1, $0xD;
	s1 =	sshrl.u32 s1, $0x2  }
0xb8: {  	s3 =	sand.u32 $0x4000, s31;
	s1 =	sadd.s32 s1, s30  }
0xb9: {  	s0 =	sor.u32 s3, s0;
	s1 =	sshll.u32 s1, $0x11  }
0xba: {  	s0 =	sor.u32 s1, s0  }
0xbb: {  	s0 =	sadd.s32 $0x8F2B, s0  }
0xbc: {  	[sflag:s0] =	ssyncadd.remote.s32 $0x1  }
0xbd: {  	_ =	sfence.sel $0xFFFF  }
0xbe: {  	[dreg:$0x0] =	wrdreg $0xFFFFFFFF;
	(pc) =	sbr.abs _section_cstart, $3  }
0xbf: {  	[dreg:$0x1] =	wrdreg $0xFFFFFFFF  }
0xc0: {  	_ =	task.clear_ibuf [dreg:s6], $0x2FFFF;
	_ =	strace $0x9FFFFFFF  }
0xc1: {  	(tm) =	ssettm $0x7FFFFFFF  }
tec
execute0_lowered:
.L_overlay_start_1:
0x0: {  	(tag) =	ssettag $0x1  }
0x1: {  	s1 =	srdreg.scid  }
0x2: {  	s2 =	simm.s32 $0x0;
	s4 =	sand.u32 $0x1, s1;
	s1 =	rddreg [dreg:$0x0]  }
0x3: {  	s14 =	simm.s32 $0x900;
	[smem:$0x7FF] =	sst s2  }
0x4: {  	s15 =	simm.s32 $0x1100;
	_ =	strace $0x8000004A;
	[dreg:$0x4] =	wrdreg s14  }
0x5: {  	s16 =	simm.s32 $0x1900;
	[dreg:$0x5] =	wrdreg s15  }
0x6: {  	s17 =	simm.s32 $0x2100;
	[dreg:$0x6] =	wrdreg s16  }
0x7: {  	s18 =	simm.s32 $0x2900;
	[dreg:$0x7] =	wrdreg s17  }
0x8: {  	s19 =	simm.s32 $0x3100;
	[dreg:$0x8] =	wrdreg s18  }
0x9: {  	s20 =	simm.s32 $0x3900;
	[dreg:$0x9] =	wrdreg s19  }
0xa: {  	s21 =	simm.s32 $0x4100;
	[dreg:$0xa] =	wrdreg s20  }
0xb: {  	s22 =	simm.s32 $0x4900;
	[dreg:$0xb] =	wrdreg s21  }
0xc: {  	s23 =	simm.s32 $0x5100;
	[dreg:$0xc] =	wrdreg s22  }
0xd: {  	s24 =	simm.s32 $0x5900;
	[dreg:$0xd] =	wrdreg s23  }
0xe: {  	s25 =	simm.s32 $0x6100;
	[dreg:$0xe] =	wrdreg s24  }
0xf: {  	s0 =	stileid.u32;
	s26 =	simm.s32 $0x6900;
	[dreg:$0xf] =	wrdreg s25  }
0x10: {  	s13 =	sshll.u32 s0, $0x1;
	s0 =	simm.s32 $0x7100;
	[dreg:$0x10] =	wrdreg s26  }
0x11: {  	s6 =	simm.s32 $0x8100;
	[dreg:$0x11] =	wrdreg s0  }
0x12: {  	s7 =	simm.s32 $0x8900;
	[dreg:$0x13] =	wrdreg s6  }
0x13: {  	s8 =	simm.s32 $0x9100;
	[dreg:$0x14] =	wrdreg s7  }
0x14: {  	s9 =	simm.s32 $0x9900;
	[dreg:$0x15] =	wrdreg s8  }
0x15: {  	s10 =	simm.s32 $0xA100;
	[dreg:$0x16] =	wrdreg s9  }
0x16: {  	s11 =	simm.s32 $0xA900;
	[dreg:$0x17] =	wrdreg s10  }
0x17: {  	s12 =	simm.s32 $0xB100;
	[dreg:$0x18] =	wrdreg s11  }
0x18: {  	s3 =	sor.u32 s4, s13;
	[dreg:$0x19] =	wrdreg s12;
	s13 =	simm.s32 $0xB900  }
0x19: {  	s14 =	simm.s32 $0xC100;
	[dreg:$0x1a] =	wrdreg s13  }
0x1a: {  	s15 =	simm.s32 $0xC900;
	[dreg:$0x1b] =	wrdreg s14  }
0x1b: {  	s28 =	simm.s32 $0x1C100;
	s16 =	simm.s32 $0xD100;
	[dreg:$0x1c] =	wrdreg s15  }
0x1c: {  	s29 =	simm.s32 $0x1C900;
	s17 =	simm.s32 $0xD900;
	[dreg:$0x1d] =	wrdreg s16  }
0x1d: {  	s30 =	simm.s32 $0x1D100;
	s18 =	simm.s32 $0xE100;
	[dreg:$0x1e] =	wrdreg s17  }
0x1e: {  	s31 =	simm.s32 $0x1D900;
	s19 =	simm.s32 $0xE900;
	[dreg:$0x1f] =	wrdreg s18  }
0x1f: {  	s4 =	ssub.s32 $0x2, s4;
	s20 =	simm.s32 $0xF100;
	[smem:$0x7F5] =	sst s19  }
0x20: {  	s21 =	simm.s32 $0xF900;
	s22 =	simm.s32 $0x10100;
	[smem:$0x7F6] =	sst s20  }
0x21: {  	s7 =	simm.s32 $0x10900;
	s23 =	simm.s32 $0x11100;
	[smem:$0x7F7] =	sst s21  }
0x22: {  	s24 =	simm.s32 $0x11900;
	s25 =	simm.s32 $0x12100;
	[smem:$0x7F8] =	sst s22  }
0x23: {  	s8 =	simm.s32 $0x100;
	s26 =	simm.s32 $0x12900;
	[smem:$0x7F9] =	sst s7  }
0x24: {  	s10 =	simm.s32 $0x13900;
	s11 =	simm.s32 $0x14100;
	[smem:$0x7FA] =	sst s23  }
0x25: {  	s12 =	simm.s32 $0x14900;
	s5 =	smul.u32 $0x14, s3;
	[smem:$0x7FB] =	sst s24  }
0x26: {  	s3 =	smul.u32 $0x3C00, s3;
	s6 =	sshrl.u32 s4, $0x1;
	[smem:$0x7FC] =	sst s25  }
0x27: {  	s7 =	simm.s32 $0x2;
	[smem:$0x7FD] =	sst s26;
	s13 =	simm.s32 $0x15100  }
0x28: {  	s14 =	simm.s32 $0x15900;
	s15 =	simm.s32 $0x16100;
	s16 =	simm.s32 $0x16900  }
0x29: {  	s17 =	simm.s32 $0x17100;
	s18 =	simm.s32 $0x17900;
	s19 =	simm.s32 $0x18100  }
0x2a: {  	s20 =	simm.s32 $0x18900;
	s21 =	simm.s32 $0x19100;
	s22 =	simm.s32 $0x19900  }
0x2b: {  	s23 =	simm.s32 $0x1A100;
	s24 =	simm.s32 $0x1A900;
	s25 =	simm.s32 $0x1B100  }
0x2c: {  	s26 =	simm.s32 $0x1B900;
	s6 =	ssub.s32 s4, s6;
	s5 =	sadd.s32 s5, s1  }
0x2d: {  	s4 =	sadd.s32 $0x3700, s1;
	s3 =	sadd.s32 s3, s1;
	s5 =	sadd.s32 $0x43A00, s5  }
0x2e: {  	v2 =	vlaneseq.u32;
	s6 =	smax.u32 s6, $0x1;
	s3 =	sadd.s32 $0x43E00, s3;
	[dreg:$0x2] =	wrdreg s5  }
0x2f: {  	vm0 =	vmmov $0xffff;
	v1 =	vshrl.u32 v2, $0x3;
	[dreg:$0x3] =	wrdreg s3;
	s5 =	simm.s32 $0x7900;
	s3 =	sadd.s32 $0x3600, s1  }
0x30: {  	v0 =	vand.u32 $0x7, v2;
	v2 =	vor.u32 $0x8, v2;
	v1 =	vmul.u32 $0x8, v1;
	[dreg:$0x12] =	wrdreg s5;
	s5 =	sadd.s32 $0x3800, s1;
	s1 =	simm.s32 $0x1  }
.LBB2_1:
0x31: {  	s0 =	rddreg [dreg:$0x2]  }
0x32: {  	[tilespmem:s2], [sflag:$0x2] =	stream.linear.gather [hbm4b:s0+s2], $0xA0, $0x38;
	[tilespmem:$0x1E100] =	vst v63  }
0x33: {  	_ =	swait.ge [sflag:s7], $0xA0  }
0x34: {  	[sflag:s7] =	ssyncset.done $0x0  }
0x35: {  	[sflag:s7] =	ssyncadd.s32 $0xFFFFFF60  }
0x36: {  	v3 =	vld [tilespmem:$0x0];
	_ =	sdelay $0x4  }
0x37: {  	v4 =	vshrl.u32 v3, $0x3  }
0x38: {  	v4 =	vmul.u32 $0x30, v4  }
0x39: {  	v3 =	vand.u32 $0x7, v3  }
0x3a: {  	v3 =	vor.u32 v3, v4  }
0x3b: {  	v4 =	vperm.xlane v3, v0;
	_ =	sdelay $0x1  }
0x3c: {  	v4 =	vadd.s32 v1, v4;
	_ =	sdelay $0x3  }
0x3d: {  	v3 =	vperm.xlane v3, v2  }
0x3e: {  	[tilespmem:s8], [sflag:$0x1] =	stream.indirect_vreg.gather [hbm4b:s3+s2], $0x80, v4, vm0, $0xb8;
	[tilespmem:$0x1E100] =	vst v63  }
0x3f: {  	s0 =	rddreg [dreg:$0x4];
	v3 =	vadd.s32 v1, v3  }
0x40: {  	[tilespmem:s0], [sflag:$0x1] =	stream.indirect_vreg.gather [hbm4b:s4+s2], $0x80, v4, vm0, $0xb8;
	[tilespmem:$0x1E100] =	vst v63  }
0x41: {  	s9 =	rddreg [dreg:$0x5]  }
0x42: {  	[tilespmem:s9], [sflag:$0x1] =	stream.indirect_vreg.gather [hbm4b:s5+s2], $0x80, v4, vm0, $0xb8;
	[tilespmem:$0x1E100] =	vst v63  }
0x43: {  	s0 =	rddreg [dreg:$0x6]  }
0x44: {  	[tilespmem:s0], [sflag:$0x1] =	stream.indirect_vreg.gather [hbm4b:s3+s2], $0x80, v3, vm0, $0xb8;
	[tilespmem:$0x1E100] =	vst v63  }
0x45: {  	s9 =	rddreg [dreg:$0x7]  }
0x46: {  	[tilespmem:s9], [sflag:$0x1] =	stream.indirect_vreg.gather [hbm4b:s4+s2], $0x80, v3, vm0, $0xb8;
	[tilespmem:$0x1E100] =	vst v63  }
0x47: {  	s0 =	rddreg [dreg:$0x8]  }
0x48: {  	[tilespmem:s0], [sflag:$0x1] =	stream.indirect_vreg.gather [hbm4b:s5+s2], $0x80, v3, vm0, $0xb8;
	[tilespmem:$0x1E100] =	vst v63  }
0x49: {  	v3 =	vld [tilespmem:$0x10];
	_ =	sdelay $0x4  }
0x4a: {  	v55 =	vshrl.u32 v3, $0x3  }
0x4b: {  	v4 =	vmul.u32 $0x30, v55  }
0x4c: {  	v3 =	vand.u32 $0x7, v3  }
0x4d: {  	v3 =	vor.u32 v3, v4  }
0x4e: {  	v4 =	vperm.xlane v3, v0;
	_ =	sdelay $0x1  }
0x4f: {  	v4 =	vadd.s32 v1, v4;
	_ =	sdelay $0x3  }
0x50: {  	s0 =	rddreg [dreg:$0x9];
	v3 =	vperm.xlane v3, v2  }
0x51: {  	[tilespmem:s0], [sflag:$0x1] =	stream.indirect_vreg.gather [hbm4b:s3+s2], $0x80, v4, vm0, $0xb8;
	[tilespmem:$0x1E100] =	vst v63  }
0x52: {  	s9 =	rddreg [dreg:$0xa];
	v3 =	vadd.s32 v1, v3  }
0x53: {  	[tilespmem:s9], [sflag:$0x1] =	stream.indirect_vreg.gather [hbm4b:s4+s2], $0x80, v4, vm0, $0xb8;
	[tilespmem:$0x1E100] =	vst v63  }
0x54: {  	s0 =	rddreg [dreg:$0xb]  }
0x55: {  	[tilespmem:s0], [sflag:$0x1] =	stream.indirect_vreg.gather [hbm4b:s5+s2], $0x80, v4, vm0, $0xb8;
	[tilespmem:$0x1E100] =	vst v63  }
0x56: {  	s9 =	rddreg [dreg:$0xc]  }
0x57: {  	[tilespmem:s9], [sflag:$0x1] =	stream.indirect_vreg.gather [hbm4b:s3+s2], $0x80, v3, vm0, $0xb8;
	[tilespmem:$0x1E100] =	vst v63  }
0x58: {  	s0 =	rddreg [dreg:$0xd]  }
0x59: {  	[tilespmem:s0], [sflag:$0x1] =	stream.indirect_vreg.gather [hbm4b:s4+s2], $0x80, v3, vm0, $0xb8;
	[tilespmem:$0x1E100] =	vst v63  }
0x5a: {  	s9 =	rddreg [dreg:$0xe]  }
0x5b: {  	[tilespmem:s9], [sflag:$0x1] =	stream.indirect_vreg.gather [hbm4b:s5+s2], $0x80, v3, vm0, $0xb8;
	[tilespmem:$0x1E100] =	vst v63  }
0x5c: {  	v3 =	vld [tilespmem:$0x20];
	_ =	sdelay $0x4  }
0x5d: {  	v56 =	vshrl.u32 v3, $0x3  }
0x5e: {  	v4 =	vmul.u32 $0x30, v56  }
0x5f: {  	v3 =	vand.u32 $0x7, v3  }
0x60: {  	v3 =	vor.u32 v3, v4  }
0x61: {  	v4 =	vperm.xlane v3, v0;
	_ =	sdelay $0x1  }
0x62: {  	v4 =	vadd.s32 v1, v4;
	_ =	sdelay $0x3  }
0x63: {  	s0 =	rddreg [dreg:$0xf];
	v3 =	vperm.xlane v3, v2  }
0x64: {  	[tilespmem:s0], [sflag:$0x1] =	stream.indirect_vreg.gather [hbm4b:s3+s2], $0x80, v4, vm0, $0xb8;
	[tilespmem:$0x1E100] =	vst v63  }
0x65: {  	s9 =	rddreg [dreg:$0x10];
	v3 =	vadd.s32 v1, v3  }
0x66: {  	[tilespmem:s9], [sflag:$0x1] =	stream.indirect_vreg.gather [hbm4b:s4+s2], $0x80, v4, vm0, $0xb8;
	[tilespmem:$0x1E100] =	vst v63  }
0x67: {  	s0 =	rddreg [dreg:$0x11]  }
0x68: {  	[tilespmem:s0], [sflag:$0x1] =	stream.indirect_vreg.gather [hbm4b:s5+s2], $0x80, v4, vm0, $0xb8;
	[tilespmem:$0x1E100] =	vst v63  }
0x69: {  	s9 =	rddreg [dreg:$0x12]  }
0x6a: {  	[tilespmem:s9], [sflag:$0x1] =	stream.indirect_vreg.gather [hbm4b:s3+s2], $0x80, v3, vm0, $0xb8;
	[tilespmem:$0x1E100] =	vst v63  }
0x6b: {  	s0 =	rddreg [dreg:$0x13]  }
0x6c: {  	[tilespmem:s0], [sflag:$0x1] =	stream.indirect_vreg.gather [hbm4b:s4+s2], $0x80, v3, vm0, $0xb8;
	[tilespmem:$0x1E100] =	vst v63  }
0x6d: {  	s9 =	rddreg [dreg:$0x14]  }
0x6e: {  	[tilespmem:s9], [sflag:$0x1] =	stream.indirect_vreg.gather [hbm4b:s5+s2], $0x80, v3, vm0, $0xb8;
	[tilespmem:$0x1E100] =	vst v63  }
0x6f: {  	v3 =	vld [tilespmem:$0x30];
	_ =	sdelay $0x4  }
0x70: {  	v57 =	vshrl.u32 v3, $0x3  }
0x71: {  	v4 =	vmul.u32 $0x30, v57  }
0x72: {  	v3 =	vand.u32 $0x7, v3  }
0x73: {  	v3 =	vor.u32 v3, v4  }
0x74: {  	v4 =	vperm.xlane v3, v0;
	_ =	sdelay $0x1  }
0x75: {  	v4 =	vadd.s32 v1, v4;
	_ =	sdelay $0x3  }
0x76: {  	s0 =	rddreg [dreg:$0x15];
	v3 =	vperm.xlane v3, v2  }
0x77: {  	[tilespmem:s0], [sflag:$0x1] =	stream.indirect_vreg.gather [hbm4b:s3+s2], $0x80, v4, vm0, $0xb8;
	[tilespmem:$0x1E100] =	vst v63  }
0x78: {  	s9 =	rddreg [dreg:$0x16];
	v3 =	vadd.s32 v1, v3  }
0x79: {  	[tilespmem:s9], [sflag:$0x1] =	stream.indirect_vreg.gather [hbm4b:s4+s2], $0x80, v4, vm0, $0xb8;
	[tilespmem:$0x1E100] =	vst v63  }
0x7a: {  	s0 =	rddreg [dreg:$0x17]  }
0x7b: {  	[tilespmem:s0], [sflag:$0x1] =	stream.indirect_vreg.gather [hbm4b:s5+s2], $0x80, v4, vm0, $0xb8;
	[tilespmem:$0x1E100] =	vst v63  }
0x7c: {  	s9 =	rddreg [dreg:$0x18]  }
0x7d: {  	[tilespmem:s9], [sflag:$0x1] =	stream.indirect_vreg.gather [hbm4b:s3+s2], $0x80, v3, vm0, $0xb8;
	[tilespmem:$0x1E100] =	vst v63  }
0x7e: {  	s0 =	rddreg [dreg:$0x19]  }
0x7f: {  	[tilespmem:s0], [sflag:$0x1] =	stream.indirect_vreg.gather [hbm4b:s4+s2], $0x80, v3, vm0, $0xb8;
	[tilespmem:$0x1E100] =	vst v63  }
0x80: {  	s9 =	rddreg [dreg:$0x1a]  }
0x81: {  	[tilespmem:s9], [sflag:$0x1] =	stream.indirect_vreg.gather [hbm4b:s5+s2], $0x80, v3, vm0, $0xb8;
	[tilespmem:$0x1E100] =	vst v63  }
0x82: {  	v3 =	vld [tilespmem:$0x40];
	_ =	sdelay $0x4  }
0x83: {  	v58 =	vshrl.u32 v3, $0x3  }
0x84: {  	v4 =	vmul.u32 $0x30, v58  }
0x85: {  	v3 =	vand.u32 $0x7, v3  }
0x86: {  	v3 =	vor.u32 v3, v4  }
0x87: {  	v4 =	vperm.xlane v3, v0;
	_ =	sdelay $0x1  }
0x88: {  	v4 =	vadd.s32 v1, v4;
	_ =	sdelay $0x2  }
0x89: {  	s0 =	rddreg [dreg:$0x1b]  }
0x8a: {  	s9 =	rddreg [dreg:$0x1c];
	v3 =	vperm.xlane v3, v2  }
0x8b: {  	[tilespmem:s0], [sflag:$0x1] =	stream.indirect_vreg.gather [hbm4b:s3+s2], $0x80, v4, vm0, $0xb8;
	[tilespmem:$0x1E100] =	vst v63  }
0x8c: {  	v3 =	vadd.s32 v1, v3;
	s0 =	rddreg [dreg:$0x1d]  }
0x8d: {  	[tilespmem:s9], [sflag:$0x1] =	stream.indirect_vreg.gather [hbm4b:s4+s2], $0x80, v4, vm0, $0xb8;
	[tilespmem:$0x1E100] =	vst v63  }
0x8e: {  	s9 =	rddreg [dreg:$0x1e]  }
0x8f: {  	[tilespmem:s0], [sflag:$0x1] =	stream.indirect_vreg.gather [hbm4b:s5+s2], $0x80, v4, vm0, $0xb8;
	[tilespmem:$0x1E100] =	vst v63  }
0x90: {  	s0 =	rddreg [dreg:$0x1f]  }
0x91: {  	[tilespmem:s9], [sflag:$0x1] =	stream.indirect_vreg.gather [hbm4b:s3+s2], $0x80, v3, vm0, $0xb8;
	[tilespmem:$0x1E100] =	vst v63  }
0x92: {  	s9 =	sld [smem:$0x7F5]  }
0x93: {  	[tilespmem:s0], [sflag:$0x1] =	stream.indirect_vreg.gather [hbm4b:s4+s2], $0x80, v3, vm0, $0xb8;
	[tilespmem:$0x1E100] =	vst v63  }
0x94: {  	_ = 	snop  }
0x95: {  	[tilespmem:s9], [sflag:$0x1] =	stream.indirect_vreg.gather [hbm4b:s5+s2], $0x80, v3, vm0, $0xb8;
	[tilespmem:$0x1E100] =	vst v63  }
0x96: {  	v3 =	vld [tilespmem:$0x50];
	_ =	sdelay $0x4  }
0x97: {  	v59 =	vshrl.u32 v3, $0x3  }
0x98: {  	v4 =	vmul.u32 $0x30, v59  }
0x99: {  	v3 =	vand.u32 $0x7, v3  }
0x9a: {  	v3 =	vor.u32 v3, v4  }
0x9b: {  	v4 =	vperm.xlane v3, v0;
	_ =	sdelay $0x1  }
0x9c: {  	v4 =	vadd.s32 v1, v4;
	_ =	sdelay $0x1  }
0x9d: {  	s0 =	sld [smem:$0x7F6];
	_ =	sdelay $0x1  }
0x9e: {  	s9 =	sld [smem:$0x7F7];
	v3 =	vperm.xlane v3, v2  }
0x9f: {  	[tilespmem:s0], [sflag:$0x1] =	stream.indirect_vreg.gather [hbm4b:s3+s2], $0x80, v4, vm0, $0xb8;
	[tilespmem:$0x1E100] =	vst v63  }
0xa0: {  	v3 =	vadd.s32 v1, v3;
	s0 =	sld [smem:$0x7F8]  }
0xa1: {  	[tilespmem:s9], [sflag:$0x1] =	stream.indirect_vreg.gather [hbm4b:s4+s2], $0x80, v4, vm0, $0xb8;
	[tilespmem:$0x1E100] =	vst v63  }
0xa2: {  	s9 =	sld [smem:$0x7F9]  }
0xa3: {  	[tilespmem:s0], [sflag:$0x1] =	stream.indirect_vreg.gather [hbm4b:s5+s2], $0x80, v4, vm0, $0xb8;
	[tilespmem:$0x1E100] =	vst v63  }
0xa4: {  	s0 =	sld [smem:$0x7FA]  }
0xa5: {  	[tilespmem:s9], [sflag:$0x1] =	stream.indirect_vreg.gather [hbm4b:s3+s2], $0x80, v3, vm0, $0xb8;
	[tilespmem:$0x1E100] =	vst v63  }
0xa6: {  	s9 =	sld [smem:$0x7FB]  }
0xa7: {  	[tilespmem:s0], [sflag:$0x1] =	stream.indirect_vreg.gather [hbm4b:s4+s2], $0x80, v3, vm0, $0xb8;
	[tilespmem:$0x1E100] =	vst v63  }
0xa8: {  	_ = 	snop  }
0xa9: {  	[tilespmem:s9], [sflag:$0x1] =	stream.indirect_vreg.gather [hbm4b:s5+s2], $0x80, v3, vm0, $0xb8;
	[tilespmem:$0x1E100] =	vst v63  }
0xaa: {  	v3 =	vld [tilespmem:$0x60];
	_ =	sdelay $0x4  }
0xab: {  	v60 =	vshrl.u32 v3, $0x3  }
0xac: {  	v4 =	vmul.u32 $0x30, v60  }
0xad: {  	v3 =	vand.u32 $0x7, v3  }
0xae: {  	v3 =	vor.u32 v3, v4  }
0xaf: {  	v4 =	vperm.xlane v3, v0;
	_ =	sdelay $0x1  }
0xb0: {  	v4 =	vadd.s32 v1, v4;
	_ =	sdelay $0x1  }
0xb1: {  	s0 =	sld [smem:$0x7FC];
	_ =	sdelay $0x1  }
0xb2: {  	s9 =	sld [smem:$0x7FD];
	v3 =	vperm.xlane v3, v2  }
0xb3: {  	[tilespmem:s0], [sflag:$0x1] =	stream.indirect_vreg.gather [hbm4b:s3+s2], $0x80, v4, vm0, $0xb8;
	[tilespmem:$0x1E100] =	vst v63  }
0xb4: {  	v3 =	vadd.s32 v1, v3  }
0xb5: {  	[tilespmem:s9], [sflag:$0x1] =	stream.indirect_vreg.gather [hbm4b:s4+s2], $0x80, v4, vm0, $0xb8;
	[tilespmem:$0x1E100] =	vst v63  }
0xb6: {  	s9 =	simm.s32 $0x13100  }
0xb7: {  	[tilespmem:s9], [sflag:$0x1] =	stream.indirect_vreg.gather [hbm4b:s5+s2], $0x80, v4, vm0, $0xb8;
	[tilespmem:$0x1E100] =	vst v63  }
0xb8: {  	_ = 	snop  }
0xb9: {  	[tilespmem:s10], [sflag:$0x1] =	stream.indirect_vreg.gather [hbm4b:s3+s2], $0x80, v3, vm0, $0xb8;
	[tilespmem:$0x1E100] =	vst v63  }
0xba: {  	_ = 	snop  }
0xbb: {  	[tilespmem:s11], [sflag:$0x1] =	stream.indirect_vreg.gather [hbm4b:s4+s2], $0x80, v3, vm0, $0xb8;
	[tilespmem:$0x1E100] =	vst v63  }
0xbc: {  	_ = 	snop  }
0xbd: {  	[tilespmem:s12], [sflag:$0x1] =	stream.indirect_vreg.gather [hbm4b:s5+s2], $0x80, v3, vm0, $0xb8;
	[tilespmem:$0x1E100] =	vst v63  }
0xbe: {  	v3 =	vld [tilespmem:$0x70];
	_ =	sdelay $0x4  }
0xbf: {  	v61 =	vshrl.u32 v3, $0x3  }
0xc0: {  	v4 =	vmul.u32 $0x30, v61  }
0xc1: {  	v3 =	vand.u32 $0x7, v3  }
0xc2: {  	v3 =	vor.u32 v3, v4  }
0xc3: {  	v4 =	vperm.xlane v3, v0;
	_ =	sdelay $0x1  }
0xc4: {  	v4 =	vadd.s32 v1, v4;
	_ =	sdelay $0x3  }
0xc5: {  	v3 =	vperm.xlane v3, v2  }
0xc6: {  	[tilespmem:s13], [sflag:$0x1] =	stream.indirect_vreg.gather [hbm4b:s3+s2], $0x80, v4, vm0, $0xb8;
	[tilespmem:$0x1E100] =	vst v63  }
0xc7: {  	v3 =	vadd.s32 v1, v3  }
0xc8: {  	[tilespmem:s14], [sflag:$0x1] =	stream.indirect_vreg.gather [hbm4b:s4+s2], $0x80, v4, vm0, $0xb8;
	[tilespmem:$0x1E100] =	vst v63  }
0xc9: {  	_ = 	snop  }
0xca: {  	[tilespmem:s15], [sflag:$0x1] =	stream.indirect_vreg.gather [hbm4b:s5+s2], $0x80, v4, vm0, $0xb8;
	[tilespmem:$0x1E100] =	vst v63  }
0xcb: {  	_ = 	snop  }
0xcc: {  	[tilespmem:s16], [sflag:$0x1] =	stream.indirect_vreg.gather [hbm4b:s3+s2], $0x80, v3, vm0, $0xb8;
	[tilespmem:$0x1E100] =	vst v63  }
0xcd: {  	_ = 	snop  }
0xce: {  	[tilespmem:s17], [sflag:$0x1] =	stream.indirect_vreg.gather [hbm4b:s4+s2], $0x80, v3, vm0, $0xb8;
	[tilespmem:$0x1E100] =	vst v63  }
0xcf: {  	_ = 	snop  }
0xd0: {  	[tilespmem:s18], [sflag:$0x1] =	stream.indirect_vreg.gather [hbm4b:s5+s2], $0x80, v3, vm0, $0xb8;
	[tilespmem:$0x1E100] =	vst v63  }
0xd1: {  	v3 =	vld [tilespmem:$0x80];
	_ =	sdelay $0x4  }
0xd2: {  	v62 =	vshrl.u32 v3, $0x3  }
0xd3: {  	v4 =	vmul.u32 $0x30, v62  }
0xd4: {  	v3 =	vand.u32 $0x7, v3  }
0xd5: {  	v3 =	vor.u32 v3, v4  }
0xd6: {  	v4 =	vperm.xlane v3, v0;
	_ =	sdelay $0x1  }
0xd7: {  	v4 =	vadd.s32 v1, v4;
	_ =	sdelay $0x3  }
0xd8: {  	v3 =	vperm.xlane v3, v2  }
0xd9: {  	[tilespmem:s19], [sflag:$0x1] =	stream.indirect_vreg.gather [hbm4b:s3+s2], $0x80, v4, vm0, $0xb8;
	[tilespmem:$0x1E100] =	vst v63  }
0xda: {  	v3 =	vadd.s32 v1, v3  }
0xdb: {  	[tilespmem:s20], [sflag:$0x1] =	stream.indirect_vreg.gather [hbm4b:s4+s2], $0x80, v4, vm0, $0xb8;
	[tilespmem:$0x1E100] =	vst v63  }
0xdc: {  	_ = 	snop  }
0xdd: {  	[tilespmem:s21], [sflag:$0x1] =	stream.indirect_vreg.gather [hbm4b:s5+s2], $0x80, v4, vm0, $0xb8;
	[tilespmem:$0x1E100] =	vst v63  }
0xde: {  	_ = 	snop  }
0xdf: {  	[tilespmem:s22], [sflag:$0x1] =	stream.indirect_vreg.gather [hbm4b:s3+s2], $0x80, v3, vm0, $0xb8;
	[tilespmem:$0x1E100] =	vst v63  }
0xe0: {  	_ = 	snop  }
0xe1: {  	[tilespmem:s23], [sflag:$0x1] =	stream.indirect_vreg.gather [hbm4b:s4+s2], $0x80, v3, vm0, $0xb8;
	[tilespmem:$0x1E100] =	vst v63  }
0xe2: {  	_ = 	snop  }
0xe3: {  	[tilespmem:s24], [sflag:$0x1] =	stream.indirect_vreg.gather [hbm4b:s5+s2], $0x80, v3, vm0, $0xb8;
	[tilespmem:$0x1E100] =	vst v63  }
0xe4: {  	v3 =	vld [tilespmem:$0x90];
	_ =	sdelay $0x4  }
0xe5: {  	v63 =	vshrl.u32 v3, $0x3  }
0xe6: {  	v4 =	vmul.u32 $0x30, v63  }
0xe7: {  	v3 =	vand.u32 $0x7, v3  }
0xe8: {  	v3 =	vor.u32 v3, v4  }
0xe9: {  	v4 =	vperm.xlane v3, v0;
	_ =	sdelay $0x1  }
0xea: {  	v4 =	vadd.s32 v1, v4;
	_ =	sdelay $0x3  }
0xeb: {  	v3 =	vperm.xlane v3, v2  }
0xec: {  	[tilespmem:s25], [sflag:$0x1] =	stream.indirect_vreg.gather [hbm4b:s3+s2], $0x80, v4, vm0, $0xb8;
	[tilespmem:$0x1E100] =	vst v63  }
0xed: {  	v3 =	vadd.s32 v1, v3  }
0xee: {  	[tilespmem:s26], [sflag:$0x1] =	stream.indirect_vreg.gather [hbm4b:s4+s2], $0x80, v4, vm0, $0xb8;
	[tilespmem:$0x1E100] =	vst v63  }
0xef: {  	_ = 	snop  }
0xf0: {  	[tilespmem:s28], [sflag:$0x1] =	stream.indirect_vreg.gather [hbm4b:s5+s2], $0x80, v4, vm0, $0xb8;
	[tilespmem:$0x1E100] =	vst v63  }
0xf1: {  	_ = 	snop  }
0xf2: {  	[tilespmem:s29], [sflag:$0x1] =	stream.indirect_vreg.gather [hbm4b:s3+s2], $0x80, v3, vm0, $0xb8;
	[tilespmem:$0x1E100] =	vst v63  }
0xf3: {  	_ = 	snop  }
0xf4: {  	[tilespmem:s30], [sflag:$0x1] =	stream.indirect_vreg.gather [hbm4b:s4+s2], $0x80, v3, vm0, $0xb8;
	[tilespmem:$0x1E100] =	vst v63  }
0xf5: {  	_ = 	snop  }
0xf6: {  	[tilespmem:s31], [sflag:$0x1] =	stream.indirect_vreg.gather [hbm4b:s5+s2], $0x80, v3, vm0, $0xb8;
	[tilespmem:$0x1E100] =	vst v63  }
0xf7: {  	_ =	swait.ge [sflag:s1], $0x1E000  }
0xf8: {  	p0 =	sne.s32 s6, $0x1;
	[sflag:s1] =	ssyncset.done $0x0  }
.Ltmp0:
0xf9: {  	s9 =	rddreg [dreg:$0x3];
	[sflag:s1] =	ssyncadd.s32 $0xFFFE2000;
	(pc) =	sbr.rel @p0 .LBB2_1-.Ltmp0, $4  }
0xfa: {  	[hbm4b:s9+s2] =	stream.linear.scatter [tilespmem:s8], [sflag:$0x2], $0x1E000, $0x38;
	[tilespmem:$0x1E100] =	vst v63  }
0xfb: {  	_ =	swait.ge [sflag:s7], $0x1E000  }
0xfc: {  	[sflag:s7] =	ssyncset.done $0x0  }
0xfd: {  	s6 =	sadd.s32 $0xFFFFFFFF, s6;
	[sflag:s7] =	ssyncadd.s32 $0xFFFE2000  }
0xfe: {  	_ =	sfence.sel $0x180000  }
0xff: {  	[bflag:$0x0] =	sbarrier.arrive $0xFFFF  }
0x100: {  	_ =	strace $0x9000004A  }
0x101: {  	s0 =	stileid.u32;
	[bflag:$0x2] =	sbarrier.arrive $0xFFFF  }
0x102: {  	p0 =	sne.s32 s0, $0x0;
	s0 =	rddreg [dreg:$0x1]  }
0x103: {  	s0 =	sadd.s32 @!p0 $0x100000, s0  }
0x104: {  	[sflag:s0] =	ssyncadd.tile.s32 @!p0 $0x1;
	_ =	shalt  }
.Lfunc_end2:
_tile_overlayer_lowered:
.L_overlay_start_2:
0x105: {  	(tag) =	ssettag $0x2  }
0x106: {  	s0 =	rddreg [dreg:$0x0];
	s2 =	stileid.u32  }
0x107: {  	s1 =	rddreg [dreg:$0x1];
	p0 =	sne.s32 s2, $0x0  }
0x108: {  	s3 =	rddreg [dreg:$0x2];
	[bflag:$0x3] =	sbarrier.arrive $0xFFFF;
	s2 =	simm.s32 @!p0 $0x1C02  }
0x109: {  	[timem:s3], [sflag:s2] =	dma.local @!p0 [hbm:s0], s1  }
0x10a: {  	s0 =	simm.s32 @!p0 $0x2  }
0x10b: {  	_ =	swait.ge @!p0 [sflag:s0], s1  }
0x10c: {  	s1 =	ssub.s32 @!p0 $0x0, s1;
	[sflag:s0] =	ssyncset.done @!p0 $0x0  }
0x10d: {  	[sflag:s0] =	ssyncadd.s32 @!p0 s1  }
0x10e: {  	[bflag:$0x3] =	sbarrier.arrive $0xFFFF  }
0x10f: {  	_ =	shalt  }

// kernel: kernel.24.cloned.1.call-start
scs
__scs_entry_jumppad:
0x0: {  	(pc) =	sbr.rel $0x88, $3  }
0x1: {  	(tag) =	ssettag $0x0;
	lr =	simm.s32 $0x1  }
0x2: {  	[smem:$0x3F94] =	sst lr;
	_ =	strace $0xD0000000  }
0x3: {  	_ = 	snop  }
0x4: {  	_ = 	snop  }
0x5: {  	_ = 	snop  }
0x6: {  	_ = 	snop  }
0x7: {  	_ = 	snop  }
__scs_overlays_trampoline_lowered:
0x8: {  	[smem:$0x3FA3] =	sst s0  }
0x9: {  	[smem:$0x3FA4] =	sst s1  }
0xa: {  	[smem:$0x3FA5] =	sst s2  }
0xb: {  	[smem:$0x3FA6] =	sst s3  }
0xc: {  	[smem:$0x3FA7] =	sst s4  }
0xd: {  	[smem:$0x3FA8] =	sst s5  }
0xe: {  	[smem:$0x3FA9] =	sst s6  }
0xf: {  	[smem:$0x3FAA] =	sst s7  }
0x10: {  	[smem:$0x3FAB] =	sst s8  }
0x11: {  	[smem:$0x3FAC] =	sst s9;
	s0 =	simm.s32 @!p0 $0x0  }
0x12: {  	s1 =	sld [smem:$0x3F92];
	s0 =	simm.s32 @p0 $0x1  }
0x13: {  	[smem:$0x3FAD] =	sst s0;
	s0 =	simm.s32 @!p1 $0x0  }
0x14: {  	s2 =	sld [smem:$0x3F91];
	s0 =	simm.s32 @p1 $0x1  }
0x15: {  	[smem:$0x3FAE] =	sst s0;
	s0 =	simm.s32 @!p2 $0x0  }
0x16: {  	s3 =	sld [smem:$0x3FDB];
	s0 =	simm.s32 @p2 $0x1  }
0x17: {  	s4 =	simm.s32 $0x1BF5;
	[smem:$0x3FB0] =	sst s0  }
0x18: {  	s0 =	sld [smem:$0x3F93];
	_ =	swait.ge [sflag:s4], $0x0  }
0x19: {  	s7 =	sld [smem:$0x3F94]  }
0x1a: {  	s8 =	sadd.s32 $0xFFFFE003, lr  }
0x1b: {  	s9 =	sadd.s32 $0xFFFFFEF7, lr;
	s5 =	simm.s32 $0xFFFFFFFF;
	p2 =	slt.u32 s8, $0xFFFFF086  }
0x1c: {  	p1 =	slt.u32 s9, $0xF7A;
	s5 =	simm.s32 @!p2 $0x0  }
0x1d: {  	s5 =	simm.s32 @p1 $0x1;
	p0 =	seq.s32 s7, s2  }
0x1e: {  	s7 =	smul.u32 @!p0 $0xF7A, s2;
	p2 =	seq.s32 @!p0 s5, $0x0  }
0x1f: {  	s9 =	smul.u32 $0xF7A, s1;
	s8 =	simm.s32 @!p0 $0x1BF5;
	p2 =	por !p2, p0  }
0x20: {  	[sflag:s8] =	ssyncset.s32 @!p0 $0xFFFFF086;
	s6 =	sadd.s32 @!p0 s3, s7;
	s7 =	simm.s32 @!p0 $0x108  }
0x21: {  	s3 =	sadd.s32 s3, s9;
	s6 =	sadd.s32 @!p0 $0x88, s6;
	s7 =	simm.s32 @p2 $0x1082  }
0x22: {  	[simem:s7], [sflag:s8] =	dma.local @!p0 [hbm:s6], $0xF7A  }
0x23: {  	s9 =	sor.u32 $0xD0000000, s2;
	s6 =	simm.s32 $0x108;
	_ =	swait.ge @!p0 [sflag:s8], $0x0  }
0x24: {  	s3 =	sadd.s32 $0x88, s3;
	s6 =	simm.s32 @!p1 $0x1082;
	[sflag:s4] =	ssyncset.s32 $0xFFFFF086  }
0x25: {  	[simem:s6], [sflag:s4] =	dma.local [hbm:s3], $0xF7A  }
0x26: {  	[smem:$0x3F94] =	sst s1;
	(tag) =	ssettag s2;
	_ =	strace s9  }
0x27: {  	s1 =	sld [smem:$0x3FA4]  }
0x28: {  	s2 =	sld [smem:$0x3FA5]  }
0x29: {  	s4 =	sld [smem:$0x3FA7]  }
0x2a: {  	p0 =	seq.s32 s5, $0x0;
	s5 =	sld [smem:$0x3FA8]  }
0x2b: {  	s6 =	sld [smem:$0x3FA9]  }
0x2c: {  	s7 =	sld [smem:$0x3FAA]  }
0x2d: {  	s3 =	simm.s32 $0x108;
	s8 =	sld [smem:$0x3FAB]  }
0x2e: {  	s3 =	simm.s32 @!p0 $0x1082;
	s9 =	sld [smem:$0x3FAC]  }
0x2f: {  	lr =	sadd.s32 s0, s3;
	s0 =	sld [smem:$0x3FA3]  }
0x30: {  	s3 =	sld [smem:$0x3FA6]  }
0x31: {  	[smem:$0x3FAF] =	sst s10  }
0x32: {  	s10 =	sld [smem:$0x3FAD];
	_ =	sdelay $0x3  }
0x33: {  	p0 =	seq.s32 s10, $0x1;
	s10 =	sld [smem:$0x3FAF];
	_ =	sdelay $0x3  }
0x34: {  	[smem:$0x3FAF] =	sst s10  }
0x35: {  	s10 =	sld [smem:$0x3FAE];
	_ =	sdelay $0x3  }
0x36: {  	p1 =	seq.s32 s10, $0x1;
	s10 =	sld [smem:$0x3FAF];
	_ =	sdelay $0x3  }
0x37: {  	[smem:$0x3FAF] =	sst s10  }
0x38: {  	s10 =	sld [smem:$0x3FB0]  }
0x39: {  	_ = 	snop;
	(pc) =	sbr.ind lr, $3  }
0x3a: {  	_ = 	snop  }
0x3b: {  	_ = 	snop  }
0x3c: {  	p2 =	seq.s32 s10, $0x1;
	s10 =	sld [smem:$0x3FAF]  }
0x3d: {  	_ =	shalt  }
0x3e: {  	_ =	shalt  }
0x3f: {  	_ =	shalt  }
0x40: {  	_ =	shalt  }
0x41: {  	_ =	shalt  }
0x42: {  	_ =	shalt  }
0x43: {  	_ =	shalt  }
0x44: {  	_ =	shalt  }
0x45: {  	_ =	shalt  }
0x46: {  	_ =	shalt  }
0x47: {  	_ =	shalt  }
0x48: {  	_ =	shalt  }
0x49: {  	_ =	shalt  }
0x4a: {  	_ =	shalt  }
0x4b: {  	_ =	shalt  }
0x4c: {  	_ =	shalt  }
0x4d: {  	_ =	shalt  }
0x4e: {  	_ =	shalt  }
0x4f: {  	_ =	shalt  }
0x50: {  	_ =	shalt  }
0x51: {  	_ =	shalt  }
0x52: {  	_ =	shalt  }
0x53: {  	_ =	shalt  }
0x54: {  	_ =	shalt  }
0x55: {  	_ =	shalt  }
0x56: {  	_ =	shalt  }
0x57: {  	_ =	shalt  }
0x58: {  	_ =	shalt  }
0x59: {  	_ =	shalt  }
0x5a: {  	_ =	shalt  }
0x5b: {  	_ =	shalt  }
0x5c: {  	_ =	shalt  }
0x5d: {  	_ =	shalt  }
0x5e: {  	_ =	shalt  }
0x5f: {  	_ =	shalt  }
0x60: {  	_ =	shalt  }
0x61: {  	_ =	shalt  }
0x62: {  	_ =	shalt  }
0x63: {  	_ =	shalt  }
0x64: {  	_ =	shalt  }
0x65: {  	_ =	shalt  }
0x66: {  	_ =	shalt  }
0x67: {  	_ =	shalt  }
0x68: {  	_ =	shalt  }
0x69: {  	_ =	shalt  }
0x6a: {  	_ =	shalt  }
0x6b: {  	_ =	shalt  }
0x6c: {  	_ =	shalt  }
0x6d: {  	_ =	shalt  }
0x6e: {  	_ =	shalt  }
0x6f: {  	_ =	shalt  }
0x70: {  	_ =	shalt  }
0x71: {  	_ =	shalt  }
0x72: {  	_ =	shalt  }
0x73: {  	_ =	shalt  }
0x74: {  	_ =	shalt  }
0x75: {  	_ =	shalt  }
0x76: {  	_ =	shalt  }
0x77: {  	_ =	shalt  }
0x78: {  	_ =	shalt  }
0x79: {  	_ =	shalt  }
0x7a: {  	_ =	shalt  }
0x7b: {  	_ =	shalt  }
0x7c: {  	_ =	shalt  }
0x7d: {  	_ =	shalt  }
0x7e: {  	_ =	shalt  }
0x7f: {  	_ =	shalt  }
0x80: {  	_ =	shalt  }
0x81: {  	_ =	shalt  }
0x82: {  	_ =	shalt  }
0x83: {  	_ =	shalt  }
0x84: {  	_ =	shalt  }
0x85: {  	_ =	shalt  }
0x86: {  	_ =	shalt  }
0x87: {  	_ =	shalt  }
.Lfunc_end0:
.L_simem_size_0:
called_computation.2_lowered:
.L_overlay_start_0:
0x88: {  	s2 =	sld [smem:$0x3FD9]  }
0x89: {  	s3 =	sld [smem:$0x3FFE];
	_ =	sdelay $0x1  }
0x8a: {  	s1 =	srdreg.scid  }
0x8b: {  	s0 =	sand.u32 $0x1, s1  }
0x8c: {  	s16 =	sshll.u32 s0, $0xA;
	s2 =	sadd.s32 s3, s2  }
0x8d: {  	s2 =	sadd.s32 s2, s16  }
0x8e: {  	[smem:$0x3FBB] =	sst s2  }
0x8f: {  	_ = 	snop  }
0x90: {  	(tm) =	ssettm $0x1  }
0x91: {  	s17 =	sld [smem:$0x3FFB];
	_ =	sdelay $0x3  }
0x92: {  	_ =	strace s17  }
0x93: {  	s2 =	sld [smem:$0x3FFC];
	_ =	sdelay $0x3  }
0x94: {  	_ =	strace s2  }
0x95: {  	s2 =	sld [smem:$0x3FFD];
	_ =	sdelay $0x3  }
0x96: {  	_ =	strace s2  }
0x97: {  	_ =	strace $0x8FFFFFFF  }
0x98: {  	s18 =	sld [smem:$0x3FDB];
	_ =	sdelay $0x1  }
0x99: {  	s19 =	simm.s32 $_scs_section_size  }
0x9a: {  	s4 =	simm.s32 $_size__tile_overlayer_lowered;
	s5 =	simm.s32 $_tile_overlayer_lowered  }
0x9b: {  	s22 =	simm.s32 $0x1BFF;
	s21 =	sshll.u32 s5, $0x1;
	s2 =	sadd.s32 s19, s18  }
0x9c: {  	s6 =	simm.s32 $0x0;
	s20 =	sshll.u32 s4, $0x1;
	s4 =	sadd.s32 s21, s2  }
0x9d: {  	[timem:s6], [sflag:s22] =	dma.local [hbm:s4], s20  }
0x9e: {  	_ =	swait.ge [sflag:s22], s20  }
0x9f: {  	s3 =	ssub.s32 $0x0, s20;
	[sflag:s22] =	ssyncset.done $0x0  }
0xa0: {  	[sflag:s22] =	ssyncadd.s32 s3;
	_ =	sdelay $0x1  }
0xa1: {  	s23 =	simm.s32 $0x1B8B  }
0xa2: {  	_ =	swait.ge [sflag:s23], $0x1  }
0xa3: {  	[sflag:s23] =	ssyncset.done $0x0  }
0xa4: {  	s25 =	simm.s32 $0x1B8E;
	s24 =	sld [smem:$0x3FFE];
	[sflag:s23] =	ssyncadd.s32 $0xFFFFFFFF  }
0xa5: {  	s26 =	simm.s32 $execute0_lowered;
	[smem:$0x3FD2] =	sst s25  }
0xa6: {  	s4 =	sshll.u32 s26, $0x1;
	_ =	strace $0x8000004C;
	[dreg:$0x1] =	wrdreg $0xFFFFFFFF  }
0xa7: {  	s28 =	simm.s32 $_size_execute0_lowered;
	s2 =	sadd.s32 s2, s4;
	[dreg:$0x0] =	wrdreg $0x0  }
0xa8: {  	s4 =	sshll.u32 s28, $0x1;
	[dreg:$0x2] =	wrdreg s2  }
0xa9: {  	[dreg:$0x3] =	wrdreg s4  }
0xaa: {  	[dreg:$0x4] =	wrdreg $0xC0  }
0xab: {  	_ =	task [dreg:s6], $0x5FFFF  }
0xac: {  	[dreg:$0x1] =	wrdreg $0xFFFFFFFF  }
0xad: {  	[dreg:$0x0] =	wrdreg $0x60  }
0xae: {  	[dreg:$0x2] =	wrdreg s24  }
0xaf: {  	[dreg:$0x3] =	wrdreg $0x9  }
0xb0: {  	_ =	task.clear_ibuf [dreg:s6], $0x4FFFF;
	_ =	strace $0x9000004C  }
0xb1: {  	s29 =	simm.s32 $0x9;
	_ =	strace $0x8000004E  }
0xb2: {  	_ =	swait.ge [sflag:s29], $0x1  }
0xb3: {  	[sflag:s29] =	ssyncadd.s32 $0xFFFFFFFF  }
0xb4: {  	_ =	strace $0x9000004E  }
0xb5: {  	_ =	sfence  }
0xb6: {  	s30 =	sld [smem:$0x0];
	_ =	sdelay $0x2  }
0xb7: {  	s31 =	sshll.u32 s1, $0xD;
	s1 =	sshrl.u32 s1, $0x2  }
0xb8: {  	s3 =	sand.u32 $0x4000, s31;
	s1 =	sadd.s32 s1, s30  }
0xb9: {  	s0 =	sor.u32 s3, s0;
	s1 =	sshll.u32 s1, $0x11  }
0xba: {  	s0 =	sor.u32 s1, s0  }
0xbb: {  	s0 =	sadd.s32 $0x8F2B, s0  }
0xbc: {  	[sflag:s0] =	ssyncadd.remote.s32 $0x1  }
0xbd: {  	_ =	sfence.sel $0xFFFF  }
0xbe: {  	[dreg:$0x0] =	wrdreg $0xFFFFFFFF;
	(pc) =	sbr.abs _section_cstart, $3  }
0xbf: {  	[dreg:$0x1] =	wrdreg $0xFFFFFFFF  }
0xc0: {  	_ =	task.clear_ibuf [dreg:s6], $0x2FFFF;
	_ =	strace $0x9FFFFFFF  }
0xc1: {  	(tm) =	ssettm $0x7FFFFFFF  }
tec
execute0_lowered:
.L_overlay_start_1:
0x0: {  	(tag) =	ssettag $0x1  }
0x1: {  	s0 =	srdreg.scid  }
0x2: {  	s2 =	stileid.u32;
	s1 =	rddreg [dreg:$0x0];
	s10 =	simm.s32 $0x880  }
0x3: {  	s11 =	simm.s32 $0x1080;
	s12 =	simm.s32 $0x1880;
	s13 =	simm.s32 $0x2080  }
0x4: {  	s14 =	simm.s32 $0x2880;
	s15 =	simm.s32 $0x3080;
	s16 =	simm.s32 $0x3880  }
0x5: {  	s17 =	simm.s32 $0x4080;
	s18 =	simm.s32 $0x4880;
	s19 =	simm.s32 $0x5080  }
0x6: {  	s20 =	simm.s32 $0x5880;
	s21 =	simm.s32 $0x6080;
	s22 =	simm.s32 $0x6880  }
0x7: {  	s23 =	simm.s32 $0x7080;
	s24 =	simm.s32 $0x7880;
	s28 =	simm.s32 $0x9080  }
0x8: {  	s29 =	simm.s32 $0x9880;
	s30 =	simm.s32 $0xA080;
	s31 =	simm.s32 $0xA880  }
0x9: {  	s0 =	sand.u32 $0x1, s0;
	s3 =	sshll.u32 s2, $0x4;
	s2 =	simm.s32 $0x0  }
0xa: {  	s4 =	sshll.u32 s0, $0x3;
	[smem:$0x7FF] =	sst s2;
	s0 =	ssub.s32 $0x2, s0  }
0xb: {  	s3 =	sor.u32 s4, s3;
	_ =	strace $0x8000004D;
	s7 =	sshrl.u32 s0, $0x1  }
0xc: {  	s4 =	smul.u32 $0x300, s3;
	s5 =	sadd.s32 s3, s1;
	s3 =	sadd.s32 $0x43A00, s1  }
0xd: {  	s0 =	ssub.s32 s0, s7;
	s7 =	simm.s32 $0x2;
	s6 =	sadd.s32 $0x43600, s5  }
0xe: {  	s5 =	sadd.s32 $0x43800, s5;
	s4 =	sadd.s32 s4, s1;
	[dreg:$0x2] =	wrdreg s6  }
0xf: {  	[dreg:$0x4] =	wrdreg s5;
	s5 =	sadd.s32 $0x43C00, s1;
	s6 =	smax.u32 s0, $0x1  }
0x10: {  	v2 =	vlaneseq.u32;
	s0 =	simm.s32 $0x1;
	s25 =	sadd.s32 $0x3600, s4;
	s26 =	sadd.s32 $0xBBA00, s4  }
0x11: {  	vm0 =	vmmov $0xffff;
	v1 =	vshrl.u32 v2, $0x3;
	s4 =	sadd.s32 $0x43B00, s1;
	s1 =	simm.s32 $0x80;
	[dreg:$0x3] =	wrdreg s25  }
0x12: {  	v0 =	vand.u32 $0x7, v2;
	v2 =	vor.u32 $0x8, v2;
	v1 =	vmul.u32 $0x8, v1;
	[dreg:$0x5] =	wrdreg s26;
	s25 =	simm.s32 $0x8080;
	s26 =	simm.s32 $0x8880  }
.LBB2_1:
0x13: {  	s9 =	rddreg [dreg:$0x2]  }
0x14: {  	[tilespmem:s2], [sflag:$0x2] =	stream.linear.gather [hbm4b:s9+s2], $0x40, $0x38;
	[tilespmem:$0xC080] =	vst v63  }
0x15: {  	_ =	swait.ge [sflag:s7], $0x40  }
0x16: {  	[sflag:s7] =	ssyncset.done $0x0  }
0x17: {  	[sflag:s7] =	ssyncadd.s32 $0xFFFFFFC0  }
0x18: {  	v3 =	vld [tilespmem:$0x0];
	_ =	sdelay $0x4  }
0x19: {  	v4 =	vshrl.u32 v3, $0x3  }
0x1a: {  	v4 =	vmul.u32 $0x30, v4  }
0x1b: {  	v3 =	vand.u32 $0x7, v3  }
0x1c: {  	v3 =	vor.u32 v3, v4  }
0x1d: {  	v4 =	vperm.xlane v3, v0;
	_ =	sdelay $0x1  }
0x1e: {  	v4 =	vadd.s32 v1, v4;
	_ =	sdelay $0x3  }
0x1f: {  	v3 =	vperm.xlane v3, v2  }
0x20: {  	[tilespmem:s1], [sflag:$0x1] =	stream.indirect_vreg.gather [hbm4b:s3+s2], $0x80, v4, vm0, $0xb8;
	[tilespmem:$0xC080] =	vst v63  }
0x21: {  	v3 =	vadd.s32 v1, v3  }
0x22: {  	[tilespmem:s10], [sflag:$0x1] =	stream.indirect_vreg.gather [hbm4b:s4+s2], $0x80, v4, vm0, $0xb8;
	[tilespmem:$0xC080] =	vst v63  }
0x23: {  	_ = 	snop  }
0x24: {  	[tilespmem:s11], [sflag:$0x1] =	stream.indirect_vreg.gather [hbm4b:s5+s2], $0x80, v4, vm0, $0xb8;
	[tilespmem:$0xC080] =	vst v63  }
0x25: {  	_ = 	snop  }
0x26: {  	[tilespmem:s12], [sflag:$0x1] =	stream.indirect_vreg.gather [hbm4b:s3+s2], $0x80, v3, vm0, $0xb8;
	[tilespmem:$0xC080] =	vst v63  }
0x27: {  	_ = 	snop  }
0x28: {  	[tilespmem:s13], [sflag:$0x1] =	stream.indirect_vreg.gather [hbm4b:s4+s2], $0x80, v3, vm0, $0xb8;
	[tilespmem:$0xC080] =	vst v63  }
0x29: {  	_ = 	snop  }
0x2a: {  	[tilespmem:s14], [sflag:$0x1] =	stream.indirect_vreg.gather [hbm4b:s5+s2], $0x80, v3, vm0, $0xb8;
	[tilespmem:$0xC080] =	vst v63  }
0x2b: {  	v3 =	vld [tilespmem:$0x10];
	_ =	sdelay $0x4  }
0x2c: {  	v57 =	vshrl.u32 v3, $0x3  }
0x2d: {  	v4 =	vmul.u32 $0x30, v57  }
0x2e: {  	v3 =	vand.u32 $0x7, v3  }
0x2f: {  	v3 =	vor.u32 v3, v4  }
0x30: {  	v4 =	vperm.xlane v3, v0;
	_ =	sdelay $0x1  }
0x31: {  	v4 =	vadd.s32 v1, v4;
	_ =	sdelay $0x3  }
0x32: {  	v3 =	vperm.xlane v3, v2  }
0x33: {  	[tilespmem:s15], [sflag:$0x1] =	stream.indirect_vreg.gather [hbm4b:s3+s2], $0x80, v4, vm0, $0xb8;
	[tilespmem:$0xC080] =	vst v63  }
0x34: {  	v3 =	vadd.s32 v1, v3  }
0x35: {  	[tilespmem:s16], [sflag:$0x1] =	stream.indirect_vreg.gather [hbm4b:s4+s2], $0x80, v4, vm0, $0xb8;
	[tilespmem:$0xC080] =	vst v63  }
0x36: {  	_ = 	snop  }
0x37: {  	[tilespmem:s17], [sflag:$0x1] =	stream.indirect_vreg.gather [hbm4b:s5+s2], $0x80, v4, vm0, $0xb8;
	[tilespmem:$0xC080] =	vst v63  }
0x38: {  	_ = 	snop  }
0x39: {  	[tilespmem:s18], [sflag:$0x1] =	stream.indirect_vreg.gather [hbm4b:s3+s2], $0x80, v3, vm0, $0xb8;
	[tilespmem:$0xC080] =	vst v63  }
0x3a: {  	_ = 	snop  }
0x3b: {  	[tilespmem:s19], [sflag:$0x1] =	stream.indirect_vreg.gather [hbm4b:s4+s2], $0x80, v3, vm0, $0xb8;
	[tilespmem:$0xC080] =	vst v63  }
0x3c: {  	_ = 	snop  }
0x3d: {  	[tilespmem:s20], [sflag:$0x1] =	stream.indirect_vreg.gather [hbm4b:s5+s2], $0x80, v3, vm0, $0xb8;
	[tilespmem:$0xC080] =	vst v63  }
0x3e: {  	v3 =	vld [tilespmem:$0x20];
	_ =	sdelay $0x4  }
0x3f: {  	v58 =	vshrl.u32 v3, $0x3  }
0x40: {  	v4 =	vmul.u32 $0x30, v58  }
0x41: {  	v3 =	vand.u32 $0x7, v3  }
0x42: {  	v3 =	vor.u32 v3, v4  }
0x43: {  	v4 =	vperm.xlane v3, v0;
	_ =	sdelay $0x1  }
0x44: {  	v4 =	vadd.s32 v1, v4;
	_ =	sdelay $0x3  }
0x45: {  	v3 =	vperm.xlane v3, v2  }
0x46: {  	[tilespmem:s21], [sflag:$0x1] =	stream.indirect_vreg.gather [hbm4b:s3+s2], $0x80, v4, vm0, $0xb8;
	[tilespmem:$0xC080] =	vst v63  }
0x47: {  	v3 =	vadd.s32 v1, v3  }
0x48: {  	[tilespmem:s22], [sflag:$0x1] =	stream.indirect_vreg.gather [hbm4b:s4+s2], $0x80, v4, vm0, $0xb8;
	[tilespmem:$0xC080] =	vst v63  }
0x49: {  	_ = 	snop  }
0x4a: {  	[tilespmem:s23], [sflag:$0x1] =	stream.indirect_vreg.gather [hbm4b:s5+s2], $0x80, v4, vm0, $0xb8;
	[tilespmem:$0xC080] =	vst v63  }
0x4b: {  	_ = 	snop  }
0x4c: {  	[tilespmem:s24], [sflag:$0x1] =	stream.indirect_vreg.gather [hbm4b:s3+s2], $0x80, v3, vm0, $0xb8;
	[tilespmem:$0xC080] =	vst v63  }
0x4d: {  	_ = 	snop  }
0x4e: {  	[tilespmem:s25], [sflag:$0x1] =	stream.indirect_vreg.gather [hbm4b:s4+s2], $0x80, v3, vm0, $0xb8;
	[tilespmem:$0xC080] =	vst v63  }
0x4f: {  	_ = 	snop  }
0x50: {  	[tilespmem:s26], [sflag:$0x1] =	stream.indirect_vreg.gather [hbm4b:s5+s2], $0x80, v3, vm0, $0xb8;
	[tilespmem:$0xC080] =	vst v63  }
0x51: {  	v3 =	vld [tilespmem:$0x30];
	_ =	sdelay $0x4  }
0x52: {  	v59 =	vshrl.u32 v3, $0x3  }
0x53: {  	v4 =	vmul.u32 $0x30, v59  }
0x54: {  	v3 =	vand.u32 $0x7, v3  }
0x55: {  	v3 =	vor.u32 v3, v4  }
0x56: {  	v4 =	vperm.xlane v3, v0;
	_ =	sdelay $0x1  }
0x57: {  	v4 =	vadd.s32 v1, v4;
	_ =	sdelay $0x3  }
0x58: {  	v3 =	vperm.xlane v3, v2  }
0x59: {  	[tilespmem:s28], [sflag:$0x1] =	stream.indirect_vreg.gather [hbm4b:s3+s2], $0x80, v4, vm0, $0xb8;
	[tilespmem:$0xC080] =	vst v63  }
0x5a: {  	v3 =	vadd.s32 v1, v3  }
0x5b: {  	[tilespmem:s29], [sflag:$0x1] =	stream.indirect_vreg.gather [hbm4b:s4+s2], $0x80, v4, vm0, $0xb8;
	[tilespmem:$0xC080] =	vst v63  }
0x5c: {  	_ = 	snop  }
0x5d: {  	[tilespmem:s30], [sflag:$0x1] =	stream.indirect_vreg.gather [hbm4b:s5+s2], $0x80, v4, vm0, $0xb8;
	[tilespmem:$0xC080] =	vst v63  }
0x5e: {  	_ = 	snop  }
0x5f: {  	[tilespmem:s31], [sflag:$0x1] =	stream.indirect_vreg.gather [hbm4b:s3+s2], $0x80, v3, vm0, $0xb8;
	[tilespmem:$0xC080] =	vst v63  }
0x60: {  	s8 =	simm.s32 $0xB080  }
0x61: {  	[tilespmem:s8], [sflag:$0x1] =	stream.indirect_vreg.gather [hbm4b:s4+s2], $0x80, v3, vm0, $0xb8;
	[tilespmem:$0xC080] =	vst v63  }
0x62: {  	s8 =	simm.s32 $0xB880  }
0x63: {  	[tilespmem:s8], [sflag:$0x1] =	stream.indirect_vreg.gather [hbm4b:s5+s2], $0x80, v3, vm0, $0xb8;
	[tilespmem:$0xC080] =	vst v63  }
0x64: {  	_ =	swait.ge [sflag:s0], $0xC000  }
0x65: {  	[sflag:s0] =	ssyncset.done $0x0  }
0x66: {  	s9 =	rddreg [dreg:$0x3];
	[sflag:s0] =	ssyncadd.s32 $0xFFFF4000  }
0x67: {  	[hbm4b:s9+s2] =	stream.linear.scatter [tilespmem:s1], [sflag:$0x2], $0xC000, $0x38;
	[tilespmem:$0xC080] =	vst v63  }
0x68: {  	_ =	swait.ge [sflag:s7], $0xC000  }
0x69: {  	[sflag:s7] =	ssyncset.done $0x0  }
0x6a: {  	s9 =	rddreg [dreg:$0x4];
	[sflag:s7] =	ssyncadd.s32 $0xFFFF4000  }
0x6b: {  	[tilespmem:s2], [sflag:$0x2] =	stream.linear.gather [hbm4b:s9+s2], $0x40, $0x38;
	[tilespmem:$0xC080] =	vst v63  }
0x6c: {  	_ =	swait.ge [sflag:s7], $0x40  }
0x6d: {  	[sflag:s7] =	ssyncset.done $0x0  }
0x6e: {  	[sflag:s7] =	ssyncadd.s32 $0xFFFFFFC0  }
0x6f: {  	v3 =	vld [tilespmem:$0x0];
	_ =	sdelay $0x4  }
0x70: {  	v60 =	vshrl.u32 v3, $0x3  }
0x71: {  	v4 =	vmul.u32 $0x30, v60  }
0x72: {  	v3 =	vand.u32 $0x7, v3  }
0x73: {  	v3 =	vor.u32 v3, v4  }
0x74: {  	v4 =	vperm.xlane v3, v0;
	_ =	sdelay $0x1  }
0x75: {  	v4 =	vadd.s32 v1, v4;
	_ =	sdelay $0x3  }
0x76: {  	v3 =	vperm.xlane v3, v2  }
0x77: {  	[tilespmem:s1], [sflag:$0x1] =	stream.indirect_vreg.gather [hbm4b:s3+s2], $0x80, v4, vm0, $0xb8;
	[tilespmem:$0xC080] =	vst v63  }
0x78: {  	v3 =	vadd.s32 v1, v3  }
0x79: {  	[tilespmem:s10], [sflag:$0x1] =	stream.indirect_vreg.gather [hbm4b:s4+s2], $0x80, v4, vm0, $0xb8;
	[tilespmem:$0xC080] =	vst v63  }
0x7a: {  	_ = 	snop  }
0x7b: {  	[tilespmem:s11], [sflag:$0x1] =	stream.indirect_vreg.gather [hbm4b:s5+s2], $0x80, v4, vm0, $0xb8;
	[tilespmem:$0xC080] =	vst v63  }
0x7c: {  	_ = 	snop  }
0x7d: {  	[tilespmem:s12], [sflag:$0x1] =	stream.indirect_vreg.gather [hbm4b:s3+s2], $0x80, v3, vm0, $0xb8;
	[tilespmem:$0xC080] =	vst v63  }
0x7e: {  	_ = 	snop  }
0x7f: {  	[tilespmem:s13], [sflag:$0x1] =	stream.indirect_vreg.gather [hbm4b:s4+s2], $0x80, v3, vm0, $0xb8;
	[tilespmem:$0xC080] =	vst v63  }
0x80: {  	_ = 	snop  }
0x81: {  	[tilespmem:s14], [sflag:$0x1] =	stream.indirect_vreg.gather [hbm4b:s5+s2], $0x80, v3, vm0, $0xb8;
	[tilespmem:$0xC080] =	vst v63  }
0x82: {  	v3 =	vld [tilespmem:$0x10];
	_ =	sdelay $0x4  }
0x83: {  	v61 =	vshrl.u32 v3, $0x3  }
0x84: {  	v4 =	vmul.u32 $0x30, v61  }
0x85: {  	v3 =	vand.u32 $0x7, v3  }
0x86: {  	v3 =	vor.u32 v3, v4  }
0x87: {  	v4 =	vperm.xlane v3, v0;
	_ =	sdelay $0x1  }
0x88: {  	v4 =	vadd.s32 v1, v4;
	_ =	sdelay $0x3  }
0x89: {  	v3 =	vperm.xlane v3, v2  }
0x8a: {  	[tilespmem:s15], [sflag:$0x1] =	stream.indirect_vreg.gather [hbm4b:s3+s2], $0x80, v4, vm0, $0xb8;
	[tilespmem:$0xC080] =	vst v63  }
0x8b: {  	v3 =	vadd.s32 v1, v3  }
0x8c: {  	[tilespmem:s16], [sflag:$0x1] =	stream.indirect_vreg.gather [hbm4b:s4+s2], $0x80, v4, vm0, $0xb8;
	[tilespmem:$0xC080] =	vst v63  }
0x8d: {  	_ = 	snop  }
0x8e: {  	[tilespmem:s17], [sflag:$0x1] =	stream.indirect_vreg.gather [hbm4b:s5+s2], $0x80, v4, vm0, $0xb8;
	[tilespmem:$0xC080] =	vst v63  }
0x8f: {  	_ = 	snop  }
0x90: {  	[tilespmem:s18], [sflag:$0x1] =	stream.indirect_vreg.gather [hbm4b:s3+s2], $0x80, v3, vm0, $0xb8;
	[tilespmem:$0xC080] =	vst v63  }
0x91: {  	_ = 	snop  }
0x92: {  	[tilespmem:s19], [sflag:$0x1] =	stream.indirect_vreg.gather [hbm4b:s4+s2], $0x80, v3, vm0, $0xb8;
	[tilespmem:$0xC080] =	vst v63  }
0x93: {  	_ = 	snop  }
0x94: {  	[tilespmem:s20], [sflag:$0x1] =	stream.indirect_vreg.gather [hbm4b:s5+s2], $0x80, v3, vm0, $0xb8;
	[tilespmem:$0xC080] =	vst v63  }
0x95: {  	v3 =	vld [tilespmem:$0x20];
	_ =	sdelay $0x4  }
0x96: {  	v62 =	vshrl.u32 v3, $0x3  }
0x97: {  	v4 =	vmul.u32 $0x30, v62  }
0x98: {  	v3 =	vand.u32 $0x7, v3  }
0x99: {  	v3 =	vor.u32 v3, v4  }
0x9a: {  	v4 =	vperm.xlane v3, v0;
	_ =	sdelay $0x1  }
0x9b: {  	v4 =	vadd.s32 v1, v4;
	_ =	sdelay $0x3  }
0x9c: {  	v3 =	vperm.xlane v3, v2  }
0x9d: {  	[tilespmem:s21], [sflag:$0x1] =	stream.indirect_vreg.gather [hbm4b:s3+s2], $0x80, v4, vm0, $0xb8;
	[tilespmem:$0xC080] =	vst v63  }
0x9e: {  	v3 =	vadd.s32 v1, v3  }
0x9f: {  	[tilespmem:s22], [sflag:$0x1] =	stream.indirect_vreg.gather [hbm4b:s4+s2], $0x80, v4, vm0, $0xb8;
	[tilespmem:$0xC080] =	vst v63  }
0xa0: {  	_ = 	snop  }
0xa1: {  	[tilespmem:s23], [sflag:$0x1] =	stream.indirect_vreg.gather [hbm4b:s5+s2], $0x80, v4, vm0, $0xb8;
	[tilespmem:$0xC080] =	vst v63  }
0xa2: {  	_ = 	snop  }
0xa3: {  	[tilespmem:s24], [sflag:$0x1] =	stream.indirect_vreg.gather [hbm4b:s3+s2], $0x80, v3, vm0, $0xb8;
	[tilespmem:$0xC080] =	vst v63  }
0xa4: {  	_ = 	snop  }
0xa5: {  	[tilespmem:s25], [sflag:$0x1] =	stream.indirect_vreg.gather [hbm4b:s4+s2], $0x80, v3, vm0, $0xb8;
	[tilespmem:$0xC080] =	vst v63  }
0xa6: {  	_ = 	snop  }
0xa7: {  	[tilespmem:s26], [sflag:$0x1] =	stream.indirect_vreg.gather [hbm4b:s5+s2], $0x80, v3, vm0, $0xb8;
	[tilespmem:$0xC080] =	vst v63  }
0xa8: {  	v3 =	vld [tilespmem:$0x30];
	_ =	sdelay $0x4  }
0xa9: {  	v63 =	vshrl.u32 v3, $0x3  }
0xaa: {  	v4 =	vmul.u32 $0x30, v63  }
0xab: {  	v3 =	vand.u32 $0x7, v3  }
0xac: {  	v3 =	vor.u32 v3, v4  }
0xad: {  	v4 =	vperm.xlane v3, v0;
	_ =	sdelay $0x1  }
0xae: {  	v4 =	vadd.s32 v1, v4;
	_ =	sdelay $0x3  }
0xaf: {  	v3 =	vperm.xlane v3, v2  }
0xb0: {  	[tilespmem:s28], [sflag:$0x1] =	stream.indirect_vreg.gather [hbm4b:s3+s2], $0x80, v4, vm0, $0xb8;
	[tilespmem:$0xC080] =	vst v63  }
0xb1: {  	v3 =	vadd.s32 v1, v3  }
0xb2: {  	[tilespmem:s29], [sflag:$0x1] =	stream.indirect_vreg.gather [hbm4b:s4+s2], $0x80, v4, vm0, $0xb8;
	[tilespmem:$0xC080] =	vst v63  }
0xb3: {  	_ = 	snop  }
0xb4: {  	[tilespmem:s30], [sflag:$0x1] =	stream.indirect_vreg.gather [hbm4b:s5+s2], $0x80, v4, vm0, $0xb8;
	[tilespmem:$0xC080] =	vst v63  }
0xb5: {  	_ = 	snop  }
0xb6: {  	[tilespmem:s31], [sflag:$0x1] =	stream.indirect_vreg.gather [hbm4b:s3+s2], $0x80, v3, vm0, $0xb8;
	[tilespmem:$0xC080] =	vst v63  }
0xb7: {  	s9 =	simm.s32 $0xB080  }
0xb8: {  	[tilespmem:s9], [sflag:$0x1] =	stream.indirect_vreg.gather [hbm4b:s4+s2], $0x80, v3, vm0, $0xb8;
	[tilespmem:$0xC080] =	vst v63  }
0xb9: {  	_ = 	snop  }
0xba: {  	[tilespmem:s8], [sflag:$0x1] =	stream.indirect_vreg.gather [hbm4b:s5+s2], $0x80, v3, vm0, $0xb8;
	[tilespmem:$0xC080] =	vst v63  }
0xbb: {  	_ =	swait.ge [sflag:s0], $0xC000  }
0xbc: {  	p0 =	sne.s32 s6, $0x1;
	[sflag:s0] =	ssyncset.done $0x0  }
.Ltmp0:
0xbd: {  	s8 =	rddreg [dreg:$0x5];
	[sflag:s0] =	ssyncadd.s32 $0xFFFF4000;
	(pc) =	sbr.rel @p0 .LBB2_1-.Ltmp0, $4  }
0xbe: {  	[hbm4b:s8+s2] =	stream.linear.scatter [tilespmem:s1], [sflag:$0x2], $0xC000, $0x38;
	[tilespmem:$0xC080] =	vst v63  }
0xbf: {  	_ =	swait.ge [sflag:s7], $0xC000  }
0xc0: {  	[sflag:s7] =	ssyncset.done $0x0  }
0xc1: {  	s6 =	sadd.s32 $0xFFFFFFFF, s6;
	[sflag:s7] =	ssyncadd.s32 $0xFFFF4000  }
0xc2: {  	_ =	sfence.sel $0x180000  }
0xc3: {  	[bflag:$0x0] =	sbarrier.arrive $0xFFFF  }
0xc4: {  	_ =	strace $0x9000004D  }
0xc5: {  	s0 =	stileid.u32;
	[bflag:$0x2] =	sbarrier.arrive $0xFFFF  }
0xc6: {  	p0 =	sne.s32 s0, $0x0;
	s0 =	rddreg [dreg:$0x1]  }
0xc7: {  	s0 =	sadd.s32 @!p0 $0x100000, s0  }
0xc8: {  	[sflag:s0] =	ssyncadd.tile.s32 @!p0 $0x1;
	_ =	shalt  }
.Lfunc_end2:
_tile_overlayer_lowered:
.L_overlay_start_2:
0xc9: {  	(tag) =	ssettag $0x2  }
0xca: {  	s0 =	rddreg [dreg:$0x0];
	s2 =	stileid.u32  }
0xcb: {  	s1 =	rddreg [dreg:$0x1];
	p0 =	sne.s32 s2, $0x0  }
0xcc: {  	s3 =	rddreg [dreg:$0x2];
	[bflag:$0x3] =	sbarrier.arrive $0xFFFF;
	s2 =	simm.s32 @!p0 $0x1C02  }
0xcd: {  	[timem:s3], [sflag:s2] =	dma.local @!p0 [hbm:s0], s1  }
0xce: {  	s0 =	simm.s32 @!p0 $0x2  }
0xcf: {  	_ =	swait.ge @!p0 [sflag:s0], s1  }
0xd0: {  	s1 =	ssub.s32 @!p0 $0x0, s1;
	[sflag:s0] =	ssyncset.done @!p0 $0x0  }
0xd1: {  	[sflag:s0] =	ssyncadd.s32 @!p0 s1  }
0xd2: {  	[bflag:$0x3] =	sbarrier.arrive $0xFFFF  }
0xd3: {  	_ =	shalt  }

</sc_bundles>
